<compile_context>
chip_gen: v7x
topology: tpu7x:2x2x1
jax: 0.10.2.dev20260603
libtpu: 0.0.44.dev20260713+nightly
codegen_flags: <defaults>
</compile_context>

<pallas_src>
import dataclasses
import functools

import jax
import jax.numpy as jnp
from jax import lax
from jax.experimental import pallas as pl
from jax.experimental.pallas import tpu as pltpu
from jax.experimental.pallas import tpu_sc as plsc

N_NODES = 10000
N_EDGES = 320000
D_FEAT = 128
D = 64
N_GRAPHS = 64

_PREC = jax.lax.Precision.HIGHEST


def _mm(a, b):
    return jax.lax.dot_general(a, b, (((1,), (0,)), ((), ())),
                               preferred_element_type=jnp.float32,
                               precision=_PREC)


def _mm_bf16(a, b):
    return jax.lax.dot_general(a.astype(jnp.bfloat16), b.astype(jnp.bfloat16),
                               (((1,), (0,)), ((), ())),
                               preferred_element_type=jnp.float32,
                               precision=jax.lax.Precision.DEFAULT)


def _pre_mlp_body(x_ref, w_refs, o_ref):
    h = x_ref[...]
    for i in range(0, len(w_refs), 2):
        W = w_refs[i][...]
        b = w_refs[i + 1][...]
        h = jnp.maximum(_mm_bf16(h, W) + b, 0.0)
    o_ref[...] = h


def _pre_mlp(x, weights):
    n = len(weights)
    body = lambda *refs: _pre_mlp_body(refs[0], refs[1:n + 1], refs[n + 1])
    return pl.pallas_call(
        body,
        out_shape=jax.ShapeDtypeStruct((N_NODES, D), jnp.float32),
    )(x, *weights)


def _bn(h, g, b):
    m = jnp.mean(h, axis=0, keepdims=True)
    v = jnp.mean((h - m) ** 2, axis=0, keepdims=True)
    return g * (h - m) / jnp.sqrt(v + 1e-5) + b


def _gin_mlp_body(a0_ref, a1_ref, W1_ref, b1_ref, g1_ref, be1_ref,
                  W2_ref, b2_ref, g2_ref, be2_ref, o_ref):
    aggr = a0_ref[...] + a1_ref[...]
    t = _mm_bf16(aggr, W1_ref[...]) + b1_ref[...]
    t = jnp.maximum(_bn(t, g1_ref[...], be1_ref[...]), 0.0)
    u = _mm_bf16(t, W2_ref[...]) + b2_ref[...]
    o_ref[...] = jnp.maximum(_bn(u, g2_ref[...], be2_ref[...]), 0.0)


def _gin_mlp(a0, a1, params):
    return pl.pallas_call(
        _gin_mlp_body,
        out_shape=jax.ShapeDtypeStruct((N_NODES, D), jnp.float32),
    )(a0, a1, *params)


def _final_body(batch_ref, *refs):
    hs = [refs[i][...] for i in range(6)]
    w = refs[6:-1]
    o_ref = refs[-1]
    gid = jax.lax.broadcasted_iota(jnp.int32, (N_GRAPHS, N_NODES), 0)
    onehot = jnp.where(batch_ref[...][None, :] == gid, 1.0, 0.0)
    pooled = [_mm(onehot, h) for h in hs]
    hc = jnp.concatenate(pooled, axis=1)
    for i in range(0, len(w), 2):
        hc = _mm_bf16(hc, w[i][...]) + w[i + 1][...]
        if i + 2 < len(w):
            hc = jnp.maximum(hc, 0.0)
    o_ref[...] = hc


def _final(batch, hs, post_w):
    return pl.pallas_call(
        _final_body,
        out_shape=jax.ShapeDtypeStruct((N_GRAPHS, 128), jnp.float32),
    )(batch, *hs, *post_w)


_NC = 2
_NS = 16
_NW = _NC * _NS
_EPW = N_EDGES // _NW
_WIN = 100
_NWIN = _EPW // _WIN
_RPS = 624
_RPS_LAST = N_NODES - (_NS - 1) * _RPS


def _aggr_body(h_hbm, src_hbm, dst_hbm, w_hbm, zero_hbm, out_hbm,
               src_all, dst_all, w_all, rin0, rin1, rout0, rout1,
               aggr_sh, gs0, gs1, ss0, ss1):
    cid = lax.axis_index("c")
    sid = lax.axis_index("s")
    wid = cid * _NS + sid

    @pl.when(sid < _NS - 1)
    def _():
        pltpu.sync_copy(zero_hbm.at[pl.ds(0, _RPS)],
                        aggr_sh.at[pl.ds(sid * _RPS, _RPS)])

    @pl.when(sid == _NS - 1)
    def _():
        pltpu.sync_copy(zero_hbm, aggr_sh.at[pl.ds((_NS - 1) * _RPS, _RPS_LAST)])

    r0 = wid * _NWIN
    pltpu.sync_copy(src_hbm.at[pl.ds(r0, _NWIN)], src_all)
    pltpu.sync_copy(dst_hbm.at[pl.ds(r0, _NWIN)], dst_all)
    pltpu.sync_copy(w_hbm.at[pl.ds(r0, _NWIN)], w_all)
    plsc.subcore_barrier()

    rins = (rin0, rin1)
    routs = (rout0, rout1)
    gsems = (gs0, gs1)
    ssems = (ss0, ss1)

    pltpu.async_copy(h_hbm.at[src_all.at[0]], rin0, gs0)
    pltpu.async_copy(h_hbm.at[src_all.at[1]], rin1, gs1)

    @pl.loop(0, _NWIN, step=2)
    def _win(i):
        for b in range(2):
            j = i + b
            rin, rout = rins[b], routs[b]
            pltpu.make_async_copy(h_hbm.at[src_all.at[j]], rin, gsems[b]).wait()

            @pl.when(j >= 2)
            def _():
                pltpu.make_async_copy(
                    rout, aggr_sh.at[dst_all.at[j]], ssems[b]).wait()

            @pl.loop(0, _WIN, step=20)
            def _blk(c):
                for eo in range(20):
                    e = c + eo
                    wb = plsc.load_gather(
                        w_all, [jnp.full((16,), j, jnp.int32),
                                jnp.full((16,), e, jnp.int32)])
                    for k in range(4):
                        sl = pl.ds(16 * k, 16)
                        rout[e, sl] = rin[e, sl] * wb

            @pl.when(j + 2 < _NWIN)
            def _():
                pltpu.async_copy(h_hbm.at[src_all.at[j + 2]], rin, gsems[b])

            pltpu.async_copy(rout, aggr_sh.at[dst_all.at[j]], ssems[b],
                             add=True)

    pltpu.make_async_copy(rout0, aggr_sh.at[dst_all.at[_NWIN - 2]], ss0).wait()
    pltpu.make_async_copy(rout1, aggr_sh.at[dst_all.at[_NWIN - 1]], ss1).wait()
    plsc.subcore_barrier()

    @pl.when(sid < _NS - 1)
    def _():
        pltpu.sync_copy(aggr_sh.at[pl.ds(sid * _RPS, _RPS)],
                        out_hbm.at[cid, pl.ds(sid * _RPS, _RPS)])

    @pl.when(sid == _NS - 1)
    def _():
        pltpu.sync_copy(aggr_sh.at[pl.ds((_NS - 1) * _RPS, _RPS_LAST)],
                        out_hbm.at[cid, pl.ds((_NS - 1) * _RPS, _RPS_LAST)])


def _sc_compiler_params():
    cp = pltpu.CompilerParams()
    cp = dataclasses.replace(cp, needs_layout_passes=False,
                             use_tc_tiling_on_sc=False)
    return cp


@jax.jit
def _aggregate_sc(x, src, dst, w, zero):
    kern = pl.kernel(
        _aggr_body,
        compiler_params=_sc_compiler_params(),
        out_type=jax.ShapeDtypeStruct((_NC, N_NODES, D), jnp.float32),
        mesh=plsc.VectorSubcoreMesh(core_axis_name="c", subcore_axis_name="s"),
        scratch_types=[
            pltpu.VMEM((_NWIN, _WIN), jnp.int32),
            pltpu.VMEM((_NWIN, _WIN), jnp.int32),
            pltpu.VMEM((_NWIN, _WIN), jnp.float32),
            pltpu.VMEM((_WIN, D), jnp.float32),
            pltpu.VMEM((_WIN, D), jnp.float32),
            pltpu.VMEM((_WIN, D), jnp.float32),
            pltpu.VMEM((_WIN, D), jnp.float32),
            pltpu.VMEM_SHARED((N_NODES, D), jnp.float32),
            pltpu.SemaphoreType.DMA,
            pltpu.SemaphoreType.DMA,
            pltpu.SemaphoreType.DMA,
            pltpu.SemaphoreType.DMA,
        ],
    )
    return kern(x, src.reshape(_NW * _NWIN, _WIN), dst.reshape(_NW * _NWIN, _WIN),
                w.reshape(_NW * _NWIN, _WIN), zero)


def _aggregate(x, src, dst, w, zero):
    parts = _aggregate_sc(x, src, dst, w, zero)
    return parts[0], parts[1]


def kernel(x, edge_indices, edge_weights, batch, pre_params, graph_params, post_params):
    src = edge_indices[0]
    dst = edge_indices[1]

    pre_w = []
    for (W1, b1), (W2, b2) in pre_params:
        pre_w += [W1, b1.reshape(1, -1), W2, b2.reshape(1, -1)]
    h = _pre_mlp(x, pre_w)

    zero = jnp.zeros((_RPS_LAST, D), jnp.float32)
    hs = []
    for (W1, b1), (g1, be1), (W2, b2), (g2, be2) in graph_params:
        a0, a1 = _aggregate(h, src, dst, edge_weights, zero)
        params = [W1, b1.reshape(1, -1), g1.reshape(1, -1), be1.reshape(1, -1),
                  W2, b2.reshape(1, -1), g2.reshape(1, -1), be2.reshape(1, -1)]
        h = _gin_mlp(a0, a1, params)
        hs.append(h)

    (W1, b1), (W2, b2) = post_params[0]
    (W3, b3), (W4, b4) = post_params[1]
    (W5, b5), (W6, b6) = post_params[2]
    W6p = jnp.pad(W6, ((0, 0), (0, 127)))
    b6p = jnp.pad(b6, ((0, 127)))
    post_w = [W1, b1.reshape(1, -1), W2, b2.reshape(1, -1),
              W3, b3.reshape(1, -1), W4, b4.reshape(1, -1),
              W5, b5.reshape(1, -1), W6p, b6p.reshape(1, -1)]
    out = _final(batch, hs, post_w)
    return out[:, :1]

# --- scband reference (transcript-rebuilt; emitter-appended) ---
"""Pipeline reference for scband-graph-isomorphism-network-24816321036833 (READ-ONLY COPY).

The authoritative reference and input builder live on the scoring server;
editing this copy changes nothing except your own understanding.
"""

import jax, jax.numpy as jnp
import numpy as np

N_NODES = 10000
N_EDGES = 320000
D_FEAT = 128
D = 64
N_GRAPHS = 64


def _lin(key, fan_in, fan_out):
    k1, k2 = jax.random.split(key)
    s = 1.0 / np.sqrt(fan_in)
    W = jax.random.uniform(k1, (fan_in, fan_out), minval=-s, maxval=s, dtype=jnp.float32)
    b = jax.random.uniform(k2, (fan_out,), minval=-s, maxval=s, dtype=jnp.float32)
    return (W, b)


def setup_inputs(seed: int = 0) -> dict:
    key = jax.random.key(seed)
    x = jax.random.normal(jax.random.fold_in(key, 1), (N_NODES, D_FEAT), dtype=jnp.float32)
    edge_indices = jax.random.randint(jax.random.fold_in(key, 2), (2, N_EDGES), 0, N_NODES).astype(jnp.int32)
    edge_weights = jax.random.uniform(jax.random.fold_in(key, 3), (N_EDGES,), dtype=jnp.float32)
    batch = jnp.sort(jax.random.randint(jax.random.fold_in(key, 4), (N_NODES,), 0, N_GRAPHS)).astype(jnp.int32)

    pre_params = []
    for i in range(3):
        din = D_FEAT if i == 0 else D
        k = jax.random.fold_in(key, 10 + i)
        ka, kb = jax.random.split(k)
        pre_params.append((_lin(ka, din, D), _lin(kb, D, D)))

    graph_params = []
    for i in range(6):
        k = jax.random.fold_in(key, 100 + i)
        ka, kb = jax.random.split(k)
        graph_params.append((
            _lin(ka, D, D), (jnp.ones((D,), jnp.float32), jnp.zeros((D,), jnp.float32)),
            _lin(kb, D, D), (jnp.ones((D,), jnp.float32), jnp.zeros((D,), jnp.float32)),
        ))

    post_params = []
    k = jax.random.fold_in(key, 200)
    ka, kb = jax.random.split(k)
    post_params.append((_lin(ka, 6 * D, D), _lin(kb, D, D)))
    k = jax.random.fold_in(key, 201)
    ka, kb = jax.random.split(k)
    post_params.append((_lin(ka, D, D), _lin(kb, D, D)))
    k = jax.random.fold_in(key, 202)
    ka, kb = jax.random.split(k)
    post_params.append((_lin(ka, D, D), _lin(kb, D, 1)))

    return {"x": x, "edge_indices": edge_indices, "edge_weights": edge_weights,
            "batch": batch, "pre_params": pre_params, "graph_params": graph_params,
            "post_params": post_params}


def reference(x, edge_indices, edge_weights, batch, pre_params, graph_params, post_params):
    def bn(h, g, b):
        m = jnp.mean(h, axis=0)
        v = jnp.mean((h - m) ** 2, axis=0)
        return g * (h - m) / jnp.sqrt(v + 1e-5) + b

    # pre-MLP (dropout is a no-op in this deterministic reference)
    for (W1, b1), (W2, b2) in pre_params:
        x = jax.nn.relu(x @ W1 + b1)
        x = jax.nn.relu(x @ W2 + b2)

    src = edge_indices[0]
    dst = edge_indices[1]
    hs = []
    for (W1, b1), (g1, be1), (W2, b2), (g2, be2) in graph_params:
        msg = edge_weights[:, None] * jnp.take(x, src, axis=0)
        aggr = jax.ops.segment_sum(msg, dst, num_segments=N_NODES)
        h = jax.nn.relu(bn(aggr @ W1 + b1, g1, be1))
        h = jax.nn.relu(bn(h @ W2 + b2, g2, be2))
        x = h
        hs.append(h)

    pooled = [jax.ops.segment_sum(h, batch, num_segments=N_GRAPHS) for h in hs]
    hc = jnp.concatenate(pooled, axis=1)

    (W1, b1), (W2, b2) = post_params[0]
    hc = jax.nn.relu(hc @ W1 + b1)
    hc = jax.nn.relu(hc @ W2 + b2)
    (W1, b1), (W2, b2) = post_params[1]
    hc = jax.nn.relu(hc @ W1 + b1)
    hc = jax.nn.relu(hc @ W2 + b2)
    (W1, b1), (W2, b2) = post_params[2]
    hc = jax.nn.relu(hc @ W1 + b1)
    hc = hc @ W2 + b2
    return hc

if __name__ == "__main__":
    import jax
    _d = setup_inputs()
    print(jax.jit(kernel)(*tuple(_d.values())))

</pallas_src>

<mosaic_0001>
#map = affine_map<(d0, d1) -> (0, 0)>
#map1 = affine_map<(d0, d1) -> (0, 0, 0)>
module attributes {stable_mosaic.version = 14 : i64} {
  func.func @_aggr_body(%arg0: i32, %arg1: i32, %arg2: memref<10000x64xf32, #tpu.memory_space<hbm>>, %arg3: memref<3200x100xi32, #tpu.memory_space<hbm>>, %arg4: memref<3200x100xi32, #tpu.memory_space<hbm>>, %arg5: memref<3200x100xf32, #tpu.memory_space<hbm>>, %arg6: memref<640x64xf32, #tpu.memory_space<hbm>>, %arg7: memref<2x10000x64xf32, #tpu.memory_space<hbm>>, %arg8: memref<100x100xi32, #tpu.memory_space<vmem>>, %arg9: memref<100x100xi32, #tpu.memory_space<vmem>>, %arg10: memref<100x100xf32, #tpu.memory_space<vmem>>, %arg11: memref<100x64xf32, #tpu.memory_space<vmem>>, %arg12: memref<100x64xf32, #tpu.memory_space<vmem>>, %arg13: memref<100x64xf32, #tpu.memory_space<vmem>>, %arg14: memref<100x64xf32, #tpu.memory_space<vmem>>, %arg15: memref<10000x64xf32, #tpu.memory_space<vmem_shared>>, %arg16: memref<!tpu.dma_semaphore, #tpu.memory_space<semaphore_mem>>, %arg17: memref<!tpu.dma_semaphore, #tpu.memory_space<semaphore_mem>>, %arg18: memref<!tpu.dma_semaphore, #tpu.memory_space<semaphore_mem>>, %arg19: memref<!tpu.dma_semaphore, #tpu.memory_space<semaphore_mem>>) attributes {dimension_semantics = [#tpu.dimension_semantics<core_parallel>, #tpu.dimension_semantics<subcore_parallel>], iteration_bounds = array<i64: 2, 16>, scalar_prefetch = 0 : i64, scratch_operands = 12 : i64, tpu.core_type = #tpu.core_type<sc_vector_subcore>, window_params = [{transform_indices = #map}, {transform_indices = #map}, {transform_indices = #map}, {transform_indices = #map}, {transform_indices = #map}, {transform_indices = #map1}]} {
    %mul3A = arith.constant 16 : i32
    %mul3A_0 = arith.muli %arg0, %mul3A : i32
    %add3A = arith.addi %mul3A_0, %arg1 : i32
    %lt3A = arith.constant 15 : i32
    %lt3A_1 = arith.cmpi slt, %arg1, %lt3A : i32
    %convert_element_type3A = arith.extui %lt3A_1 : i1 to i32
    %cond3A = arith.constant 0 : i32
    %cond3A_2 = arith.cmpi ne, %convert_element_type3A, %cond3A : i32
    scf.if %cond3A_2 {
      %mul3A_50 = arith.constant 624 : i32
      %mul3A_51 = arith.muli %arg1, %mul3A_50 : i32
      "tpu.region"() ({
        %run_scoped3A = tpu.sem_alloc : memref<!tpu.dma_semaphore, #tpu.memory_space<semaphore_mem>>
        %dma_start3A_52 = arith.constant 0 : i32
        %dma_start3A_53 = tpu.memref_slice %arg15[%mul3A_51, %dma_start3A_52] : memref<10000x64xf32, #tpu.memory_space<vmem_shared>> -> memref<624x64xf32, #tpu.memory_space<vmem_shared>>
        %dma_start3A_54 = arith.constant 0 : i32
        %dma_start3A_55 = arith.constant 0 : i32
        %dma_start3A_56 = tpu.memref_slice %arg6[%dma_start3A_54, %dma_start3A_55] : memref<640x64xf32, #tpu.memory_space<hbm>> -> memref<624x64xf32, #tpu.memory_space<hbm>>
        tpu.enqueue_dma source(%dma_start3A_56 : memref<624x64xf32, #tpu.memory_space<hbm>>) target(%dma_start3A_53 : memref<624x64xf32, #tpu.memory_space<vmem_shared>>) target_semaphore(%run_scoped3A : memref<!tpu.dma_semaphore, #tpu.memory_space<semaphore_mem>>)
        %dma_wait3A_57 = arith.constant 0 : i32
        %dma_wait3A_58 = tpu.memref_slice %arg15[%mul3A_51, %dma_wait3A_57] : memref<10000x64xf32, #tpu.memory_space<vmem_shared>> -> memref<624x64xf32, #tpu.memory_space<vmem_shared>>
        %dma_wait3A_59 = arith.constant 0 : i32
        %dma_wait3A_60 = arith.constant 0 : i32
        %dma_wait3A_61 = tpu.memref_slice %arg6[%dma_wait3A_59, %dma_wait3A_60] : memref<640x64xf32, #tpu.memory_space<hbm>> -> memref<624x64xf32, #tpu.memory_space<hbm>>
        tpu.wait_dma2 semaphore(%run_scoped3A : memref<!tpu.dma_semaphore, #tpu.memory_space<semaphore_mem>>) src(%dma_wait3A_61 : memref<624x64xf32, #tpu.memory_space<hbm>>) dst(%dma_wait3A_58 : memref<624x64xf32, #tpu.memory_space<vmem_shared>>)
        tpu.yield
      }) : () -> ()
    } else {
    }
    %eq3A = arith.constant 15 : i32
    %eq3A_3 = arith.cmpi eq, %arg1, %eq3A : i32
    %convert_element_type3A_4 = arith.extui %eq3A_3 : i1 to i32
    %cond3A_5 = arith.constant 0 : i32
    %cond3A_6 = arith.cmpi ne, %convert_element_type3A_4, %cond3A_5 : i32
    scf.if %cond3A_6 {
      "tpu.region"() ({
        %run_scoped3A = tpu.sem_alloc : memref<!tpu.dma_semaphore, #tpu.memory_space<semaphore_mem>>
        %dma_start3A_50 = arith.constant 9360 : i32
        %dma_start3A_51 = arith.constant 0 : i32
        %dma_start3A_52 = tpu.memref_slice %arg15[%dma_start3A_50, %dma_start3A_51] : memref<10000x64xf32, #tpu.memory_space<vmem_shared>> -> memref<640x64xf32, #tpu.memory_space<vmem_shared>>
        tpu.enqueue_dma source(%arg6 : memref<640x64xf32, #tpu.memory_space<hbm>>) target(%dma_start3A_52 : memref<640x64xf32, #tpu.memory_space<vmem_shared>>) target_semaphore(%run_scoped3A : memref<!tpu.dma_semaphore, #tpu.memory_space<semaphore_mem>>)
        %dma_wait3A_53 = arith.constant 9360 : i32
        %dma_wait3A_54 = arith.constant 0 : i32
        %dma_wait3A_55 = tpu.memref_slice %arg15[%dma_wait3A_53, %dma_wait3A_54] : memref<10000x64xf32, #tpu.memory_space<vmem_shared>> -> memref<640x64xf32, #tpu.memory_space<vmem_shared>>
        tpu.wait_dma2 semaphore(%run_scoped3A : memref<!tpu.dma_semaphore, #tpu.memory_space<semaphore_mem>>) src(%arg6 : memref<640x64xf32, #tpu.memory_space<hbm>>) dst(%dma_wait3A_55 : memref<640x64xf32, #tpu.memory_space<vmem_shared>>)
        tpu.yield
      }) : () -> ()
    } else {
    }
    %mul3A_7 = arith.constant 100 : i32
    %mul3A_8 = arith.muli %add3A, %mul3A_7 : i32
    "tpu.region"() ({
      %run_scoped3A = tpu.sem_alloc : memref<!tpu.dma_semaphore, #tpu.memory_space<semaphore_mem>>
      %dma_start3A_50 = arith.constant 0 : i32
      %dma_start3A_51 = tpu.memref_slice %arg3[%mul3A_8, %dma_start3A_50] : memref<3200x100xi32, #tpu.memory_space<hbm>> -> memref<100x100xi32, #tpu.memory_space<hbm>>
      %dma_start3A_52 = arith.constant 0 : i32
      %dma_start3A_53 = tpu.memref_slice %arg3[%mul3A_8, %dma_start3A_52] : memref<3200x100xi32, #tpu.memory_space<hbm>> -> memref<100x100xi32, #tpu.memory_space<hbm>>
      tpu.enqueue_dma source(%dma_start3A_53 : memref<100x100xi32, #tpu.memory_space<hbm>>) target(%arg8 : memref<100x100xi32, #tpu.memory_space<vmem>>) target_semaphore(%run_scoped3A : memref<!tpu.dma_semaphore, #tpu.memory_space<semaphore_mem>>)
      %dma_wait3A_54 = arith.constant 0 : i32
      %dma_wait3A_55 = tpu.memref_slice %arg3[%mul3A_8, %dma_wait3A_54] : memref<3200x100xi32, #tpu.memory_space<hbm>> -> memref<100x100xi32, #tpu.memory_space<hbm>>
      %dma_wait3A_56 = arith.constant 0 : i32
      %dma_wait3A_57 = tpu.memref_slice %arg3[%mul3A_8, %dma_wait3A_56] : memref<3200x100xi32, #tpu.memory_space<hbm>> -> memref<100x100xi32, #tpu.memory_space<hbm>>
      tpu.wait_dma2 semaphore(%run_scoped3A : memref<!tpu.dma_semaphore, #tpu.memory_space<semaphore_mem>>) src(%dma_wait3A_57 : memref<100x100xi32, #tpu.memory_space<hbm>>) dst(%arg8 : memref<100x100xi32, #tpu.memory_space<vmem>>)
      tpu.yield
    }) : () -> ()
    "tpu.region"() ({
      %run_scoped3A = tpu.sem_alloc : memref<!tpu.dma_semaphore, #tpu.memory_space<semaphore_mem>>
      %dma_start3A_50 = arith.constant 0 : i32
      %dma_start3A_51 = tpu.memref_slice %arg4[%mul3A_8, %dma_start3A_50] : memref<3200x100xi32, #tpu.memory_space<hbm>> -> memref<100x100xi32, #tpu.memory_space<hbm>>
      %dma_start3A_52 = arith.constant 0 : i32
      %dma_start3A_53 = tpu.memref_slice %arg4[%mul3A_8, %dma_start3A_52] : memref<3200x100xi32, #tpu.memory_space<hbm>> -> memref<100x100xi32, #tpu.memory_space<hbm>>
      tpu.enqueue_dma source(%dma_start3A_53 : memref<100x100xi32, #tpu.memory_space<hbm>>) target(%arg9 : memref<100x100xi32, #tpu.memory_space<vmem>>) target_semaphore(%run_scoped3A : memref<!tpu.dma_semaphore, #tpu.memory_space<semaphore_mem>>)
      %dma_wait3A_54 = arith.constant 0 : i32
      %dma_wait3A_55 = tpu.memref_slice %arg4[%mul3A_8, %dma_wait3A_54] : memref<3200x100xi32, #tpu.memory_space<hbm>> -> memref<100x100xi32, #tpu.memory_space<hbm>>
      %dma_wait3A_56 = arith.constant 0 : i32
      %dma_wait3A_57 = tpu.memref_slice %arg4[%mul3A_8, %dma_wait3A_56] : memref<3200x100xi32, #tpu.memory_space<hbm>> -> memref<100x100xi32, #tpu.memory_space<hbm>>
      tpu.wait_dma2 semaphore(%run_scoped3A : memref<!tpu.dma_semaphore, #tpu.memory_space<semaphore_mem>>) src(%dma_wait3A_57 : memref<100x100xi32, #tpu.memory_space<hbm>>) dst(%arg9 : memref<100x100xi32, #tpu.memory_space<vmem>>)
      tpu.yield
    }) : () -> ()
    "tpu.region"() ({
      %run_scoped3A = tpu.sem_alloc : memref<!tpu.dma_semaphore, #tpu.memory_space<semaphore_mem>>
      %dma_start3A_50 = arith.constant 0 : i32
      %dma_start3A_51 = tpu.memref_slice %arg5[%mul3A_8, %dma_start3A_50] : memref<3200x100xf32, #tpu.memory_space<hbm>> -> memref<100x100xf32, #tpu.memory_space<hbm>>
      %dma_start3A_52 = arith.constant 0 : i32
      %dma_start3A_53 = tpu.memref_slice %arg5[%mul3A_8, %dma_start3A_52] : memref<3200x100xf32, #tpu.memory_space<hbm>> -> memref<100x100xf32, #tpu.memory_space<hbm>>
      tpu.enqueue_dma source(%dma_start3A_53 : memref<100x100xf32, #tpu.memory_space<hbm>>) target(%arg10 : memref<100x100xf32, #tpu.memory_space<vmem>>) target_semaphore(%run_scoped3A : memref<!tpu.dma_semaphore, #tpu.memory_space<semaphore_mem>>)
      %dma_wait3A_54 = arith.constant 0 : i32
      %dma_wait3A_55 = tpu.memref_slice %arg5[%mul3A_8, %dma_wait3A_54] : memref<3200x100xf32, #tpu.memory_space<hbm>> -> memref<100x100xf32, #tpu.memory_space<hbm>>
      %dma_wait3A_56 = arith.constant 0 : i32
      %dma_wait3A_57 = tpu.memref_slice %arg5[%mul3A_8, %dma_wait3A_56] : memref<3200x100xf32, #tpu.memory_space<hbm>> -> memref<100x100xf32, #tpu.memory_space<hbm>>
      tpu.wait_dma2 semaphore(%run_scoped3A : memref<!tpu.dma_semaphore, #tpu.memory_space<semaphore_mem>>) src(%dma_wait3A_57 : memref<100x100xf32, #tpu.memory_space<hbm>>) dst(%arg10 : memref<100x100xf32, #tpu.memory_space<vmem>>)
      tpu.yield
    }) : () -> ()
    %barrier3A = arith.constant 0 : index
    tpu.barrier barrier_id(%barrier3A)
    %dma_start3A = arith.constant 0 : i32
    %dma_start3A_9 = arith.constant 0 : i32
    %dma_start3A_10 = tpu.memref_slice %arg8[%dma_start3A, %dma_start3A_9] : memref<100x100xi32, #tpu.memory_space<vmem>> -> memref<1x100xi32, #tpu.memory_space<vmem>>
    %dma_start3A_11 = tpu.memref_squeeze %dma_start3A_10 : memref<1x100xi32, #tpu.memory_space<vmem>> -> memref<100xi32, #tpu.memory_space<vmem>>
    %dma_start3A_12 = arith.constant 0 : i32
    %dma_start3A_13 = arith.constant 0 : i32
    %dma_start3A_14 = tpu.memref_slice %arg2[%dma_start3A_12, %dma_start3A_13] : memref<10000x64xf32, #tpu.memory_space<hbm>> -> memref<10000x64xf32, #tpu.memory_space<hbm>>
    tpu.enqueue_indirect_dma source(%dma_start3A_14 : memref<10000x64xf32, #tpu.memory_space<hbm>>) target(%arg11 : memref<100x64xf32, #tpu.memory_space<vmem>>) offsets(%dma_start3A_11 : memref<100xi32, #tpu.memory_space<vmem>>) semaphore(%arg16 : memref<!tpu.dma_semaphore, #tpu.memory_space<semaphore_mem>>)
    %dma_start3A_15 = arith.constant 1 : i32
    %dma_start3A_16 = arith.constant 0 : i32
    %dma_start3A_17 = tpu.memref_slice %arg8[%dma_start3A_15, %dma_start3A_16] : memref<100x100xi32, #tpu.memory_space<vmem>> -> memref<1x100xi32, #tpu.memory_space<vmem>>
    %dma_start3A_18 = tpu.memref_squeeze %dma_start3A_17 : memref<1x100xi32, #tpu.memory_space<vmem>> -> memref<100xi32, #tpu.memory_space<vmem>>
    %dma_start3A_19 = arith.constant 0 : i32
    %dma_start3A_20 = arith.constant 0 : i32
    %dma_start3A_21 = tpu.memref_slice %arg2[%dma_start3A_19, %dma_start3A_20] : memref<10000x64xf32, #tpu.memory_space<hbm>> -> memref<10000x64xf32, #tpu.memory_space<hbm>>
    tpu.enqueue_indirect_dma source(%dma_start3A_21 : memref<10000x64xf32, #tpu.memory_space<hbm>>) target(%arg12 : memref<100x64xf32, #tpu.memory_space<vmem>>) offsets(%dma_start3A_18 : memref<100xi32, #tpu.memory_space<vmem>>) semaphore(%arg17 : memref<!tpu.dma_semaphore, #tpu.memory_space<semaphore_mem>>)
    %scan3A = arith.constant 0 : i32
    %scan3A_22 = arith.constant 50 : i32
    %scan3A_23 = arith.addi %scan3A, %scan3A_22 : i32
    %scan3A_24 = arith.constant 1 : i32
    scf.for %scan3A_50 = %scan3A to %scan3A_23 step %scan3A_24  : i32 {
      %mul3A_51 = arith.constant 2 : i32
      %mul3A_52 = arith.muli %scan3A_50, %mul3A_51 : i32
      %add3A_53 = arith.constant 0 : i32
      %add3A_54 = arith.addi %add3A_53, %mul3A_52 : i32
      %add3A_55 = arith.constant 0 : i32
      %add3A_56 = arith.addi %add3A_54, %add3A_55 : i32
      %dma_wait3A_57 = arith.constant 0 : i32
      %dma_wait3A_58 = tpu.memref_slice %arg8[%add3A_56, %dma_wait3A_57] : memref<100x100xi32, #tpu.memory_space<vmem>> -> memref<1x100xi32, #tpu.memory_space<vmem>>
      %dma_wait3A_59 = tpu.memref_squeeze %dma_wait3A_58 : memref<1x100xi32, #tpu.memory_space<vmem>> -> memref<100xi32, #tpu.memory_space<vmem>>
      %dma_wait3A_60 = arith.constant 0 : i32
      %dma_wait3A_61 = arith.constant 0 : i32
      %dma_wait3A_62 = tpu.memref_slice %arg2[%dma_wait3A_60, %dma_wait3A_61] : memref<10000x64xf32, #tpu.memory_space<hbm>> -> memref<10000x64xf32, #tpu.memory_space<hbm>>
      tpu.wait_indirect_dma semaphore(%arg16 : memref<!tpu.dma_semaphore, #tpu.memory_space<semaphore_mem>>) src(%dma_wait3A_62 : memref<10000x64xf32, #tpu.memory_space<hbm>>) dst(%arg11 : memref<100x64xf32, #tpu.memory_space<vmem>>)
      %ge3A = arith.constant 2 : i32
      %ge3A_63 = arith.cmpi sge, %add3A_56, %ge3A : i32
      %convert_element_type3A_64 = arith.extui %ge3A_63 : i1 to i32
      %cond3A_65 = arith.constant 0 : i32
      %cond3A_66 = arith.cmpi ne, %convert_element_type3A_64, %cond3A_65 : i32
      scf.if %cond3A_66 {
        %dma_wait3A_116 = arith.constant 0 : i32
        %dma_wait3A_117 = tpu.memref_slice %arg9[%add3A_56, %dma_wait3A_116] : memref<100x100xi32, #tpu.memory_space<vmem>> -> memref<1x100xi32, #tpu.memory_space<vmem>>
        %dma_wait3A_118 = tpu.memref_squeeze %dma_wait3A_117 : memref<1x100xi32, #tpu.memory_space<vmem>> -> memref<100xi32, #tpu.memory_space<vmem>>
        %dma_wait3A_119 = arith.constant 0 : i32
        %dma_wait3A_120 = arith.constant 0 : i32
        %dma_wait3A_121 = tpu.memref_slice %arg15[%dma_wait3A_119, %dma_wait3A_120] : memref<10000x64xf32, #tpu.memory_space<vmem_shared>> -> memref<10000x64xf32, #tpu.memory_space<vmem_shared>>
        tpu.wait_indirect_dma semaphore(%arg18 : memref<!tpu.dma_semaphore, #tpu.memory_space<semaphore_mem>>) src(%arg13 : memref<100x64xf32, #tpu.memory_space<vmem>>) dst(%dma_wait3A_121 : memref<10000x64xf32, #tpu.memory_space<vmem_shared>>)
      } else {
      }
      %scan3A_67 = arith.constant 0 : i32
      %scan3A_68 = arith.constant 5 : i32
      %scan3A_69 = arith.addi %scan3A_67, %scan3A_68 : i32
      %scan3A_70 = arith.constant 1 : i32
      scf.for %scan3A_116 = %scan3A_67 to %scan3A_69 step %scan3A_70  : i32 {
        %mul3A_117 = arith.constant 20 : i32
        %mul3A_118 = arith.muli %scan3A_116, %mul3A_117 : i32
        %add3A_119 = arith.constant 0 : i32
        %add3A_120 = arith.addi %add3A_119, %mul3A_118 : i32
        %add3A_121 = arith.constant 0 : i32
        %add3A_122 = arith.addi %add3A_120, %add3A_121 : i32
        %broadcast_in_dim3A = vector.broadcast %add3A_56 : i32 to vector<16xi32>
        %broadcast_in_dim3A_123 = vector.broadcast %add3A_122 : i32 to vector<16xi32>
        %gather3A = tpu.vector_load_idx %arg10[%broadcast_in_dim3A, %broadcast_in_dim3A_123] : memref<100x100xf32, #tpu.memory_space<vmem>>[vector<16xi32>, vector<16xi32>], vector<16xf32>,
        %get3A = arith.index_cast %add3A_122 : i32 to index
        %get3A_124 = arith.constant 0 : index
        %get3A_125 = tpu.vector_load %arg11[%get3A, %get3A_124] {strides = array<i32>} : memref<100x64xf32, #tpu.memory_space<vmem>>, vector<16xf32>,
        %mul3A_126 = arith.mulf %get3A_125, %gather3A : vector<16xf32>
        %swap3A = arith.index_cast %add3A_122 : i32 to index
        %swap3A_127 = arith.constant 0 : index
        %swap3A_128 = tpu.vector_load %arg13[%swap3A, %swap3A_127] {strides = array<i32>} : memref<100x64xf32, #tpu.memory_space<vmem>>, vector<16xf32>,
        tpu.vector_store %arg13[%swap3A, %swap3A_127], %mul3A_126 {strides = array<i32>} : memref<100x64xf32, #tpu.memory_space<vmem>>, vector<16xf32>,
        %get3A_129 = arith.index_cast %add3A_122 : i32 to index
        %get3A_130 = arith.constant 16 : index
        %get3A_131 = tpu.vector_load %arg11[%get3A_129, %get3A_130] {strides = array<i32>} : memref<100x64xf32, #tpu.memory_space<vmem>>, vector<16xf32>,
        %mul3A_132 = arith.mulf %get3A_131, %gather3A : vector<16xf32>
        %swap3A_133 = arith.index_cast %add3A_122 : i32 to index
        %swap3A_134 = arith.constant 16 : index
        %swap3A_135 = tpu.vector_load %arg13[%swap3A_133, %swap3A_134] {strides = array<i32>} : memref<100x64xf32, #tpu.memory_space<vmem>>, vector<16xf32>,
        tpu.vector_store %arg13[%swap3A_133, %swap3A_134], %mul3A_132 {strides = array<i32>} : memref<100x64xf32, #tpu.memory_space<vmem>>, vector<16xf32>,
        %get3A_136 = arith.index_cast %add3A_122 : i32 to index
        %get3A_137 = arith.constant 32 : index
        %get3A_138 = tpu.vector_load %arg11[%get3A_136, %get3A_137] {strides = array<i32>} : memref<100x64xf32, #tpu.memory_space<vmem>>, vector<16xf32>,
        %mul3A_139 = arith.mulf %get3A_138, %gather3A : vector<16xf32>
        %swap3A_140 = arith.index_cast %add3A_122 : i32 to index
        %swap3A_141 = arith.constant 32 : index
        %swap3A_142 = tpu.vector_load %arg13[%swap3A_140, %swap3A_141] {strides = array<i32>} : memref<100x64xf32, #tpu.memory_space<vmem>>, vector<16xf32>,
        tpu.vector_store %arg13[%swap3A_140, %swap3A_141], %mul3A_139 {strides = array<i32>} : memref<100x64xf32, #tpu.memory_space<vmem>>, vector<16xf32>,
        %get3A_143 = arith.index_cast %add3A_122 : i32 to index
        %get3A_144 = arith.constant 48 : index
        %get3A_145 = tpu.vector_load %arg11[%get3A_143, %get3A_144] {strides = array<i32>} : memref<100x64xf32, #tpu.memory_space<vmem>>, vector<16xf32>,
        %mul3A_146 = arith.mulf %get3A_145, %gather3A : vector<16xf32>
        %swap3A_147 = arith.index_cast %add3A_122 : i32 to index
        %swap3A_148 = arith.constant 48 : index
        %swap3A_149 = tpu.vector_load %arg13[%swap3A_147, %swap3A_148] {strides = array<i32>} : memref<100x64xf32, #tpu.memory_space<vmem>>, vector<16xf32>,
        tpu.vector_store %arg13[%swap3A_147, %swap3A_148], %mul3A_146 {strides = array<i32>} : memref<100x64xf32, #tpu.memory_space<vmem>>, vector<16xf32>,
        %add3A_150 = arith.constant 1 : i32
        %add3A_151 = arith.addi %add3A_120, %add3A_150 : i32
        %broadcast_in_dim3A_152 = vector.broadcast %add3A_56 : i32 to vector<16xi32>
        %broadcast_in_dim3A_153 = vector.broadcast %add3A_151 : i32 to vector<16xi32>
        %gather3A_154 = tpu.vector_load_idx %arg10[%broadcast_in_dim3A_152, %broadcast_in_dim3A_153] : memref<100x100xf32, #tpu.memory_space<vmem>>[vector<16xi32>, vector<16xi32>], vector<16xf32>,
        %get3A_155 = arith.index_cast %add3A_151 : i32 to index
        %get3A_156 = arith.constant 0 : index
        %get3A_157 = tpu.vector_load %arg11[%get3A_155, %get3A_156] {strides = array<i32>} : memref<100x64xf32, #tpu.memory_space<vmem>>, vector<16xf32>,
        %mul3A_158 = arith.mulf %get3A_157, %gather3A_154 : vector<16xf32>
        %swap3A_159 = arith.index_cast %add3A_151 : i32 to index
        %swap3A_160 = arith.constant 0 : index
        %swap3A_161 = tpu.vector_load %arg13[%swap3A_159, %swap3A_160] {strides = array<i32>} : memref<100x64xf32, #tpu.memory_space<vmem>>, vector<16xf32>,
        tpu.vector_store %arg13[%swap3A_159, %swap3A_160], %mul3A_158 {strides = array<i32>} : memref<100x64xf32, #tpu.memory_space<vmem>>, vector<16xf32>,
        %get3A_162 = arith.index_cast %add3A_151 : i32 to index
        %get3A_163 = arith.constant 16 : index
        %get3A_164 = tpu.vector_load %arg11[%get3A_162, %get3A_163] {strides = array<i32>} : memref<100x64xf32, #tpu.memory_space<vmem>>, vector<16xf32>,
        %mul3A_165 = arith.mulf %get3A_164, %gather3A_154 : vector<16xf32>
        %swap3A_166 = arith.index_cast %add3A_151 : i32 to index
        %swap3A_167 = arith.constant 16 : index
        %swap3A_168 = tpu.vector_load %arg13[%swap3A_166, %swap3A_167] {strides = array<i32>} : memref<100x64xf32, #tpu.memory_space<vmem>>, vector<16xf32>,
        tpu.vector_store %arg13[%swap3A_166, %swap3A_167], %mul3A_165 {strides = array<i32>} : memref<100x64xf32, #tpu.memory_space<vmem>>, vector<16xf32>,
        %get3A_169 = arith.index_cast %add3A_151 : i32 to index
        %get3A_170 = arith.constant 32 : index
        %get3A_171 = tpu.vector_load %arg11[%get3A_169, %get3A_170] {strides = array<i32>} : memref<100x64xf32, #tpu.memory_space<vmem>>, vector<16xf32>,
        %mul3A_172 = arith.mulf %get3A_171, %gather3A_154 : vector<16xf32>
        %swap3A_173 = arith.index_cast %add3A_151 : i32 to index
        %swap3A_174 = arith.constant 32 : index
        %swap3A_175 = tpu.vector_load %arg13[%swap3A_173, %swap3A_174] {strides = array<i32>} : memref<100x64xf32, #tpu.memory_space<vmem>>, vector<16xf32>,
        tpu.vector_store %arg13[%swap3A_173, %swap3A_174], %mul3A_172 {strides = array<i32>} : memref<100x64xf32, #tpu.memory_space<vmem>>, vector<16xf32>,
        %get3A_176 = arith.index_cast %add3A_151 : i32 to index
        %get3A_177 = arith.constant 48 : index
        %get3A_178 = tpu.vector_load %arg11[%get3A_176, %get3A_177] {strides = array<i32>} : memref<100x64xf32, #tpu.memory_space<vmem>>, vector<16xf32>,
        %mul3A_179 = arith.mulf %get3A_178, %gather3A_154 : vector<16xf32>
        %swap3A_180 = arith.index_cast %add3A_151 : i32 to index
        %swap3A_181 = arith.constant 48 : index
        %swap3A_182 = tpu.vector_load %arg13[%swap3A_180, %swap3A_181] {strides = array<i32>} : memref<100x64xf32, #tpu.memory_space<vmem>>, vector<16xf32>,
        tpu.vector_store %arg13[%swap3A_180, %swap3A_181], %mul3A_179 {strides = array<i32>} : memref<100x64xf32, #tpu.memory_space<vmem>>, vector<16xf32>,
        %add3A_183 = arith.constant 2 : i32
        %add3A_184 = arith.addi %add3A_120, %add3A_183 : i32
        %broadcast_in_dim3A_185 = vector.broadcast %add3A_56 : i32 to vector<16xi32>
        %broadcast_in_dim3A_186 = vector.broadcast %add3A_184 : i32 to vector<16xi32>
        %gather3A_187 = tpu.vector_load_idx %arg10[%broadcast_in_dim3A_185, %broadcast_in_dim3A_186] : memref<100x100xf32, #tpu.memory_space<vmem>>[vector<16xi32>, vector<16xi32>], vector<16xf32>,
        %get3A_188 = arith.index_cast %add3A_184 : i32 to index
        %get3A_189 = arith.constant 0 : index
        %get3A_190 = tpu.vector_load %arg11[%get3A_188, %get3A_189] {strides = array<i32>} : memref<100x64xf32, #tpu.memory_space<vmem>>, vector<16xf32>,
        %mul3A_191 = arith.mulf %get3A_190, %gather3A_187 : vector<16xf32>
        %swap3A_192 = arith.index_cast %add3A_184 : i32 to index
        %swap3A_193 = arith.constant 0 : index
        %swap3A_194 = tpu.vector_load %arg13[%swap3A_192, %swap3A_193] {strides = array<i32>} : memref<100x64xf32, #tpu.memory_space<vmem>>, vector<16xf32>,
        tpu.vector_store %arg13[%swap3A_192, %swap3A_193], %mul3A_191 {strides = array<i32>} : memref<100x64xf32, #tpu.memory_space<vmem>>, vector<16xf32>,
        %get3A_195 = arith.index_cast %add3A_184 : i32 to index
        %get3A_196 = arith.constant 16 : index
        %get3A_197 = tpu.vector_load %arg11[%get3A_195, %get3A_196] {strides = array<i32>} : memref<100x64xf32, #tpu.memory_space<vmem>>, vector<16xf32>,
        %mul3A_198 = arith.mulf %get3A_197, %gather3A_187 : vector<16xf32>
        %swap3A_199 = arith.index_cast %add3A_184 : i32 to index
        %swap3A_200 = arith.constant 16 : index
        %swap3A_201 = tpu.vector_load %arg13[%swap3A_199, %swap3A_200] {strides = array<i32>} : memref<100x64xf32, #tpu.memory_space<vmem>>, vector<16xf32>,
        tpu.vector_store %arg13[%swap3A_199, %swap3A_200], %mul3A_198 {strides = array<i32>} : memref<100x64xf32, #tpu.memory_space<vmem>>, vector<16xf32>,
        %get3A_202 = arith.index_cast %add3A_184 : i32 to index
        %get3A_203 = arith.constant 32 : index
        %get3A_204 = tpu.vector_load %arg11[%get3A_202, %get3A_203] {strides = array<i32>} : memref<100x64xf32, #tpu.memory_space<vmem>>, vector<16xf32>,
        %mul3A_205 = arith.mulf %get3A_204, %gather3A_187 : vector<16xf32>
        %swap3A_206 = arith.index_cast %add3A_184 : i32 to index
        %swap3A_207 = arith.constant 32 : index
        %swap3A_208 = tpu.vector_load %arg13[%swap3A_206, %swap3A_207] {strides = array<i32>} : memref<100x64xf32, #tpu.memory_space<vmem>>, vector<16xf32>,
        tpu.vector_store %arg13[%swap3A_206, %swap3A_207], %mul3A_205 {strides = array<i32>} : memref<100x64xf32, #tpu.memory_space<vmem>>, vector<16xf32>,
        %get3A_209 = arith.index_cast %add3A_184 : i32 to index
        %get3A_210 = arith.constant 48 : index
        %get3A_211 = tpu.vector_load %arg11[%get3A_209, %get3A_210] {strides = array<i32>} : memref<100x64xf32, #tpu.memory_space<vmem>>, vector<16xf32>,
        %mul3A_212 = arith.mulf %get3A_211, %gather3A_187 : vector<16xf32>
        %swap3A_213 = arith.index_cast %add3A_184 : i32 to index
        %swap3A_214 = arith.constant 48 : index
        %swap3A_215 = tpu.vector_load %arg13[%swap3A_213, %swap3A_214] {strides = array<i32>} : memref<100x64xf32, #tpu.memory_space<vmem>>, vector<16xf32>,
        tpu.vector_store %arg13[%swap3A_213, %swap3A_214], %mul3A_212 {strides = array<i32>} : memref<100x64xf32, #tpu.memory_space<vmem>>, vector<16xf32>,
        %add3A_216 = arith.constant 3 : i32
        %add3A_217 = arith.addi %add3A_120, %add3A_216 : i32
        %broadcast_in_dim3A_218 = vector.broadcast %add3A_56 : i32 to vector<16xi32>
        %broadcast_in_dim3A_219 = vector.broadcast %add3A_217 : i32 to vector<16xi32>
        %gather3A_220 = tpu.vector_load_idx %arg10[%broadcast_in_dim3A_218, %broadcast_in_dim3A_219] : memref<100x100xf32, #tpu.memory_space<vmem>>[vector<16xi32>, vector<16xi32>], vector<16xf32>,
        %get3A_221 = arith.index_cast %add3A_217 : i32 to index
        %get3A_222 = arith.constant 0 : index
        %get3A_223 = tpu.vector_load %arg11[%get3A_221, %get3A_222] {strides = array<i32>} : memref<100x64xf32, #tpu.memory_space<vmem>>, vector<16xf32>,
        %mul3A_224 = arith.mulf %get3A_223, %gather3A_220 : vector<16xf32>
        %swap3A_225 = arith.index_cast %add3A_217 : i32 to index
        %swap3A_226 = arith.constant 0 : index
        %swap3A_227 = tpu.vector_load %arg13[%swap3A_225, %swap3A_226] {strides = array<i32>} : memref<100x64xf32, #tpu.memory_space<vmem>>, vector<16xf32>,
        tpu.vector_store %arg13[%swap3A_225, %swap3A_226], %mul3A_224 {strides = array<i32>} : memref<100x64xf32, #tpu.memory_space<vmem>>, vector<16xf32>,
        %get3A_228 = arith.index_cast %add3A_217 : i32 to index
        %get3A_229 = arith.constant 16 : index
        %get3A_230 = tpu.vector_load %arg11[%get3A_228, %get3A_229] {strides = array<i32>} : memref<100x64xf32, #tpu.memory_space<vmem>>, vector<16xf32>,
        %mul3A_231 = arith.mulf %get3A_230, %gather3A_220 : vector<16xf32>
        %swap3A_232 = arith.index_cast %add3A_217 : i32 to index
        %swap3A_233 = arith.constant 16 : index
        %swap3A_234 = tpu.vector_load %arg13[%swap3A_232, %swap3A_233] {strides = array<i32>} : memref<100x64xf32, #tpu.memory_space<vmem>>, vector<16xf32>,
        tpu.vector_store %arg13[%swap3A_232, %swap3A_233], %mul3A_231 {strides = array<i32>} : memref<100x64xf32, #tpu.memory_space<vmem>>, vector<16xf32>,
        %get3A_235 = arith.index_cast %add3A_217 : i32 to index
        %get3A_236 = arith.constant 32 : index
        %get3A_237 = tpu.vector_load %arg11[%get3A_235, %get3A_236] {strides = array<i32>} : memref<100x64xf32, #tpu.memory_space<vmem>>, vector<16xf32>,
        %mul3A_238 = arith.mulf %get3A_237, %gather3A_220 : vector<16xf32>
        %swap3A_239 = arith.index_cast %add3A_217 : i32 to index
        %swap3A_240 = arith.constant 32 : index
        %swap3A_241 = tpu.vector_load %arg13[%swap3A_239, %swap3A_240] {strides = array<i32>} : memref<100x64xf32, #tpu.memory_space<vmem>>, vector<16xf32>,
        tpu.vector_store %arg13[%swap3A_239, %swap3A_240], %mul3A_238 {strides = array<i32>} : memref<100x64xf32, #tpu.memory_space<vmem>>, vector<16xf32>,
        %get3A_242 = arith.index_cast %add3A_217 : i32 to index
        %get3A_243 = arith.constant 48 : index
        %get3A_244 = tpu.vector_load %arg11[%get3A_242, %get3A_243] {strides = array<i32>} : memref<100x64xf32, #tpu.memory_space<vmem>>, vector<16xf32>,
        %mul3A_245 = arith.mulf %get3A_244, %gather3A_220 : vector<16xf32>
        %swap3A_246 = arith.index_cast %add3A_217 : i32 to index
        %swap3A_247 = arith.constant 48 : index
        %swap3A_248 = tpu.vector_load %arg13[%swap3A_246, %swap3A_247] {strides = array<i32>} : memref<100x64xf32, #tpu.memory_space<vmem>>, vector<16xf32>,
        tpu.vector_store %arg13[%swap3A_246, %swap3A_247], %mul3A_245 {strides = array<i32>} : memref<100x64xf32, #tpu.memory_space<vmem>>, vector<16xf32>,
        %add3A_249 = arith.constant 4 : i32
        %add3A_250 = arith.addi %add3A_120, %add3A_249 : i32
        %broadcast_in_dim3A_251 = vector.broadcast %add3A_56 : i32 to vector<16xi32>
        %broadcast_in_dim3A_252 = vector.broadcast %add3A_250 : i32 to vector<16xi32>
        %gather3A_253 = tpu.vector_load_idx %arg10[%broadcast_in_dim3A_251, %broadcast_in_dim3A_252] : memref<100x100xf32, #tpu.memory_space<vmem>>[vector<16xi32>, vector<16xi32>], vector<16xf32>,
        %get3A_254 = arith.index_cast %add3A_250 : i32 to index
        %get3A_255 = arith.constant 0 : index
        %get3A_256 = tpu.vector_load %arg11[%get3A_254, %get3A_255] {strides = array<i32>} : memref<100x64xf32, #tpu.memory_space<vmem>>, vector<16xf32>,
        %mul3A_257 = arith.mulf %get3A_256, %gather3A_253 : vector<16xf32>
        %swap3A_258 = arith.index_cast %add3A_250 : i32 to index
        %swap3A_259 = arith.constant 0 : index
        %swap3A_260 = tpu.vector_load %arg13[%swap3A_258, %swap3A_259] {strides = array<i32>} : memref<100x64xf32, #tpu.memory_space<vmem>>, vector<16xf32>,
        tpu.vector_store %arg13[%swap3A_258, %swap3A_259], %mul3A_257 {strides = array<i32>} : memref<100x64xf32, #tpu.memory_space<vmem>>, vector<16xf32>,
        %get3A_261 = arith.index_cast %add3A_250 : i32 to index
        %get3A_262 = arith.constant 16 : index
        %get3A_263 = tpu.vector_load %arg11[%get3A_261, %get3A_262] {strides = array<i32>} : memref<100x64xf32, #tpu.memory_space<vmem>>, vector<16xf32>,
        %mul3A_264 = arith.mulf %get3A_263, %gather3A_253 : vector<16xf32>
        %swap3A_265 = arith.index_cast %add3A_250 : i32 to index
        %swap3A_266 = arith.constant 16 : index
        %swap3A_267 = tpu.vector_load %arg13[%swap3A_265, %swap3A_266] {strides = array<i32>} : memref<100x64xf32, #tpu.memory_space<vmem>>, vector<16xf32>,
        tpu.vector_store %arg13[%swap3A_265, %swap3A_266], %mul3A_264 {strides = array<i32>} : memref<100x64xf32, #tpu.memory_space<vmem>>, vector<16xf32>,
        %get3A_268 = arith.index_cast %add3A_250 : i32 to index
        %get3A_269 = arith.constant 32 : index
        %get3A_270 = tpu.vector_load %arg11[%get3A_268, %get3A_269] {strides = array<i32>} : memref<100x64xf32, #tpu.memory_space<vmem>>, vector<16xf32>,
        %mul3A_271 = arith.mulf %get3A_270, %gather3A_253 : vector<16xf32>
        %swap3A_272 = arith.index_cast %add3A_250 : i32 to index
        %swap3A_273 = arith.constant 32 : index
        %swap3A_274 = tpu.vector_load %arg13[%swap3A_272, %swap3A_273] {strides = array<i32>} : memref<100x64xf32, #tpu.memory_space<vmem>>, vector<16xf32>,
        tpu.vector_store %arg13[%swap3A_272, %swap3A_273], %mul3A_271 {strides = array<i32>} : memref<100x64xf32, #tpu.memory_space<vmem>>, vector<16xf32>,
        %get3A_275 = arith.index_cast %add3A_250 : i32 to index
        %get3A_276 = arith.constant 48 : index
        %get3A_277 = tpu.vector_load %arg11[%get3A_275, %get3A_276] {strides = array<i32>} : memref<100x64xf32, #tpu.memory_space<vmem>>, vector<16xf32>,
        %mul3A_278 = arith.mulf %get3A_277, %gather3A_253 : vector<16xf32>
        %swap3A_279 = arith.index_cast %add3A_250 : i32 to index
        %swap3A_280 = arith.constant 48 : index
        %swap3A_281 = tpu.vector_load %arg13[%swap3A_279, %swap3A_280] {strides = array<i32>} : memref<100x64xf32, #tpu.memory_space<vmem>>, vector<16xf32>,
        tpu.vector_store %arg13[%swap3A_279, %swap3A_280], %mul3A_278 {strides = array<i32>} : memref<100x64xf32, #tpu.memory_space<vmem>>, vector<16xf32>,
        %add3A_282 = arith.constant 5 : i32
        %add3A_283 = arith.addi %add3A_120, %add3A_282 : i32
        %broadcast_in_dim3A_284 = vector.broadcast %add3A_56 : i32 to vector<16xi32>
        %broadcast_in_dim3A_285 = vector.broadcast %add3A_283 : i32 to vector<16xi32>
        %gather3A_286 = tpu.vector_load_idx %arg10[%broadcast_in_dim3A_284, %broadcast_in_dim3A_285] : memref<100x100xf32, #tpu.memory_space<vmem>>[vector<16xi32>, vector<16xi32>], vector<16xf32>,
        %get3A_287 = arith.index_cast %add3A_283 : i32 to index
        %get3A_288 = arith.constant 0 : index
        %get3A_289 = tpu.vector_load %arg11[%get3A_287, %get3A_288] {strides = array<i32>} : memref<100x64xf32, #tpu.memory_space<vmem>>, vector<16xf32>,
        %mul3A_290 = arith.mulf %get3A_289, %gather3A_286 : vector<16xf32>
        %swap3A_291 = arith.index_cast %add3A_283 : i32 to index
        %swap3A_292 = arith.constant 0 : index
        %swap3A_293 = tpu.vector_load %arg13[%swap3A_291, %swap3A_292] {strides = array<i32>} : memref<100x64xf32, #tpu.memory_space<vmem>>, vector<16xf32>,
        tpu.vector_store %arg13[%swap3A_291, %swap3A_292], %mul3A_290 {strides = array<i32>} : memref<100x64xf32, #tpu.memory_space<vmem>>, vector<16xf32>,
        %get3A_294 = arith.index_cast %add3A_283 : i32 to index
        %get3A_295 = arith.constant 16 : index
        %get3A_296 = tpu.vector_load %arg11[%get3A_294, %get3A_295] {strides = array<i32>} : memref<100x64xf32, #tpu.memory_space<vmem>>, vector<16xf32>,
        %mul3A_297 = arith.mulf %get3A_296, %gather3A_286 : vector<16xf32>
        %swap3A_298 = arith.index_cast %add3A_283 : i32 to index
        %swap3A_299 = arith.constant 16 : index
        %swap3A_300 = tpu.vector_load %arg13[%swap3A_298, %swap3A_299] {strides = array<i32>} : memref<100x64xf32, #tpu.memory_space<vmem>>, vector<16xf32>,
        tpu.vector_store %arg13[%swap3A_298, %swap3A_299], %mul3A_297 {strides = array<i32>} : memref<100x64xf32, #tpu.memory_space<vmem>>, vector<16xf32>,
        %get3A_301 = arith.index_cast %add3A_283 : i32 to index
        %get3A_302 = arith.constant 32 : index
        %get3A_303 = tpu.vector_load %arg11[%get3A_301, %get3A_302] {strides = array<i32>} : memref<100x64xf32, #tpu.memory_space<vmem>>, vector<16xf32>,
        %mul3A_304 = arith.mulf %get3A_303, %gather3A_286 : vector<16xf32>
        %swap3A_305 = arith.index_cast %add3A_283 : i32 to index
        %swap3A_306 = arith.constant 32 : index
        %swap3A_307 = tpu.vector_load %arg13[%swap3A_305, %swap3A_306] {strides = array<i32>} : memref<100x64xf32, #tpu.memory_space<vmem>>, vector<16xf32>,
        tpu.vector_store %arg13[%swap3A_305, %swap3A_306], %mul3A_304 {strides = array<i32>} : memref<100x64xf32, #tpu.memory_space<vmem>>, vector<16xf32>,
        %get3A_308 = arith.index_cast %add3A_283 : i32 to index
        %get3A_309 = arith.constant 48 : index
        %get3A_310 = tpu.vector_load %arg11[%get3A_308, %get3A_309] {strides = array<i32>} : memref<100x64xf32, #tpu.memory_space<vmem>>, vector<16xf32>,
        %mul3A_311 = arith.mulf %get3A_310, %gather3A_286 : vector<16xf32>
        %swap3A_312 = arith.index_cast %add3A_283 : i32 to index
        %swap3A_313 = arith.constant 48 : index
        %swap3A_314 = tpu.vector_load %arg13[%swap3A_312, %swap3A_313] {strides = array<i32>} : memref<100x64xf32, #tpu.memory_space<vmem>>, vector<16xf32>,
        tpu.vector_store %arg13[%swap3A_312, %swap3A_313], %mul3A_311 {strides = array<i32>} : memref<100x64xf32, #tpu.memory_space<vmem>>, vector<16xf32>,
        %add3A_315 = arith.constant 6 : i32
        %add3A_316 = arith.addi %add3A_120, %add3A_315 : i32
        %broadcast_in_dim3A_317 = vector.broadcast %add3A_56 : i32 to vector<16xi32>
        %broadcast_in_dim3A_318 = vector.broadcast %add3A_316 : i32 to vector<16xi32>
        %gather3A_319 = tpu.vector_load_idx %arg10[%broadcast_in_dim3A_317, %broadcast_in_dim3A_318] : memref<100x100xf32, #tpu.memory_space<vmem>>[vector<16xi32>, vector<16xi32>], vector<16xf32>,
        %get3A_320 = arith.index_cast %add3A_316 : i32 to index
        %get3A_321 = arith.constant 0 : index
        %get3A_322 = tpu.vector_load %arg11[%get3A_320, %get3A_321] {strides = array<i32>} : memref<100x64xf32, #tpu.memory_space<vmem>>, vector<16xf32>,
        %mul3A_323 = arith.mulf %get3A_322, %gather3A_319 : vector<16xf32>
        %swap3A_324 = arith.index_cast %add3A_316 : i32 to index
        %swap3A_325 = arith.constant 0 : index
        %swap3A_326 = tpu.vector_load %arg13[%swap3A_324, %swap3A_325] {strides = array<i32>} : memref<100x64xf32, #tpu.memory_space<vmem>>, vector<16xf32>,
        tpu.vector_store %arg13[%swap3A_324, %swap3A_325], %mul3A_323 {strides = array<i32>} : memref<100x64xf32, #tpu.memory_space<vmem>>, vector<16xf32>,
        %get3A_327 = arith.index_cast %add3A_316 : i32 to index
        %get3A_328 = arith.constant 16 : index
        %get3A_329 = tpu.vector_load %arg11[%get3A_327, %get3A_328] {strides = array<i32>} : memref<100x64xf32, #tpu.memory_space<vmem>>, vector<16xf32>,
        %mul3A_330 = arith.mulf %get3A_329, %gather3A_319 : vector<16xf32>
        %swap3A_331 = arith.index_cast %add3A_316 : i32 to index
        %swap3A_332 = arith.constant 16 : index
        %swap3A_333 = tpu.vector_load %arg13[%swap3A_331, %swap3A_332] {strides = array<i32>} : memref<100x64xf32, #tpu.memory_space<vmem>>, vector<16xf32>,
        tpu.vector_store %arg13[%swap3A_331, %swap3A_332], %mul3A_330 {strides = array<i32>} : memref<100x64xf32, #tpu.memory_space<vmem>>, vector<16xf32>,
        %get3A_334 = arith.index_cast %add3A_316 : i32 to index
        %get3A_335 = arith.constant 32 : index
        %get3A_336 = tpu.vector_load %arg11[%get3A_334, %get3A_335] {strides = array<i32>} : memref<100x64xf32, #tpu.memory_space<vmem>>, vector<16xf32>,
        %mul3A_337 = arith.mulf %get3A_336, %gather3A_319 : vector<16xf32>
        %swap3A_338 = arith.index_cast %add3A_316 : i32 to index
        %swap3A_339 = arith.constant 32 : index
        %swap3A_340 = tpu.vector_load %arg13[%swap3A_338, %swap3A_339] {strides = array<i32>} : memref<100x64xf32, #tpu.memory_space<vmem>>, vector<16xf32>,
        tpu.vector_store %arg13[%swap3A_338, %swap3A_339], %mul3A_337 {strides = array<i32>} : memref<100x64xf32, #tpu.memory_space<vmem>>, vector<16xf32>,
        %get3A_341 = arith.index_cast %add3A_316 : i32 to index
        %get3A_342 = arith.constant 48 : index
        %get3A_343 = tpu.vector_load %arg11[%get3A_341, %get3A_342] {strides = array<i32>} : memref<100x64xf32, #tpu.memory_space<vmem>>, vector<16xf32>,
        %mul3A_344 = arith.mulf %get3A_343, %gather3A_319 : vector<16xf32>
        %swap3A_345 = arith.index_cast %add3A_316 : i32 to index
        %swap3A_346 = arith.constant 48 : index
        %swap3A_347 = tpu.vector_load %arg13[%swap3A_345, %swap3A_346] {strides = array<i32>} : memref<100x64xf32, #tpu.memory_space<vmem>>, vector<16xf32>,
        tpu.vector_store %arg13[%swap3A_345, %swap3A_346], %mul3A_344 {strides = array<i32>} : memref<100x64xf32, #tpu.memory_space<vmem>>, vector<16xf32>,
        %add3A_348 = arith.constant 7 : i32
        %add3A_349 = arith.addi %add3A_120, %add3A_348 : i32
        %broadcast_in_dim3A_350 = vector.broadcast %add3A_56 : i32 to vector<16xi32>
        %broadcast_in_dim3A_351 = vector.broadcast %add3A_349 : i32 to vector<16xi32>
        %gather3A_352 = tpu.vector_load_idx %arg10[%broadcast_in_dim3A_350, %broadcast_in_dim3A_351] : memref<100x100xf32, #tpu.memory_space<vmem>>[vector<16xi32>, vector<16xi32>], vector<16xf32>,
        %get3A_353 = arith.index_cast %add3A_349 : i32 to index
        %get3A_354 = arith.constant 0 : index
        %get3A_355 = tpu.vector_load %arg11[%get3A_353, %get3A_354] {strides = array<i32>} : memref<100x64xf32, #tpu.memory_space<vmem>>, vector<16xf32>,
        %mul3A_356 = arith.mulf %get3A_355, %gather3A_352 : vector<16xf32>
        %swap3A_357 = arith.index_cast %add3A_349 : i32 to index
        %swap3A_358 = arith.constant 0 : index
        %swap3A_359 = tpu.vector_load %arg13[%swap3A_357, %swap3A_358] {strides = array<i32>} : memref<100x64xf32, #tpu.memory_space<vmem>>, vector<16xf32>,
        tpu.vector_store %arg13[%swap3A_357, %swap3A_358], %mul3A_356 {strides = array<i32>} : memref<100x64xf32, #tpu.memory_space<vmem>>, vector<16xf32>,
        %get3A_360 = arith.index_cast %add3A_349 : i32 to index
        %get3A_361 = arith.constant 16 : index
        %get3A_362 = tpu.vector_load %arg11[%get3A_360, %get3A_361] {strides = array<i32>} : memref<100x64xf32, #tpu.memory_space<vmem>>, vector<16xf32>,
        %mul3A_363 = arith.mulf %get3A_362, %gather3A_352 : vector<16xf32>
        %swap3A_364 = arith.index_cast %add3A_349 : i32 to index
        %swap3A_365 = arith.constant 16 : index
        %swap3A_366 = tpu.vector_load %arg13[%swap3A_364, %swap3A_365] {strides = array<i32>} : memref<100x64xf32, #tpu.memory_space<vmem>>, vector<16xf32>,
        tpu.vector_store %arg13[%swap3A_364, %swap3A_365], %mul3A_363 {strides = array<i32>} : memref<100x64xf32, #tpu.memory_space<vmem>>, vector<16xf32>,
        %get3A_367 = arith.index_cast %add3A_349 : i32 to index
        %get3A_368 = arith.constant 32 : index
        %get3A_369 = tpu.vector_load %arg11[%get3A_367, %get3A_368] {strides = array<i32>} : memref<100x64xf32, #tpu.memory_space<vmem>>, vector<16xf32>,
        %mul3A_370 = arith.mulf %get3A_369, %gather3A_352 : vector<16xf32>
        %swap3A_371 = arith.index_cast %add3A_349 : i32 to index
        %swap3A_372 = arith.constant 32 : index
        %swap3A_373 = tpu.vector_load %arg13[%swap3A_371, %swap3A_372] {strides = array<i32>} : memref<100x64xf32, #tpu.memory_space<vmem>>, vector<16xf32>,
        tpu.vector_store %arg13[%swap3A_371, %swap3A_372], %mul3A_370 {strides = array<i32>} : memref<100x64xf32, #tpu.memory_space<vmem>>, vector<16xf32>,
        %get3A_374 = arith.index_cast %add3A_349 : i32 to index
        %get3A_375 = arith.constant 48 : index
        %get3A_376 = tpu.vector_load %arg11[%get3A_374, %get3A_375] {strides = array<i32>} : memref<100x64xf32, #tpu.memory_space<vmem>>, vector<16xf32>,
        %mul3A_377 = arith.mulf %get3A_376, %gather3A_352 : vector<16xf32>
        %swap3A_378 = arith.index_cast %add3A_349 : i32 to index
        %swap3A_379 = arith.constant 48 : index
        %swap3A_380 = tpu.vector_load %arg13[%swap3A_378, %swap3A_379] {strides = array<i32>} : memref<100x64xf32, #tpu.memory_space<vmem>>, vector<16xf32>,
        tpu.vector_store %arg13[%swap3A_378, %swap3A_379], %mul3A_377 {strides = array<i32>} : memref<100x64xf32, #tpu.memory_space<vmem>>, vector<16xf32>,
        %add3A_381 = arith.constant 8 : i32
        %add3A_382 = arith.addi %add3A_120, %add3A_381 : i32
        %broadcast_in_dim3A_383 = vector.broadcast %add3A_56 : i32 to vector<16xi32>
        %broadcast_in_dim3A_384 = vector.broadcast %add3A_382 : i32 to vector<16xi32>
        %gather3A_385 = tpu.vector_load_idx %arg10[%broadcast_in_dim3A_383, %broadcast_in_dim3A_384] : memref<100x100xf32, #tpu.memory_space<vmem>>[vector<16xi32>, vector<16xi32>], vector<16xf32>,
        %get3A_386 = arith.index_cast %add3A_382 : i32 to index
        %get3A_387 = arith.constant 0 : index
        %get3A_388 = tpu.vector_load %arg11[%get3A_386, %get3A_387] {strides = array<i32>} : memref<100x64xf32, #tpu.memory_space<vmem>>, vector<16xf32>,
        %mul3A_389 = arith.mulf %get3A_388, %gather3A_385 : vector<16xf32>
        %swap3A_390 = arith.index_cast %add3A_382 : i32 to index
        %swap3A_391 = arith.constant 0 : index
        %swap3A_392 = tpu.vector_load %arg13[%swap3A_390, %swap3A_391] {strides = array<i32>} : memref<100x64xf32, #tpu.memory_space<vmem>>, vector<16xf32>,
        tpu.vector_store %arg13[%swap3A_390, %swap3A_391], %mul3A_389 {strides = array<i32>} : memref<100x64xf32, #tpu.memory_space<vmem>>, vector<16xf32>,
        %get3A_393 = arith.index_cast %add3A_382 : i32 to index
        %get3A_394 = arith.constant 16 : index
        %get3A_395 = tpu.vector_load %arg11[%get3A_393, %get3A_394] {strides = array<i32>} : memref<100x64xf32, #tpu.memory_space<vmem>>, vector<16xf32>,
        %mul3A_396 = arith.mulf %get3A_395, %gather3A_385 : vector<16xf32>
        %swap3A_397 = arith.index_cast %add3A_382 : i32 to index
        %swap3A_398 = arith.constant 16 : index
        %swap3A_399 = tpu.vector_load %arg13[%swap3A_397, %swap3A_398] {strides = array<i32>} : memref<100x64xf32, #tpu.memory_space<vmem>>, vector<16xf32>,
        tpu.vector_store %arg13[%swap3A_397, %swap3A_398], %mul3A_396 {strides = array<i32>} : memref<100x64xf32, #tpu.memory_space<vmem>>, vector<16xf32>,
        %get3A_400 = arith.index_cast %add3A_382 : i32 to index
        %get3A_401 = arith.constant 32 : index
        %get3A_402 = tpu.vector_load %arg11[%get3A_400, %get3A_401] {strides = array<i32>} : memref<100x64xf32, #tpu.memory_space<vmem>>, vector<16xf32>,
        %mul3A_403 = arith.mulf %get3A_402, %gather3A_385 : vector<16xf32>
        %swap3A_404 = arith.index_cast %add3A_382 : i32 to index
        %swap3A_405 = arith.constant 32 : index
        %swap3A_406 = tpu.vector_load %arg13[%swap3A_404, %swap3A_405] {strides = array<i32>} : memref<100x64xf32, #tpu.memory_space<vmem>>, vector<16xf32>,
        tpu.vector_store %arg13[%swap3A_404, %swap3A_405], %mul3A_403 {strides = array<i32>} : memref<100x64xf32, #tpu.memory_space<vmem>>, vector<16xf32>,
        %get3A_407 = arith.index_cast %add3A_382 : i32 to index
        %get3A_408 = arith.constant 48 : index
        %get3A_409 = tpu.vector_load %arg11[%get3A_407, %get3A_408] {strides = array<i32>} : memref<100x64xf32, #tpu.memory_space<vmem>>, vector<16xf32>,
        %mul3A_410 = arith.mulf %get3A_409, %gather3A_385 : vector<16xf32>
        %swap3A_411 = arith.index_cast %add3A_382 : i32 to index
        %swap3A_412 = arith.constant 48 : index
        %swap3A_413 = tpu.vector_load %arg13[%swap3A_411, %swap3A_412] {strides = array<i32>} : memref<100x64xf32, #tpu.memory_space<vmem>>, vector<16xf32>,
        tpu.vector_store %arg13[%swap3A_411, %swap3A_412], %mul3A_410 {strides = array<i32>} : memref<100x64xf32, #tpu.memory_space<vmem>>, vector<16xf32>,
        %add3A_414 = arith.constant 9 : i32
        %add3A_415 = arith.addi %add3A_120, %add3A_414 : i32
        %broadcast_in_dim3A_416 = vector.broadcast %add3A_56 : i32 to vector<16xi32>
        %broadcast_in_dim3A_417 = vector.broadcast %add3A_415 : i32 to vector<16xi32>
        %gather3A_418 = tpu.vector_load_idx %arg10[%broadcast_in_dim3A_416, %broadcast_in_dim3A_417] : memref<100x100xf32, #tpu.memory_space<vmem>>[vector<16xi32>, vector<16xi32>], vector<16xf32>,
        %get3A_419 = arith.index_cast %add3A_415 : i32 to index
        %get3A_420 = arith.constant 0 : index
        %get3A_421 = tpu.vector_load %arg11[%get3A_419, %get3A_420] {strides = array<i32>} : memref<100x64xf32, #tpu.memory_space<vmem>>, vector<16xf32>,
        %mul3A_422 = arith.mulf %get3A_421, %gather3A_418 : vector<16xf32>
        %swap3A_423 = arith.index_cast %add3A_415 : i32 to index
        %swap3A_424 = arith.constant 0 : index
        %swap3A_425 = tpu.vector_load %arg13[%swap3A_423, %swap3A_424] {strides = array<i32>} : memref<100x64xf32, #tpu.memory_space<vmem>>, vector<16xf32>,
        tpu.vector_store %arg13[%swap3A_423, %swap3A_424], %mul3A_422 {strides = array<i32>} : memref<100x64xf32, #tpu.memory_space<vmem>>, vector<16xf32>,
        %get3A_426 = arith.index_cast %add3A_415 : i32 to index
        %get3A_427 = arith.constant 16 : index
        %get3A_428 = tpu.vector_load %arg11[%get3A_426, %get3A_427] {strides = array<i32>} : memref<100x64xf32, #tpu.memory_space<vmem>>, vector<16xf32>,
        %mul3A_429 = arith.mulf %get3A_428, %gather3A_418 : vector<16xf32>
        %swap3A_430 = arith.index_cast %add3A_415 : i32 to index
        %swap3A_431 = arith.constant 16 : index
        %swap3A_432 = tpu.vector_load %arg13[%swap3A_430, %swap3A_431] {strides = array<i32>} : memref<100x64xf32, #tpu.memory_space<vmem>>, vector<16xf32>,
        tpu.vector_store %arg13[%swap3A_430, %swap3A_431], %mul3A_429 {strides = array<i32>} : memref<100x64xf32, #tpu.memory_space<vmem>>, vector<16xf32>,
        %get3A_433 = arith.index_cast %add3A_415 : i32 to index
        %get3A_434 = arith.constant 32 : index
        %get3A_435 = tpu.vector_load %arg11[%get3A_433, %get3A_434] {strides = array<i32>} : memref<100x64xf32, #tpu.memory_space<vmem>>, vector<16xf32>,
        %mul3A_436 = arith.mulf %get3A_435, %gather3A_418 : vector<16xf32>
        %swap3A_437 = arith.index_cast %add3A_415 : i32 to index
        %swap3A_438 = arith.constant 32 : index
        %swap3A_439 = tpu.vector_load %arg13[%swap3A_437, %swap3A_438] {strides = array<i32>} : memref<100x64xf32, #tpu.memory_space<vmem>>, vector<16xf32>,
        tpu.vector_store %arg13[%swap3A_437, %swap3A_438], %mul3A_436 {strides = array<i32>} : memref<100x64xf32, #tpu.memory_space<vmem>>, vector<16xf32>,
        %get3A_440 = arith.index_cast %add3A_415 : i32 to index
        %get3A_441 = arith.constant 48 : index
        %get3A_442 = tpu.vector_load %arg11[%get3A_440, %get3A_441] {strides = array<i32>} : memref<100x64xf32, #tpu.memory_space<vmem>>, vector<16xf32>,
        %mul3A_443 = arith.mulf %get3A_442, %gather3A_418 : vector<16xf32>
        %swap3A_444 = arith.index_cast %add3A_415 : i32 to index
        %swap3A_445 = arith.constant 48 : index
        %swap3A_446 = tpu.vector_load %arg13[%swap3A_444, %swap3A_445] {strides = array<i32>} : memref<100x64xf32, #tpu.memory_space<vmem>>, vector<16xf32>,
        tpu.vector_store %arg13[%swap3A_444, %swap3A_445], %mul3A_443 {strides = array<i32>} : memref<100x64xf32, #tpu.memory_space<vmem>>, vector<16xf32>,
        %add3A_447 = arith.constant 10 : i32
        %add3A_448 = arith.addi %add3A_120, %add3A_447 : i32
        %broadcast_in_dim3A_449 = vector.broadcast %add3A_56 : i32 to vector<16xi32>
        %broadcast_in_dim3A_450 = vector.broadcast %add3A_448 : i32 to vector<16xi32>
        %gather3A_451 = tpu.vector_load_idx %arg10[%broadcast_in_dim3A_449, %broadcast_in_dim3A_450] : memref<100x100xf32, #tpu.memory_space<vmem>>[vector<16xi32>, vector<16xi32>], vector<16xf32>,
        %get3A_452 = arith.index_cast %add3A_448 : i32 to index
        %get3A_453 = arith.constant 0 : index
        %get3A_454 = tpu.vector_load %arg11[%get3A_452, %get3A_453] {strides = array<i32>} : memref<100x64xf32, #tpu.memory_space<vmem>>, vector<16xf32>,
        %mul3A_455 = arith.mulf %get3A_454, %gather3A_451 : vector<16xf32>
        %swap3A_456 = arith.index_cast %add3A_448 : i32 to index
        %swap3A_457 = arith.constant 0 : index
        %swap3A_458 = tpu.vector_load %arg13[%swap3A_456, %swap3A_457] {strides = array<i32>} : memref<100x64xf32, #tpu.memory_space<vmem>>, vector<16xf32>,
        tpu.vector_store %arg13[%swap3A_456, %swap3A_457], %mul3A_455 {strides = array<i32>} : memref<100x64xf32, #tpu.memory_space<vmem>>, vector<16xf32>,
        %get3A_459 = arith.index_cast %add3A_448 : i32 to index
        %get3A_460 = arith.constant 16 : index
        %get3A_461 = tpu.vector_load %arg11[%get3A_459, %get3A_460] {strides = array<i32>} : memref<100x64xf32, #tpu.memory_space<vmem>>, vector<16xf32>,
        %mul3A_462 = arith.mulf %get3A_461, %gather3A_451 : vector<16xf32>
        %swap3A_463 = arith.index_cast %add3A_448 : i32 to index
        %swap3A_464 = arith.constant 16 : index
        %swap3A_465 = tpu.vector_load %arg13[%swap3A_463, %swap3A_464] {strides = array<i32>} : memref<100x64xf32, #tpu.memory_space<vmem>>, vector<16xf32>,
        tpu.vector_store %arg13[%swap3A_463, %swap3A_464], %mul3A_462 {strides = array<i32>} : memref<100x64xf32, #tpu.memory_space<vmem>>, vector<16xf32>,
        %get3A_466 = arith.index_cast %add3A_448 : i32 to index
        %get3A_467 = arith.constant 32 : index
        %get3A_468 = tpu.vector_load %arg11[%get3A_466, %get3A_467] {strides = array<i32>} : memref<100x64xf32, #tpu.memory_space<vmem>>, vector<16xf32>,
        %mul3A_469 = arith.mulf %get3A_468, %gather3A_451 : vector<16xf32>
        %swap3A_470 = arith.index_cast %add3A_448 : i32 to index
        %swap3A_471 = arith.constant 32 : index
        %swap3A_472 = tpu.vector_load %arg13[%swap3A_470, %swap3A_471] {strides = array<i32>} : memref<100x64xf32, #tpu.memory_space<vmem>>, vector<16xf32>,
        tpu.vector_store %arg13[%swap3A_470, %swap3A_471], %mul3A_469 {strides = array<i32>} : memref<100x64xf32, #tpu.memory_space<vmem>>, vector<16xf32>,
        %get3A_473 = arith.index_cast %add3A_448 : i32 to index
        %get3A_474 = arith.constant 48 : index
        %get3A_475 = tpu.vector_load %arg11[%get3A_473, %get3A_474] {strides = array<i32>} : memref<100x64xf32, #tpu.memory_space<vmem>>, vector<16xf32>,
        %mul3A_476 = arith.mulf %get3A_475, %gather3A_451 : vector<16xf32>
        %swap3A_477 = arith.index_cast %add3A_448 : i32 to index
        %swap3A_478 = arith.constant 48 : index
        %swap3A_479 = tpu.vector_load %arg13[%swap3A_477, %swap3A_478] {strides = array<i32>} : memref<100x64xf32, #tpu.memory_space<vmem>>, vector<16xf32>,
        tpu.vector_store %arg13[%swap3A_477, %swap3A_478], %mul3A_476 {strides = array<i32>} : memref<100x64xf32, #tpu.memory_space<vmem>>, vector<16xf32>,
        %add3A_480 = arith.constant 11 : i32
        %add3A_481 = arith.addi %add3A_120, %add3A_480 : i32
        %broadcast_in_dim3A_482 = vector.broadcast %add3A_56 : i32 to vector<16xi32>
        %broadcast_in_dim3A_483 = vector.broadcast %add3A_481 : i32 to vector<16xi32>
        %gather3A_484 = tpu.vector_load_idx %arg10[%broadcast_in_dim3A_482, %broadcast_in_dim3A_483] : memref<100x100xf32, #tpu.memory_space<vmem>>[vector<16xi32>, vector<16xi32>], vector<16xf32>,
        %get3A_485 = arith.index_cast %add3A_481 : i32 to index
        %get3A_486 = arith.constant 0 : index
        %get3A_487 = tpu.vector_load %arg11[%get3A_485, %get3A_486] {strides = array<i32>} : memref<100x64xf32, #tpu.memory_space<vmem>>, vector<16xf32>,
        %mul3A_488 = arith.mulf %get3A_487, %gather3A_484 : vector<16xf32>
        %swap3A_489 = arith.index_cast %add3A_481 : i32 to index
        %swap3A_490 = arith.constant 0 : index
        %swap3A_491 = tpu.vector_load %arg13[%swap3A_489, %swap3A_490] {strides = array<i32>} : memref<100x64xf32, #tpu.memory_space<vmem>>, vector<16xf32>,
        tpu.vector_store %arg13[%swap3A_489, %swap3A_490], %mul3A_488 {strides = array<i32>} : memref<100x64xf32, #tpu.memory_space<vmem>>, vector<16xf32>,
        %get3A_492 = arith.index_cast %add3A_481 : i32 to index
        %get3A_493 = arith.constant 16 : index
        %get3A_494 = tpu.vector_load %arg11[%get3A_492, %get3A_493] {strides = array<i32>} : memref<100x64xf32, #tpu.memory_space<vmem>>, vector<16xf32>,
        %mul3A_495 = arith.mulf %get3A_494, %gather3A_484 : vector<16xf32>
        %swap3A_496 = arith.index_cast %add3A_481 : i32 to index
        %swap3A_497 = arith.constant 16 : index
        %swap3A_498 = tpu.vector_load %arg13[%swap3A_496, %swap3A_497] {strides = array<i32>} : memref<100x64xf32, #tpu.memory_space<vmem>>, vector<16xf32>,
        tpu.vector_store %arg13[%swap3A_496, %swap3A_497], %mul3A_495 {strides = array<i32>} : memref<100x64xf32, #tpu.memory_space<vmem>>, vector<16xf32>,
        %get3A_499 = arith.index_cast %add3A_481 : i32 to index
        %get3A_500 = arith.constant 32 : index
        %get3A_501 = tpu.vector_load %arg11[%get3A_499, %get3A_500] {strides = array<i32>} : memref<100x64xf32, #tpu.memory_space<vmem>>, vector<16xf32>,
        %mul3A_502 = arith.mulf %get3A_501, %gather3A_484 : vector<16xf32>
        %swap3A_503 = arith.index_cast %add3A_481 : i32 to index
        %swap3A_504 = arith.constant 32 : index
        %swap3A_505 = tpu.vector_load %arg13[%swap3A_503, %swap3A_504] {strides = array<i32>} : memref<100x64xf32, #tpu.memory_space<vmem>>, vector<16xf32>,
        tpu.vector_store %arg13[%swap3A_503, %swap3A_504], %mul3A_502 {strides = array<i32>} : memref<100x64xf32, #tpu.memory_space<vmem>>, vector<16xf32>,
        %get3A_506 = arith.index_cast %add3A_481 : i32 to index
        %get3A_507 = arith.constant 48 : index
        %get3A_508 = tpu.vector_load %arg11[%get3A_506, %get3A_507] {strides = array<i32>} : memref<100x64xf32, #tpu.memory_space<vmem>>, vector<16xf32>,
        %mul3A_509 = arith.mulf %get3A_508, %gather3A_484 : vector<16xf32>
        %swap3A_510 = arith.index_cast %add3A_481 : i32 to index
        %swap3A_511 = arith.constant 48 : index
        %swap3A_512 = tpu.vector_load %arg13[%swap3A_510, %swap3A_511] {strides = array<i32>} : memref<100x64xf32, #tpu.memory_space<vmem>>, vector<16xf32>,
        tpu.vector_store %arg13[%swap3A_510, %swap3A_511], %mul3A_509 {strides = array<i32>} : memref<100x64xf32, #tpu.memory_space<vmem>>, vector<16xf32>,
        %add3A_513 = arith.constant 12 : i32
        %add3A_514 = arith.addi %add3A_120, %add3A_513 : i32
        %broadcast_in_dim3A_515 = vector.broadcast %add3A_56 : i32 to vector<16xi32>
        %broadcast_in_dim3A_516 = vector.broadcast %add3A_514 : i32 to vector<16xi32>
        %gather3A_517 = tpu.vector_load_idx %arg10[%broadcast_in_dim3A_515, %broadcast_in_dim3A_516] : memref<100x100xf32, #tpu.memory_space<vmem>>[vector<16xi32>, vector<16xi32>], vector<16xf32>,
        %get3A_518 = arith.index_cast %add3A_514 : i32 to index
        %get3A_519 = arith.constant 0 : index
        %get3A_520 = tpu.vector_load %arg11[%get3A_518, %get3A_519] {strides = array<i32>} : memref<100x64xf32, #tpu.memory_space<vmem>>, vector<16xf32>,
        %mul3A_521 = arith.mulf %get3A_520, %gather3A_517 : vector<16xf32>
        %swap3A_522 = arith.index_cast %add3A_514 : i32 to index
        %swap3A_523 = arith.constant 0 : index
        %swap3A_524 = tpu.vector_load %arg13[%swap3A_522, %swap3A_523] {strides = array<i32>} : memref<100x64xf32, #tpu.memory_space<vmem>>, vector<16xf32>,
        tpu.vector_store %arg13[%swap3A_522, %swap3A_523], %mul3A_521 {strides = array<i32>} : memref<100x64xf32, #tpu.memory_space<vmem>>, vector<16xf32>,
        %get3A_525 = arith.index_cast %add3A_514 : i32 to index
        %get3A_526 = arith.constant 16 : index
        %get3A_527 = tpu.vector_load %arg11[%get3A_525, %get3A_526] {strides = array<i32>} : memref<100x64xf32, #tpu.memory_space<vmem>>, vector<16xf32>,
        %mul3A_528 = arith.mulf %get3A_527, %gather3A_517 : vector<16xf32>
        %swap3A_529 = arith.index_cast %add3A_514 : i32 to index
        %swap3A_530 = arith.constant 16 : index
        %swap3A_531 = tpu.vector_load %arg13[%swap3A_529, %swap3A_530] {strides = array<i32>} : memref<100x64xf32, #tpu.memory_space<vmem>>, vector<16xf32>,
        tpu.vector_store %arg13[%swap3A_529, %swap3A_530], %mul3A_528 {strides = array<i32>} : memref<100x64xf32, #tpu.memory_space<vmem>>, vector<16xf32>,
        %get3A_532 = arith.index_cast %add3A_514 : i32 to index
        %get3A_533 = arith.constant 32 : index
        %get3A_534 = tpu.vector_load %arg11[%get3A_532, %get3A_533] {strides = array<i32>} : memref<100x64xf32, #tpu.memory_space<vmem>>, vector<16xf32>,
        %mul3A_535 = arith.mulf %get3A_534, %gather3A_517 : vector<16xf32>
        %swap3A_536 = arith.index_cast %add3A_514 : i32 to index
        %swap3A_537 = arith.constant 32 : index
        %swap3A_538 = tpu.vector_load %arg13[%swap3A_536, %swap3A_537] {strides = array<i32>} : memref<100x64xf32, #tpu.memory_space<vmem>>, vector<16xf32>,
        tpu.vector_store %arg13[%swap3A_536, %swap3A_537], %mul3A_535 {strides = array<i32>} : memref<100x64xf32, #tpu.memory_space<vmem>>, vector<16xf32>,
        %get3A_539 = arith.index_cast %add3A_514 : i32 to index
        %get3A_540 = arith.constant 48 : index
        %get3A_541 = tpu.vector_load %arg11[%get3A_539, %get3A_540] {strides = array<i32>} : memref<100x64xf32, #tpu.memory_space<vmem>>, vector<16xf32>,
        %mul3A_542 = arith.mulf %get3A_541, %gather3A_517 : vector<16xf32>
        %swap3A_543 = arith.index_cast %add3A_514 : i32 to index
        %swap3A_544 = arith.constant 48 : index
        %swap3A_545 = tpu.vector_load %arg13[%swap3A_543, %swap3A_544] {strides = array<i32>} : memref<100x64xf32, #tpu.memory_space<vmem>>, vector<16xf32>,
        tpu.vector_store %arg13[%swap3A_543, %swap3A_544], %mul3A_542 {strides = array<i32>} : memref<100x64xf32, #tpu.memory_space<vmem>>, vector<16xf32>,
        %add3A_546 = arith.constant 13 : i32
        %add3A_547 = arith.addi %add3A_120, %add3A_546 : i32
        %broadcast_in_dim3A_548 = vector.broadcast %add3A_56 : i32 to vector<16xi32>
        %broadcast_in_dim3A_549 = vector.broadcast %add3A_547 : i32 to vector<16xi32>
        %gather3A_550 = tpu.vector_load_idx %arg10[%broadcast_in_dim3A_548, %broadcast_in_dim3A_549] : memref<100x100xf32, #tpu.memory_space<vmem>>[vector<16xi32>, vector<16xi32>], vector<16xf32>,
        %get3A_551 = arith.index_cast %add3A_547 : i32 to index
        %get3A_552 = arith.constant 0 : index
        %get3A_553 = tpu.vector_load %arg11[%get3A_551, %get3A_552] {strides = array<i32>} : memref<100x64xf32, #tpu.memory_space<vmem>>, vector<16xf32>,
        %mul3A_554 = arith.mulf %get3A_553, %gather3A_550 : vector<16xf32>
        %swap3A_555 = arith.index_cast %add3A_547 : i32 to index
        %swap3A_556 = arith.constant 0 : index
        %swap3A_557 = tpu.vector_load %arg13[%swap3A_555, %swap3A_556] {strides = array<i32>} : memref<100x64xf32, #tpu.memory_space<vmem>>, vector<16xf32>,
        tpu.vector_store %arg13[%swap3A_555, %swap3A_556], %mul3A_554 {strides = array<i32>} : memref<100x64xf32, #tpu.memory_space<vmem>>, vector<16xf32>,
        %get3A_558 = arith.index_cast %add3A_547 : i32 to index
        %get3A_559 = arith.constant 16 : index
        %get3A_560 = tpu.vector_load %arg11[%get3A_558, %get3A_559] {strides = array<i32>} : memref<100x64xf32, #tpu.memory_space<vmem>>, vector<16xf32>,
        %mul3A_561 = arith.mulf %get3A_560, %gather3A_550 : vector<16xf32>
        %swap3A_562 = arith.index_cast %add3A_547 : i32 to index
        %swap3A_563 = arith.constant 16 : index
        %swap3A_564 = tpu.vector_load %arg13[%swap3A_562, %swap3A_563] {strides = array<i32>} : memref<100x64xf32, #tpu.memory_space<vmem>>, vector<16xf32>,
        tpu.vector_store %arg13[%swap3A_562, %swap3A_563], %mul3A_561 {strides = array<i32>} : memref<100x64xf32, #tpu.memory_space<vmem>>, vector<16xf32>,
        %get3A_565 = arith.index_cast %add3A_547 : i32 to index
        %get3A_566 = arith.constant 32 : index
        %get3A_567 = tpu.vector_load %arg11[%get3A_565, %get3A_566] {strides = array<i32>} : memref<100x64xf32, #tpu.memory_space<vmem>>, vector<16xf32>,
        %mul3A_568 = arith.mulf %get3A_567, %gather3A_550 : vector<16xf32>
        %swap3A_569 = arith.index_cast %add3A_547 : i32 to index
        %swap3A_570 = arith.constant 32 : index
        %swap3A_571 = tpu.vector_load %arg13[%swap3A_569, %swap3A_570] {strides = array<i32>} : memref<100x64xf32, #tpu.memory_space<vmem>>, vector<16xf32>,
        tpu.vector_store %arg13[%swap3A_569, %swap3A_570], %mul3A_568 {strides = array<i32>} : memref<100x64xf32, #tpu.memory_space<vmem>>, vector<16xf32>,
        %get3A_572 = arith.index_cast %add3A_547 : i32 to index
        %get3A_573 = arith.constant 48 : index
        %get3A_574 = tpu.vector_load %arg11[%get3A_572, %get3A_573] {strides = array<i32>} : memref<100x64xf32, #tpu.memory_space<vmem>>, vector<16xf32>,
        %mul3A_575 = arith.mulf %get3A_574, %gather3A_550 : vector<16xf32>
        %swap3A_576 = arith.index_cast %add3A_547 : i32 to index
        %swap3A_577 = arith.constant 48 : index
        %swap3A_578 = tpu.vector_load %arg13[%swap3A_576, %swap3A_577] {strides = array<i32>} : memref<100x64xf32, #tpu.memory_space<vmem>>, vector<16xf32>,
        tpu.vector_store %arg13[%swap3A_576, %swap3A_577], %mul3A_575 {strides = array<i32>} : memref<100x64xf32, #tpu.memory_space<vmem>>, vector<16xf32>,
        %add3A_579 = arith.constant 14 : i32
        %add3A_580 = arith.addi %add3A_120, %add3A_579 : i32
        %broadcast_in_dim3A_581 = vector.broadcast %add3A_56 : i32 to vector<16xi32>
        %broadcast_in_dim3A_582 = vector.broadcast %add3A_580 : i32 to vector<16xi32>
        %gather3A_583 = tpu.vector_load_idx %arg10[%broadcast_in_dim3A_581, %broadcast_in_dim3A_582] : memref<100x100xf32, #tpu.memory_space<vmem>>[vector<16xi32>, vector<16xi32>], vector<16xf32>,
        %get3A_584 = arith.index_cast %add3A_580 : i32 to index
        %get3A_585 = arith.constant 0 : index
        %get3A_586 = tpu.vector_load %arg11[%get3A_584, %get3A_585] {strides = array<i32>} : memref<100x64xf32, #tpu.memory_space<vmem>>, vector<16xf32>,
        %mul3A_587 = arith.mulf %get3A_586, %gather3A_583 : vector<16xf32>
        %swap3A_588 = arith.index_cast %add3A_580 : i32 to index
        %swap3A_589 = arith.constant 0 : index
        %swap3A_590 = tpu.vector_load %arg13[%swap3A_588, %swap3A_589] {strides = array<i32>} : memref<100x64xf32, #tpu.memory_space<vmem>>, vector<16xf32>,
        tpu.vector_store %arg13[%swap3A_588, %swap3A_589], %mul3A_587 {strides = array<i32>} : memref<100x64xf32, #tpu.memory_space<vmem>>, vector<16xf32>,
        %get3A_591 = arith.index_cast %add3A_580 : i32 to index
        %get3A_592 = arith.constant 16 : index
        %get3A_593 = tpu.vector_load %arg11[%get3A_591, %get3A_592] {strides = array<i32>} : memref<100x64xf32, #tpu.memory_space<vmem>>, vector<16xf32>,
        %mul3A_594 = arith.mulf %get3A_593, %gather3A_583 : vector<16xf32>
        %swap3A_595 = arith.index_cast %add3A_580 : i32 to index
        %swap3A_596 = arith.constant 16 : index
        %swap3A_597 = tpu.vector_load %arg13[%swap3A_595, %swap3A_596] {strides = array<i32>} : memref<100x64xf32, #tpu.memory_space<vmem>>, vector<16xf32>,
        tpu.vector_store %arg13[%swap3A_595, %swap3A_596], %mul3A_594 {strides = array<i32>} : memref<100x64xf32, #tpu.memory_space<vmem>>, vector<16xf32>,
        %get3A_598 = arith.index_cast %add3A_580 : i32 to index
        %get3A_599 = arith.constant 32 : index
        %get3A_600 = tpu.vector_load %arg11[%get3A_598, %get3A_599] {strides = array<i32>} : memref<100x64xf32, #tpu.memory_space<vmem>>, vector<16xf32>,
        %mul3A_601 = arith.mulf %get3A_600, %gather3A_583 : vector<16xf32>
        %swap3A_602 = arith.index_cast %add3A_580 : i32 to index
        %swap3A_603 = arith.constant 32 : index
        %swap3A_604 = tpu.vector_load %arg13[%swap3A_602, %swap3A_603] {strides = array<i32>} : memref<100x64xf32, #tpu.memory_space<vmem>>, vector<16xf32>,
        tpu.vector_store %arg13[%swap3A_602, %swap3A_603], %mul3A_601 {strides = array<i32>} : memref<100x64xf32, #tpu.memory_space<vmem>>, vector<16xf32>,
        %get3A_605 = arith.index_cast %add3A_580 : i32 to index
        %get3A_606 = arith.constant 48 : index
        %get3A_607 = tpu.vector_load %arg11[%get3A_605, %get3A_606] {strides = array<i32>} : memref<100x64xf32, #tpu.memory_space<vmem>>, vector<16xf32>,
        %mul3A_608 = arith.mulf %get3A_607, %gather3A_583 : vector<16xf32>
        %swap3A_609 = arith.index_cast %add3A_580 : i32 to index
        %swap3A_610 = arith.constant 48 : index
        %swap3A_611 = tpu.vector_load %arg13[%swap3A_609, %swap3A_610] {strides = array<i32>} : memref<100x64xf32, #tpu.memory_space<vmem>>, vector<16xf32>,
        tpu.vector_store %arg13[%swap3A_609, %swap3A_610], %mul3A_608 {strides = array<i32>} : memref<100x64xf32, #tpu.memory_space<vmem>>, vector<16xf32>,
        %add3A_612 = arith.constant 15 : i32
        %add3A_613 = arith.addi %add3A_120, %add3A_612 : i32
        %broadcast_in_dim3A_614 = vector.broadcast %add3A_56 : i32 to vector<16xi32>
        %broadcast_in_dim3A_615 = vector.broadcast %add3A_613 : i32 to vector<16xi32>
        %gather3A_616 = tpu.vector_load_idx %arg10[%broadcast_in_dim3A_614, %broadcast_in_dim3A_615] : memref<100x100xf32, #tpu.memory_space<vmem>>[vector<16xi32>, vector<16xi32>], vector<16xf32>,
        %get3A_617 = arith.index_cast %add3A_613 : i32 to index
        %get3A_618 = arith.constant 0 : index
        %get3A_619 = tpu.vector_load %arg11[%get3A_617, %get3A_618] {strides = array<i32>} : memref<100x64xf32, #tpu.memory_space<vmem>>, vector<16xf32>,
        %mul3A_620 = arith.mulf %get3A_619, %gather3A_616 : vector<16xf32>
        %swap3A_621 = arith.index_cast %add3A_613 : i32 to index
        %swap3A_622 = arith.constant 0 : index
        %swap3A_623 = tpu.vector_load %arg13[%swap3A_621, %swap3A_622] {strides = array<i32>} : memref<100x64xf32, #tpu.memory_space<vmem>>, vector<16xf32>,
        tpu.vector_store %arg13[%swap3A_621, %swap3A_622], %mul3A_620 {strides = array<i32>} : memref<100x64xf32, #tpu.memory_space<vmem>>, vector<16xf32>,
        %get3A_624 = arith.index_cast %add3A_613 : i32 to index
        %get3A_625 = arith.constant 16 : index
        %get3A_626 = tpu.vector_load %arg11[%get3A_624, %get3A_625] {strides = array<i32>} : memref<100x64xf32, #tpu.memory_space<vmem>>, vector<16xf32>,
        %mul3A_627 = arith.mulf %get3A_626, %gather3A_616 : vector<16xf32>
        %swap3A_628 = arith.index_cast %add3A_613 : i32 to index
        %swap3A_629 = arith.constant 16 : index
        %swap3A_630 = tpu.vector_load %arg13[%swap3A_628, %swap3A_629] {strides = array<i32>} : memref<100x64xf32, #tpu.memory_space<vmem>>, vector<16xf32>,
        tpu.vector_store %arg13[%swap3A_628, %swap3A_629], %mul3A_627 {strides = array<i32>} : memref<100x64xf32, #tpu.memory_space<vmem>>, vector<16xf32>,
        %get3A_631 = arith.index_cast %add3A_613 : i32 to index
        %get3A_632 = arith.constant 32 : index
        %get3A_633 = tpu.vector_load %arg11[%get3A_631, %get3A_632] {strides = array<i32>} : memref<100x64xf32, #tpu.memory_space<vmem>>, vector<16xf32>,
        %mul3A_634 = arith.mulf %get3A_633, %gather3A_616 : vector<16xf32>
        %swap3A_635 = arith.index_cast %add3A_613 : i32 to index
        %swap3A_636 = arith.constant 32 : index
        %swap3A_637 = tpu.vector_load %arg13[%swap3A_635, %swap3A_636] {strides = array<i32>} : memref<100x64xf32, #tpu.memory_space<vmem>>, vector<16xf32>,
        tpu.vector_store %arg13[%swap3A_635, %swap3A_636], %mul3A_634 {strides = array<i32>} : memref<100x64xf32, #tpu.memory_space<vmem>>, vector<16xf32>,
        %get3A_638 = arith.index_cast %add3A_613 : i32 to index
        %get3A_639 = arith.constant 48 : index
        %get3A_640 = tpu.vector_load %arg11[%get3A_638, %get3A_639] {strides = array<i32>} : memref<100x64xf32, #tpu.memory_space<vmem>>, vector<16xf32>,
        %mul3A_641 = arith.mulf %get3A_640, %gather3A_616 : vector<16xf32>
        %swap3A_642 = arith.index_cast %add3A_613 : i32 to index
        %swap3A_643 = arith.constant 48 : index
        %swap3A_644 = tpu.vector_load %arg13[%swap3A_642, %swap3A_643] {strides = array<i32>} : memref<100x64xf32, #tpu.memory_space<vmem>>, vector<16xf32>,
        tpu.vector_store %arg13[%swap3A_642, %swap3A_643], %mul3A_641 {strides = array<i32>} : memref<100x64xf32, #tpu.memory_space<vmem>>, vector<16xf32>,
        %add3A_645 = arith.constant 16 : i32
        %add3A_646 = arith.addi %add3A_120, %add3A_645 : i32
        %broadcast_in_dim3A_647 = vector.broadcast %add3A_56 : i32 to vector<16xi32>
        %broadcast_in_dim3A_648 = vector.broadcast %add3A_646 : i32 to vector<16xi32>
        %gather3A_649 = tpu.vector_load_idx %arg10[%broadcast_in_dim3A_647, %broadcast_in_dim3A_648] : memref<100x100xf32, #tpu.memory_space<vmem>>[vector<16xi32>, vector<16xi32>], vector<16xf32>,
        %get3A_650 = arith.index_cast %add3A_646 : i32 to index
        %get3A_651 = arith.constant 0 : index
        %get3A_652 = tpu.vector_load %arg11[%get3A_650, %get3A_651] {strides = array<i32>} : memref<100x64xf32, #tpu.memory_space<vmem>>, vector<16xf32>,
        %mul3A_653 = arith.mulf %get3A_652, %gather3A_649 : vector<16xf32>
        %swap3A_654 = arith.index_cast %add3A_646 : i32 to index
        %swap3A_655 = arith.constant 0 : index
        %swap3A_656 = tpu.vector_load %arg13[%swap3A_654, %swap3A_655] {strides = array<i32>} : memref<100x64xf32, #tpu.memory_space<vmem>>, vector<16xf32>,
        tpu.vector_store %arg13[%swap3A_654, %swap3A_655], %mul3A_653 {strides = array<i32>} : memref<100x64xf32, #tpu.memory_space<vmem>>, vector<16xf32>,
        %get3A_657 = arith.index_cast %add3A_646 : i32 to index
        %get3A_658 = arith.constant 16 : index
        %get3A_659 = tpu.vector_load %arg11[%get3A_657, %get3A_658] {strides = array<i32>} : memref<100x64xf32, #tpu.memory_space<vmem>>, vector<16xf32>,
        %mul3A_660 = arith.mulf %get3A_659, %gather3A_649 : vector<16xf32>
        %swap3A_661 = arith.index_cast %add3A_646 : i32 to index
        %swap3A_662 = arith.constant 16 : index
        %swap3A_663 = tpu.vector_load %arg13[%swap3A_661, %swap3A_662] {strides = array<i32>} : memref<100x64xf32, #tpu.memory_space<vmem>>, vector<16xf32>,
        tpu.vector_store %arg13[%swap3A_661, %swap3A_662], %mul3A_660 {strides = array<i32>} : memref<100x64xf32, #tpu.memory_space<vmem>>, vector<16xf32>,
        %get3A_664 = arith.index_cast %add3A_646 : i32 to index
        %get3A_665 = arith.constant 32 : index
        %get3A_666 = tpu.vector_load %arg11[%get3A_664, %get3A_665] {strides = array<i32>} : memref<100x64xf32, #tpu.memory_space<vmem>>, vector<16xf32>,
        %mul3A_667 = arith.mulf %get3A_666, %gather3A_649 : vector<16xf32>
        %swap3A_668 = arith.index_cast %add3A_646 : i32 to index
        %swap3A_669 = arith.constant 32 : index
        %swap3A_670 = tpu.vector_load %arg13[%swap3A_668, %swap3A_669] {strides = array<i32>} : memref<100x64xf32, #tpu.memory_space<vmem>>, vector<16xf32>,
        tpu.vector_store %arg13[%swap3A_668, %swap3A_669], %mul3A_667 {strides = array<i32>} : memref<100x64xf32, #tpu.memory_space<vmem>>, vector<16xf32>,
        %get3A_671 = arith.index_cast %add3A_646 : i32 to index
        %get3A_672 = arith.constant 48 : index
        %get3A_673 = tpu.vector_load %arg11[%get3A_671, %get3A_672] {strides = array<i32>} : memref<100x64xf32, #tpu.memory_space<vmem>>, vector<16xf32>,
        %mul3A_674 = arith.mulf %get3A_673, %gather3A_649 : vector<16xf32>
        %swap3A_675 = arith.index_cast %add3A_646 : i32 to index
        %swap3A_676 = arith.constant 48 : index
        %swap3A_677 = tpu.vector_load %arg13[%swap3A_675, %swap3A_676] {strides = array<i32>} : memref<100x64xf32, #tpu.memory_space<vmem>>, vector<16xf32>,
        tpu.vector_store %arg13[%swap3A_675, %swap3A_676], %mul3A_674 {strides = array<i32>} : memref<100x64xf32, #tpu.memory_space<vmem>>, vector<16xf32>,
        %add3A_678 = arith.constant 17 : i32
        %add3A_679 = arith.addi %add3A_120, %add3A_678 : i32
        %broadcast_in_dim3A_680 = vector.broadcast %add3A_56 : i32 to vector<16xi32>
        %broadcast_in_dim3A_681 = vector.broadcast %add3A_679 : i32 to vector<16xi32>
        %gather3A_682 = tpu.vector_load_idx %arg10[%broadcast_in_dim3A_680, %broadcast_in_dim3A_681] : memref<100x100xf32, #tpu.memory_space<vmem>>[vector<16xi32>, vector<16xi32>], vector<16xf32>,
        %get3A_683 = arith.index_cast %add3A_679 : i32 to index
        %get3A_684 = arith.constant 0 : index
        %get3A_685 = tpu.vector_load %arg11[%get3A_683, %get3A_684] {strides = array<i32>} : memref<100x64xf32, #tpu.memory_space<vmem>>, vector<16xf32>,
        %mul3A_686 = arith.mulf %get3A_685, %gather3A_682 : vector<16xf32>
        %swap3A_687 = arith.index_cast %add3A_679 : i32 to index
        %swap3A_688 = arith.constant 0 : index
        %swap3A_689 = tpu.vector_load %arg13[%swap3A_687, %swap3A_688] {strides = array<i32>} : memref<100x64xf32, #tpu.memory_space<vmem>>, vector<16xf32>,
        tpu.vector_store %arg13[%swap3A_687, %swap3A_688], %mul3A_686 {strides = array<i32>} : memref<100x64xf32, #tpu.memory_space<vmem>>, vector<16xf32>,
        %get3A_690 = arith.index_cast %add3A_679 : i32 to index
        %get3A_691 = arith.constant 16 : index
        %get3A_692 = tpu.vector_load %arg11[%get3A_690, %get3A_691] {strides = array<i32>} : memref<100x64xf32, #tpu.memory_space<vmem>>, vector<16xf32>,
        %mul3A_693 = arith.mulf %get3A_692, %gather3A_682 : vector<16xf32>
        %swap3A_694 = arith.index_cast %add3A_679 : i32 to index
        %swap3A_695 = arith.constant 16 : index
        %swap3A_696 = tpu.vector_load %arg13[%swap3A_694, %swap3A_695] {strides = array<i32>} : memref<100x64xf32, #tpu.memory_space<vmem>>, vector<16xf32>,
        tpu.vector_store %arg13[%swap3A_694, %swap3A_695], %mul3A_693 {strides = array<i32>} : memref<100x64xf32, #tpu.memory_space<vmem>>, vector<16xf32>,
        %get3A_697 = arith.index_cast %add3A_679 : i32 to index
        %get3A_698 = arith.constant 32 : index
        %get3A_699 = tpu.vector_load %arg11[%get3A_697, %get3A_698] {strides = array<i32>} : memref<100x64xf32, #tpu.memory_space<vmem>>, vector<16xf32>,
        %mul3A_700 = arith.mulf %get3A_699, %gather3A_682 : vector<16xf32>
        %swap3A_701 = arith.index_cast %add3A_679 : i32 to index
        %swap3A_702 = arith.constant 32 : index
        %swap3A_703 = tpu.vector_load %arg13[%swap3A_701, %swap3A_702] {strides = array<i32>} : memref<100x64xf32, #tpu.memory_space<vmem>>, vector<16xf32>,
        tpu.vector_store %arg13[%swap3A_701, %swap3A_702], %mul3A_700 {strides = array<i32>} : memref<100x64xf32, #tpu.memory_space<vmem>>, vector<16xf32>,
        %get3A_704 = arith.index_cast %add3A_679 : i32 to index
        %get3A_705 = arith.constant 48 : index
        %get3A_706 = tpu.vector_load %arg11[%get3A_704, %get3A_705] {strides = array<i32>} : memref<100x64xf32, #tpu.memory_space<vmem>>, vector<16xf32>,
        %mul3A_707 = arith.mulf %get3A_706, %gather3A_682 : vector<16xf32>
        %swap3A_708 = arith.index_cast %add3A_679 : i32 to index
        %swap3A_709 = arith.constant 48 : index
        %swap3A_710 = tpu.vector_load %arg13[%swap3A_708, %swap3A_709] {strides = array<i32>} : memref<100x64xf32, #tpu.memory_space<vmem>>, vector<16xf32>,
        tpu.vector_store %arg13[%swap3A_708, %swap3A_709], %mul3A_707 {strides = array<i32>} : memref<100x64xf32, #tpu.memory_space<vmem>>, vector<16xf32>,
        %add3A_711 = arith.constant 18 : i32
        %add3A_712 = arith.addi %add3A_120, %add3A_711 : i32
        %broadcast_in_dim3A_713 = vector.broadcast %add3A_56 : i32 to vector<16xi32>
        %broadcast_in_dim3A_714 = vector.broadcast %add3A_712 : i32 to vector<16xi32>
        %gather3A_715 = tpu.vector_load_idx %arg10[%broadcast_in_dim3A_713, %broadcast_in_dim3A_714] : memref<100x100xf32, #tpu.memory_space<vmem>>[vector<16xi32>, vector<16xi32>], vector<16xf32>,
        %get3A_716 = arith.index_cast %add3A_712 : i32 to index
        %get3A_717 = arith.constant 0 : index
        %get3A_718 = tpu.vector_load %arg11[%get3A_716, %get3A_717] {strides = array<i32>} : memref<100x64xf32, #tpu.memory_space<vmem>>, vector<16xf32>,
        %mul3A_719 = arith.mulf %get3A_718, %gather3A_715 : vector<16xf32>
        %swap3A_720 = arith.index_cast %add3A_712 : i32 to index
        %swap3A_721 = arith.constant 0 : index
        %swap3A_722 = tpu.vector_load %arg13[%swap3A_720, %swap3A_721] {strides = array<i32>} : memref<100x64xf32, #tpu.memory_space<vmem>>, vector<16xf32>,
        tpu.vector_store %arg13[%swap3A_720, %swap3A_721], %mul3A_719 {strides = array<i32>} : memref<100x64xf32, #tpu.memory_space<vmem>>, vector<16xf32>,
        %get3A_723 = arith.index_cast %add3A_712 : i32 to index
        %get3A_724 = arith.constant 16 : index
        %get3A_725 = tpu.vector_load %arg11[%get3A_723, %get3A_724] {strides = array<i32>} : memref<100x64xf32, #tpu.memory_space<vmem>>, vector<16xf32>,
        %mul3A_726 = arith.mulf %get3A_725, %gather3A_715 : vector<16xf32>
        %swap3A_727 = arith.index_cast %add3A_712 : i32 to index
        %swap3A_728 = arith.constant 16 : index
        %swap3A_729 = tpu.vector_load %arg13[%swap3A_727, %swap3A_728] {strides = array<i32>} : memref<100x64xf32, #tpu.memory_space<vmem>>, vector<16xf32>,
        tpu.vector_store %arg13[%swap3A_727, %swap3A_728], %mul3A_726 {strides = array<i32>} : memref<100x64xf32, #tpu.memory_space<vmem>>, vector<16xf32>,
        %get3A_730 = arith.index_cast %add3A_712 : i32 to index
        %get3A_731 = arith.constant 32 : index
        %get3A_732 = tpu.vector_load %arg11[%get3A_730, %get3A_731] {strides = array<i32>} : memref<100x64xf32, #tpu.memory_space<vmem>>, vector<16xf32>,
        %mul3A_733 = arith.mulf %get3A_732, %gather3A_715 : vector<16xf32>
        %swap3A_734 = arith.index_cast %add3A_712 : i32 to index
        %swap3A_735 = arith.constant 32 : index
        %swap3A_736 = tpu.vector_load %arg13[%swap3A_734, %swap3A_735] {strides = array<i32>} : memref<100x64xf32, #tpu.memory_space<vmem>>, vector<16xf32>,
        tpu.vector_store %arg13[%swap3A_734, %swap3A_735], %mul3A_733 {strides = array<i32>} : memref<100x64xf32, #tpu.memory_space<vmem>>, vector<16xf32>,
        %get3A_737 = arith.index_cast %add3A_712 : i32 to index
        %get3A_738 = arith.constant 48 : index
        %get3A_739 = tpu.vector_load %arg11[%get3A_737, %get3A_738] {strides = array<i32>} : memref<100x64xf32, #tpu.memory_space<vmem>>, vector<16xf32>,
        %mul3A_740 = arith.mulf %get3A_739, %gather3A_715 : vector<16xf32>
        %swap3A_741 = arith.index_cast %add3A_712 : i32 to index
        %swap3A_742 = arith.constant 48 : index
        %swap3A_743 = tpu.vector_load %arg13[%swap3A_741, %swap3A_742] {strides = array<i32>} : memref<100x64xf32, #tpu.memory_space<vmem>>, vector<16xf32>,
        tpu.vector_store %arg13[%swap3A_741, %swap3A_742], %mul3A_740 {strides = array<i32>} : memref<100x64xf32, #tpu.memory_space<vmem>>, vector<16xf32>,
        %add3A_744 = arith.constant 19 : i32
        %add3A_745 = arith.addi %add3A_120, %add3A_744 : i32
        %broadcast_in_dim3A_746 = vector.broadcast %add3A_56 : i32 to vector<16xi32>
        %broadcast_in_dim3A_747 = vector.broadcast %add3A_745 : i32 to vector<16xi32>
        %gather3A_748 = tpu.vector_load_idx %arg10[%broadcast_in_dim3A_746, %broadcast_in_dim3A_747] : memref<100x100xf32, #tpu.memory_space<vmem>>[vector<16xi32>, vector<16xi32>], vector<16xf32>,
        %get3A_749 = arith.index_cast %add3A_745 : i32 to index
        %get3A_750 = arith.constant 0 : index
        %get3A_751 = tpu.vector_load %arg11[%get3A_749, %get3A_750] {strides = array<i32>} : memref<100x64xf32, #tpu.memory_space<vmem>>, vector<16xf32>,
        %mul3A_752 = arith.mulf %get3A_751, %gather3A_748 : vector<16xf32>
        %swap3A_753 = arith.index_cast %add3A_745 : i32 to index
        %swap3A_754 = arith.constant 0 : index
        %swap3A_755 = tpu.vector_load %arg13[%swap3A_753, %swap3A_754] {strides = array<i32>} : memref<100x64xf32, #tpu.memory_space<vmem>>, vector<16xf32>,
        tpu.vector_store %arg13[%swap3A_753, %swap3A_754], %mul3A_752 {strides = array<i32>} : memref<100x64xf32, #tpu.memory_space<vmem>>, vector<16xf32>,
        %get3A_756 = arith.index_cast %add3A_745 : i32 to index
        %get3A_757 = arith.constant 16 : index
        %get3A_758 = tpu.vector_load %arg11[%get3A_756, %get3A_757] {strides = array<i32>} : memref<100x64xf32, #tpu.memory_space<vmem>>, vector<16xf32>,
        %mul3A_759 = arith.mulf %get3A_758, %gather3A_748 : vector<16xf32>
        %swap3A_760 = arith.index_cast %add3A_745 : i32 to index
        %swap3A_761 = arith.constant 16 : index
        %swap3A_762 = tpu.vector_load %arg13[%swap3A_760, %swap3A_761] {strides = array<i32>} : memref<100x64xf32, #tpu.memory_space<vmem>>, vector<16xf32>,
        tpu.vector_store %arg13[%swap3A_760, %swap3A_761], %mul3A_759 {strides = array<i32>} : memref<100x64xf32, #tpu.memory_space<vmem>>, vector<16xf32>,
        %get3A_763 = arith.index_cast %add3A_745 : i32 to index
        %get3A_764 = arith.constant 32 : index
        %get3A_765 = tpu.vector_load %arg11[%get3A_763, %get3A_764] {strides = array<i32>} : memref<100x64xf32, #tpu.memory_space<vmem>>, vector<16xf32>,
        %mul3A_766 = arith.mulf %get3A_765, %gather3A_748 : vector<16xf32>
        %swap3A_767 = arith.index_cast %add3A_745 : i32 to index
        %swap3A_768 = arith.constant 32 : index
        %swap3A_769 = tpu.vector_load %arg13[%swap3A_767, %swap3A_768] {strides = array<i32>} : memref<100x64xf32, #tpu.memory_space<vmem>>, vector<16xf32>,
        tpu.vector_store %arg13[%swap3A_767, %swap3A_768], %mul3A_766 {strides = array<i32>} : memref<100x64xf32, #tpu.memory_space<vmem>>, vector<16xf32>,
        %get3A_770 = arith.index_cast %add3A_745 : i32 to index
        %get3A_771 = arith.constant 48 : index
        %get3A_772 = tpu.vector_load %arg11[%get3A_770, %get3A_771] {strides = array<i32>} : memref<100x64xf32, #tpu.memory_space<vmem>>, vector<16xf32>,
        %mul3A_773 = arith.mulf %get3A_772, %gather3A_748 : vector<16xf32>
        %swap3A_774 = arith.index_cast %add3A_745 : i32 to index
        %swap3A_775 = arith.constant 48 : index
        %swap3A_776 = tpu.vector_load %arg13[%swap3A_774, %swap3A_775] {strides = array<i32>} : memref<100x64xf32, #tpu.memory_space<vmem>>, vector<16xf32>,
        tpu.vector_store %arg13[%swap3A_774, %swap3A_775], %mul3A_773 {strides = array<i32>} : memref<100x64xf32, #tpu.memory_space<vmem>>, vector<16xf32>,
      }
      %scan3A_71 = arith.constant 5 : i32
      %add3A_72 = arith.constant 2 : i32
      %add3A_73 = arith.addi %add3A_56, %add3A_72 : i32
      %lt3A_74 = arith.constant 100 : i32
      %lt3A_75 = arith.cmpi slt, %add3A_73, %lt3A_74 : i32
      %convert_element_type3A_76 = arith.extui %lt3A_75 : i1 to i32
      %cond3A_77 = arith.constant 0 : i32
      %cond3A_78 = arith.cmpi ne, %convert_element_type3A_76, %cond3A_77 : i32
      scf.if %cond3A_78 {
        %add3A_116 = arith.constant 2 : i32
        %add3A_117 = arith.addi %add3A_56, %add3A_116 : i32
        %dma_start3A_118 = arith.constant 0 : i32
        %dma_start3A_119 = tpu.memref_slice %arg8[%add3A_117, %dma_start3A_118] : memref<100x100xi32, #tpu.memory_space<vmem>> -> memref<1x100xi32, #tpu.memory_space<vmem>>
        %dma_start3A_120 = tpu.memref_squeeze %dma_start3A_119 : memref<1x100xi32, #tpu.memory_space<vmem>> -> memref<100xi32, #tpu.memory_space<vmem>>
        %dma_start3A_121 = arith.constant 0 : i32
        %dma_start3A_122 = arith.constant 0 : i32
        %dma_start3A_123 = tpu.memref_slice %arg2[%dma_start3A_121, %dma_start3A_122] : memref<10000x64xf32, #tpu.memory_space<hbm>> -> memref<10000x64xf32, #tpu.memory_space<hbm>>
        tpu.enqueue_indirect_dma source(%dma_start3A_123 : memref<10000x64xf32, #tpu.memory_space<hbm>>) target(%arg11 : memref<100x64xf32, #tpu.memory_space<vmem>>) offsets(%dma_start3A_120 : memref<100xi32, #tpu.memory_space<vmem>>) semaphore(%arg16 : memref<!tpu.dma_semaphore, #tpu.memory_space<semaphore_mem>>)
      } else {
      }
      %dma_start3A_79 = arith.constant 0 : i32
      %dma_start3A_80 = tpu.memref_slice %arg9[%add3A_56, %dma_start3A_79] : memref<100x100xi32, #tpu.memory_space<vmem>> -> memref<1x100xi32, #tpu.memory_space<vmem>>
      %dma_start3A_81 = tpu.memref_squeeze %dma_start3A_80 : memref<1x100xi32, #tpu.memory_space<vmem>> -> memref<100xi32, #tpu.memory_space<vmem>>
      %dma_start3A_82 = arith.constant 0 : i32
      %dma_start3A_83 = arith.constant 0 : i32
      %dma_start3A_84 = tpu.memref_slice %arg15[%dma_start3A_82, %dma_start3A_83] : memref<10000x64xf32, #tpu.memory_space<vmem_shared>> -> memref<10000x64xf32, #tpu.memory_space<vmem_shared>>
      tpu.enqueue_indirect_dma source(%arg13 : memref<100x64xf32, #tpu.memory_space<vmem>>) target(%dma_start3A_84 : memref<10000x64xf32, #tpu.memory_space<vmem_shared>>) offsets(%dma_start3A_81 : memref<100xi32, #tpu.memory_space<vmem>>) semaphore(%arg18 : memref<!tpu.dma_semaphore, #tpu.memory_space<semaphore_mem>>) {add = true}
      %add3A_85 = arith.constant 1 : i32
      %add3A_86 = arith.addi %add3A_54, %add3A_85 : i32
      %dma_wait3A_87 = arith.constant 0 : i32
      %dma_wait3A_88 = tpu.memref_slice %arg8[%add3A_86, %dma_wait3A_87] : memref<100x100xi32, #tpu.memory_space<vmem>> -> memref<1x100xi32, #tpu.memory_space<vmem>>
      %dma_wait3A_89 = tpu.memref_squeeze %dma_wait3A_88 : memref<1x100xi32, #tpu.memory_space<vmem>> -> memref<100xi32, #tpu.memory_space<vmem>>
      %dma_wait3A_90 = arith.constant 0 : i32
      %dma_wait3A_91 = arith.constant 0 : i32
      %dma_wait3A_92 = tpu.memref_slice %arg2[%dma_wait3A_90, %dma_wait3A_91] : memref<10000x64xf32, #tpu.memory_space<hbm>> -> memref<10000x64xf32, #tpu.memory_space<hbm>>
      tpu.wait_indirect_dma semaphore(%arg17 : memref<!tpu.dma_semaphore, #tpu.memory_space<semaphore_mem>>) src(%dma_wait3A_92 : memref<10000x64xf32, #tpu.memory_space<hbm>>) dst(%arg12 : memref<100x64xf32, #tpu.memory_space<vmem>>)
      %ge3A_93 = arith.constant 2 : i32
      %ge3A_94 = arith.cmpi sge, %add3A_86, %ge3A_93 : i32
      %convert_element_type3A_95 = arith.extui %ge3A_94 : i1 to i32
      %cond3A_96 = arith.constant 0 : i32
      %cond3A_97 = arith.cmpi ne, %convert_element_type3A_95, %cond3A_96 : i32
      scf.if %cond3A_97 {
        %dma_wait3A_116 = arith.constant 0 : i32
        %dma_wait3A_117 = tpu.memref_slice %arg9[%add3A_86, %dma_wait3A_116] : memref<100x100xi32, #tpu.memory_space<vmem>> -> memref<1x100xi32, #tpu.memory_space<vmem>>
        %dma_wait3A_118 = tpu.memref_squeeze %dma_wait3A_117 : memref<1x100xi32, #tpu.memory_space<vmem>> -> memref<100xi32, #tpu.memory_space<vmem>>
        %dma_wait3A_119 = arith.constant 0 : i32
        %dma_wait3A_120 = arith.constant 0 : i32
        %dma_wait3A_121 = tpu.memref_slice %arg15[%dma_wait3A_119, %dma_wait3A_120] : memref<10000x64xf32, #tpu.memory_space<vmem_shared>> -> memref<10000x64xf32, #tpu.memory_space<vmem_shared>>
        tpu.wait_indirect_dma semaphore(%arg19 : memref<!tpu.dma_semaphore, #tpu.memory_space<semaphore_mem>>) src(%arg14 : memref<100x64xf32, #tpu.memory_space<vmem>>) dst(%dma_wait3A_121 : memref<10000x64xf32, #tpu.memory_space<vmem_shared>>)
      } else {
      }
      %scan3A_98 = arith.constant 0 : i32
      %scan3A_99 = arith.constant 5 : i32
      %scan3A_100 = arith.addi %scan3A_98, %scan3A_99 : i32
      %scan3A_101 = arith.constant 1 : i32
      scf.for %scan3A_116 = %scan3A_98 to %scan3A_100 step %scan3A_101  : i32 {
        %mul3A_117 = arith.constant 20 : i32
        %mul3A_118 = arith.muli %scan3A_116, %mul3A_117 : i32
        %add3A_119 = arith.constant 0 : i32
        %add3A_120 = arith.addi %add3A_119, %mul3A_118 : i32
        %add3A_121 = arith.constant 0 : i32
        %add3A_122 = arith.addi %add3A_120, %add3A_121 : i32
        %broadcast_in_dim3A = vector.broadcast %add3A_86 : i32 to vector<16xi32>
        %broadcast_in_dim3A_123 = vector.broadcast %add3A_122 : i32 to vector<16xi32>
        %gather3A = tpu.vector_load_idx %arg10[%broadcast_in_dim3A, %broadcast_in_dim3A_123] : memref<100x100xf32, #tpu.memory_space<vmem>>[vector<16xi32>, vector<16xi32>], vector<16xf32>,
        %get3A = arith.index_cast %add3A_122 : i32 to index
        %get3A_124 = arith.constant 0 : index
        %get3A_125 = tpu.vector_load %arg12[%get3A, %get3A_124] {strides = array<i32>} : memref<100x64xf32, #tpu.memory_space<vmem>>, vector<16xf32>,
        %mul3A_126 = arith.mulf %get3A_125, %gather3A : vector<16xf32>
        %swap3A = arith.index_cast %add3A_122 : i32 to index
        %swap3A_127 = arith.constant 0 : index
        %swap3A_128 = tpu.vector_load %arg14[%swap3A, %swap3A_127] {strides = array<i32>} : memref<100x64xf32, #tpu.memory_space<vmem>>, vector<16xf32>,
        tpu.vector_store %arg14[%swap3A, %swap3A_127], %mul3A_126 {strides = array<i32>} : memref<100x64xf32, #tpu.memory_space<vmem>>, vector<16xf32>,
        %get3A_129 = arith.index_cast %add3A_122 : i32 to index
        %get3A_130 = arith.constant 16 : index
        %get3A_131 = tpu.vector_load %arg12[%get3A_129, %get3A_130] {strides = array<i32>} : memref<100x64xf32, #tpu.memory_space<vmem>>, vector<16xf32>,
        %mul3A_132 = arith.mulf %get3A_131, %gather3A : vector<16xf32>
        %swap3A_133 = arith.index_cast %add3A_122 : i32 to index
        %swap3A_134 = arith.constant 16 : index
        %swap3A_135 = tpu.vector_load %arg14[%swap3A_133, %swap3A_134] {strides = array<i32>} : memref<100x64xf32, #tpu.memory_space<vmem>>, vector<16xf32>,
        tpu.vector_store %arg14[%swap3A_133, %swap3A_134], %mul3A_132 {strides = array<i32>} : memref<100x64xf32, #tpu.memory_space<vmem>>, vector<16xf32>,
        %get3A_136 = arith.index_cast %add3A_122 : i32 to index
        %get3A_137 = arith.constant 32 : index
        %get3A_138 = tpu.vector_load %arg12[%get3A_136, %get3A_137] {strides = array<i32>} : memref<100x64xf32, #tpu.memory_space<vmem>>, vector<16xf32>,
        %mul3A_139 = arith.mulf %get3A_138, %gather3A : vector<16xf32>
        %swap3A_140 = arith.index_cast %add3A_122 : i32 to index
        %swap3A_141 = arith.constant 32 : index
        %swap3A_142 = tpu.vector_load %arg14[%swap3A_140, %swap3A_141] {strides = array<i32>} : memref<100x64xf32, #tpu.memory_space<vmem>>, vector<16xf32>,
        tpu.vector_store %arg14[%swap3A_140, %swap3A_141], %mul3A_139 {strides = array<i32>} : memref<100x64xf32, #tpu.memory_space<vmem>>, vector<16xf32>,
        %get3A_143 = arith.index_cast %add3A_122 : i32 to index
        %get3A_144 = arith.constant 48 : index
        %get3A_145 = tpu.vector_load %arg12[%get3A_143, %get3A_144] {strides = array<i32>} : memref<100x64xf32, #tpu.memory_space<vmem>>, vector<16xf32>,
        %mul3A_146 = arith.mulf %get3A_145, %gather3A : vector<16xf32>
        %swap3A_147 = arith.index_cast %add3A_122 : i32 to index
        %swap3A_148 = arith.constant 48 : index
        %swap3A_149 = tpu.vector_load %arg14[%swap3A_147, %swap3A_148] {strides = array<i32>} : memref<100x64xf32, #tpu.memory_space<vmem>>, vector<16xf32>,
        tpu.vector_store %arg14[%swap3A_147, %swap3A_148], %mul3A_146 {strides = array<i32>} : memref<100x64xf32, #tpu.memory_space<vmem>>, vector<16xf32>,
        %add3A_150 = arith.constant 1 : i32
        %add3A_151 = arith.addi %add3A_120, %add3A_150 : i32
        %broadcast_in_dim3A_152 = vector.broadcast %add3A_86 : i32 to vector<16xi32>
        %broadcast_in_dim3A_153 = vector.broadcast %add3A_151 : i32 to vector<16xi32>
        %gather3A_154 = tpu.vector_load_idx %arg10[%broadcast_in_dim3A_152, %broadcast_in_dim3A_153] : memref<100x100xf32, #tpu.memory_space<vmem>>[vector<16xi32>, vector<16xi32>], vector<16xf32>,
        %get3A_155 = arith.index_cast %add3A_151 : i32 to index
        %get3A_156 = arith.constant 0 : index
        %get3A_157 = tpu.vector_load %arg12[%get3A_155, %get3A_156] {strides = array<i32>} : memref<100x64xf32, #tpu.memory_space<vmem>>, vector<16xf32>,
        %mul3A_158 = arith.mulf %get3A_157, %gather3A_154 : vector<16xf32>
        %swap3A_159 = arith.index_cast %add3A_151 : i32 to index
        %swap3A_160 = arith.constant 0 : index
        %swap3A_161 = tpu.vector_load %arg14[%swap3A_159, %swap3A_160] {strides = array<i32>} : memref<100x64xf32, #tpu.memory_space<vmem>>, vector<16xf32>,
        tpu.vector_store %arg14[%swap3A_159, %swap3A_160], %mul3A_158 {strides = array<i32>} : memref<100x64xf32, #tpu.memory_space<vmem>>, vector<16xf32>,
        %get3A_162 = arith.index_cast %add3A_151 : i32 to index
        %get3A_163 = arith.constant 16 : index
        %get3A_164 = tpu.vector_load %arg12[%get3A_162, %get3A_163] {strides = array<i32>} : memref<100x64xf32, #tpu.memory_space<vmem>>, vector<16xf32>,
        %mul3A_165 = arith.mulf %get3A_164, %gather3A_154 : vector<16xf32>
        %swap3A_166 = arith.index_cast %add3A_151 : i32 to index
        %swap3A_167 = arith.constant 16 : index
        %swap3A_168 = tpu.vector_load %arg14[%swap3A_166, %swap3A_167] {strides = array<i32>} : memref<100x64xf32, #tpu.memory_space<vmem>>, vector<16xf32>,
        tpu.vector_store %arg14[%swap3A_166, %swap3A_167], %mul3A_165 {strides = array<i32>} : memref<100x64xf32, #tpu.memory_space<vmem>>, vector<16xf32>,
        %get3A_169 = arith.index_cast %add3A_151 : i32 to index
        %get3A_170 = arith.constant 32 : index
        %get3A_171 = tpu.vector_load %arg12[%get3A_169, %get3A_170] {strides = array<i32>} : memref<100x64xf32, #tpu.memory_space<vmem>>, vector<16xf32>,
        %mul3A_172 = arith.mulf %get3A_171, %gather3A_154 : vector<16xf32>
        %swap3A_173 = arith.index_cast %add3A_151 : i32 to index
        %swap3A_174 = arith.constant 32 : index
        %swap3A_175 = tpu.vector_load %arg14[%swap3A_173, %swap3A_174] {strides = array<i32>} : memref<100x64xf32, #tpu.memory_space<vmem>>, vector<16xf32>,
        tpu.vector_store %arg14[%swap3A_173, %swap3A_174], %mul3A_172 {strides = array<i32>} : memref<100x64xf32, #tpu.memory_space<vmem>>, vector<16xf32>,
        %get3A_176 = arith.index_cast %add3A_151 : i32 to index
        %get3A_177 = arith.constant 48 : index
        %get3A_178 = tpu.vector_load %arg12[%get3A_176, %get3A_177] {strides = array<i32>} : memref<100x64xf32, #tpu.memory_space<vmem>>, vector<16xf32>,
        %mul3A_179 = arith.mulf %get3A_178, %gather3A_154 : vector<16xf32>
        %swap3A_180 = arith.index_cast %add3A_151 : i32 to index
        %swap3A_181 = arith.constant 48 : index
        %swap3A_182 = tpu.vector_load %arg14[%swap3A_180, %swap3A_181] {strides = array<i32>} : memref<100x64xf32, #tpu.memory_space<vmem>>, vector<16xf32>,
        tpu.vector_store %arg14[%swap3A_180, %swap3A_181], %mul3A_179 {strides = array<i32>} : memref<100x64xf32, #tpu.memory_space<vmem>>, vector<16xf32>,
        %add3A_183 = arith.constant 2 : i32
        %add3A_184 = arith.addi %add3A_120, %add3A_183 : i32
        %broadcast_in_dim3A_185 = vector.broadcast %add3A_86 : i32 to vector<16xi32>
        %broadcast_in_dim3A_186 = vector.broadcast %add3A_184 : i32 to vector<16xi32>
        %gather3A_187 = tpu.vector_load_idx %arg10[%broadcast_in_dim3A_185, %broadcast_in_dim3A_186] : memref<100x100xf32, #tpu.memory_space<vmem>>[vector<16xi32>, vector<16xi32>], vector<16xf32>,
        %get3A_188 = arith.index_cast %add3A_184 : i32 to index
        %get3A_189 = arith.constant 0 : index
        %get3A_190 = tpu.vector_load %arg12[%get3A_188, %get3A_189] {strides = array<i32>} : memref<100x64xf32, #tpu.memory_space<vmem>>, vector<16xf32>,
        %mul3A_191 = arith.mulf %get3A_190, %gather3A_187 : vector<16xf32>
        %swap3A_192 = arith.index_cast %add3A_184 : i32 to index
        %swap3A_193 = arith.constant 0 : index
        %swap3A_194 = tpu.vector_load %arg14[%swap3A_192, %swap3A_193] {strides = array<i32>} : memref<100x64xf32, #tpu.memory_space<vmem>>, vector<16xf32>,
        tpu.vector_store %arg14[%swap3A_192, %swap3A_193], %mul3A_191 {strides = array<i32>} : memref<100x64xf32, #tpu.memory_space<vmem>>, vector<16xf32>,
        %get3A_195 = arith.index_cast %add3A_184 : i32 to index
        %get3A_196 = arith.constant 16 : index
        %get3A_197 = tpu.vector_load %arg12[%get3A_195, %get3A_196] {strides = array<i32>} : memref<100x64xf32, #tpu.memory_space<vmem>>, vector<16xf32>,
        %mul3A_198 = arith.mulf %get3A_197, %gather3A_187 : vector<16xf32>
        %swap3A_199 = arith.index_cast %add3A_184 : i32 to index
        %swap3A_200 = arith.constant 16 : index
        %swap3A_201 = tpu.vector_load %arg14[%swap3A_199, %swap3A_200] {strides = array<i32>} : memref<100x64xf32, #tpu.memory_space<vmem>>, vector<16xf32>,
        tpu.vector_store %arg14[%swap3A_199, %swap3A_200], %mul3A_198 {strides = array<i32>} : memref<100x64xf32, #tpu.memory_space<vmem>>, vector<16xf32>,
        %get3A_202 = arith.index_cast %add3A_184 : i32 to index
        %get3A_203 = arith.constant 32 : index
        %get3A_204 = tpu.vector_load %arg12[%get3A_202, %get3A_203] {strides = array<i32>} : memref<100x64xf32, #tpu.memory_space<vmem>>, vector<16xf32>,
        %mul3A_205 = arith.mulf %get3A_204, %gather3A_187 : vector<16xf32>
        %swap3A_206 = arith.index_cast %add3A_184 : i32 to index
        %swap3A_207 = arith.constant 32 : index
        %swap3A_208 = tpu.vector_load %arg14[%swap3A_206, %swap3A_207] {strides = array<i32>} : memref<100x64xf32, #tpu.memory_space<vmem>>, vector<16xf32>,
        tpu.vector_store %arg14[%swap3A_206, %swap3A_207], %mul3A_205 {strides = array<i32>} : memref<100x64xf32, #tpu.memory_space<vmem>>, vector<16xf32>,
        %get3A_209 = arith.index_cast %add3A_184 : i32 to index
        %get3A_210 = arith.constant 48 : index
        %get3A_211 = tpu.vector_load %arg12[%get3A_209, %get3A_210] {strides = array<i32>} : memref<100x64xf32, #tpu.memory_space<vmem>>, vector<16xf32>,
        %mul3A_212 = arith.mulf %get3A_211, %gather3A_187 : vector<16xf32>
        %swap3A_213 = arith.index_cast %add3A_184 : i32 to index
        %swap3A_214 = arith.constant 48 : index
        %swap3A_215 = tpu.vector_load %arg14[%swap3A_213, %swap3A_214] {strides = array<i32>} : memref<100x64xf32, #tpu.memory_space<vmem>>, vector<16xf32>,
        tpu.vector_store %arg14[%swap3A_213, %swap3A_214], %mul3A_212 {strides = array<i32>} : memref<100x64xf32, #tpu.memory_space<vmem>>, vector<16xf32>,
        %add3A_216 = arith.constant 3 : i32
        %add3A_217 = arith.addi %add3A_120, %add3A_216 : i32
        %broadcast_in_dim3A_218 = vector.broadcast %add3A_86 : i32 to vector<16xi32>
        %broadcast_in_dim3A_219 = vector.broadcast %add3A_217 : i32 to vector<16xi32>
        %gather3A_220 = tpu.vector_load_idx %arg10[%broadcast_in_dim3A_218, %broadcast_in_dim3A_219] : memref<100x100xf32, #tpu.memory_space<vmem>>[vector<16xi32>, vector<16xi32>], vector<16xf32>,
        %get3A_221 = arith.index_cast %add3A_217 : i32 to index
        %get3A_222 = arith.constant 0 : index
        %get3A_223 = tpu.vector_load %arg12[%get3A_221, %get3A_222] {strides = array<i32>} : memref<100x64xf32, #tpu.memory_space<vmem>>, vector<16xf32>,
        %mul3A_224 = arith.mulf %get3A_223, %gather3A_220 : vector<16xf32>
        %swap3A_225 = arith.index_cast %add3A_217 : i32 to index
        %swap3A_226 = arith.constant 0 : index
        %swap3A_227 = tpu.vector_load %arg14[%swap3A_225, %swap3A_226] {strides = array<i32>} : memref<100x64xf32, #tpu.memory_space<vmem>>, vector<16xf32>,
        tpu.vector_store %arg14[%swap3A_225, %swap3A_226], %mul3A_224 {strides = array<i32>} : memref<100x64xf32, #tpu.memory_space<vmem>>, vector<16xf32>,
        %get3A_228 = arith.index_cast %add3A_217 : i32 to index
        %get3A_229 = arith.constant 16 : index
        %get3A_230 = tpu.vector_load %arg12[%get3A_228, %get3A_229] {strides = array<i32>} : memref<100x64xf32, #tpu.memory_space<vmem>>, vector<16xf32>,
        %mul3A_231 = arith.mulf %get3A_230, %gather3A_220 : vector<16xf32>
        %swap3A_232 = arith.index_cast %add3A_217 : i32 to index
        %swap3A_233 = arith.constant 16 : index
        %swap3A_234 = tpu.vector_load %arg14[%swap3A_232, %swap3A_233] {strides = array<i32>} : memref<100x64xf32, #tpu.memory_space<vmem>>, vector<16xf32>,
        tpu.vector_store %arg14[%swap3A_232, %swap3A_233], %mul3A_231 {strides = array<i32>} : memref<100x64xf32, #tpu.memory_space<vmem>>, vector<16xf32>,
        %get3A_235 = arith.index_cast %add3A_217 : i32 to index
        %get3A_236 = arith.constant 32 : index
        %get3A_237 = tpu.vector_load %arg12[%get3A_235, %get3A_236] {strides = array<i32>} : memref<100x64xf32, #tpu.memory_space<vmem>>, vector<16xf32>,
        %mul3A_238 = arith.mulf %get3A_237, %gather3A_220 : vector<16xf32>
        %swap3A_239 = arith.index_cast %add3A_217 : i32 to index
        %swap3A_240 = arith.constant 32 : index
        %swap3A_241 = tpu.vector_load %arg14[%swap3A_239, %swap3A_240] {strides = array<i32>} : memref<100x64xf32, #tpu.memory_space<vmem>>, vector<16xf32>,
        tpu.vector_store %arg14[%swap3A_239, %swap3A_240], %mul3A_238 {strides = array<i32>} : memref<100x64xf32, #tpu.memory_space<vmem>>, vector<16xf32>,
        %get3A_242 = arith.index_cast %add3A_217 : i32 to index
        %get3A_243 = arith.constant 48 : index
        %get3A_244 = tpu.vector_load %arg12[%get3A_242, %get3A_243] {strides = array<i32>} : memref<100x64xf32, #tpu.memory_space<vmem>>, vector<16xf32>,
        %mul3A_245 = arith.mulf %get3A_244, %gather3A_220 : vector<16xf32>
        %swap3A_246 = arith.index_cast %add3A_217 : i32 to index
        %swap3A_247 = arith.constant 48 : index
        %swap3A_248 = tpu.vector_load %arg14[%swap3A_246, %swap3A_247] {strides = array<i32>} : memref<100x64xf32, #tpu.memory_space<vmem>>, vector<16xf32>,
        tpu.vector_store %arg14[%swap3A_246, %swap3A_247], %mul3A_245 {strides = array<i32>} : memref<100x64xf32, #tpu.memory_space<vmem>>, vector<16xf32>,
        %add3A_249 = arith.constant 4 : i32
        %add3A_250 = arith.addi %add3A_120, %add3A_249 : i32
        %broadcast_in_dim3A_251 = vector.broadcast %add3A_86 : i32 to vector<16xi32>
        %broadcast_in_dim3A_252 = vector.broadcast %add3A_250 : i32 to vector<16xi32>
        %gather3A_253 = tpu.vector_load_idx %arg10[%broadcast_in_dim3A_251, %broadcast_in_dim3A_252] : memref<100x100xf32, #tpu.memory_space<vmem>>[vector<16xi32>, vector<16xi32>], vector<16xf32>,
        %get3A_254 = arith.index_cast %add3A_250 : i32 to index
        %get3A_255 = arith.constant 0 : index
        %get3A_256 = tpu.vector_load %arg12[%get3A_254, %get3A_255] {strides = array<i32>} : memref<100x64xf32, #tpu.memory_space<vmem>>, vector<16xf32>,
        %mul3A_257 = arith.mulf %get3A_256, %gather3A_253 : vector<16xf32>
        %swap3A_258 = arith.index_cast %add3A_250 : i32 to index
        %swap3A_259 = arith.constant 0 : index
        %swap3A_260 = tpu.vector_load %arg14[%swap3A_258, %swap3A_259] {strides = array<i32>} : memref<100x64xf32, #tpu.memory_space<vmem>>, vector<16xf32>,
        tpu.vector_store %arg14[%swap3A_258, %swap3A_259], %mul3A_257 {strides = array<i32>} : memref<100x64xf32, #tpu.memory_space<vmem>>, vector<16xf32>,
        %get3A_261 = arith.index_cast %add3A_250 : i32 to index
        %get3A_262 = arith.constant 16 : index
        %get3A_263 = tpu.vector_load %arg12[%get3A_261, %get3A_262] {strides = array<i32>} : memref<100x64xf32, #tpu.memory_space<vmem>>, vector<16xf32>,
        %mul3A_264 = arith.mulf %get3A_263, %gather3A_253 : vector<16xf32>
        %swap3A_265 = arith.index_cast %add3A_250 : i32 to index
        %swap3A_266 = arith.constant 16 : index
        %swap3A_267 = tpu.vector_load %arg14[%swap3A_265, %swap3A_266] {strides = array<i32>} : memref<100x64xf32, #tpu.memory_space<vmem>>, vector<16xf32>,
        tpu.vector_store %arg14[%swap3A_265, %swap3A_266], %mul3A_264 {strides = array<i32>} : memref<100x64xf32, #tpu.memory_space<vmem>>, vector<16xf32>,
        %get3A_268 = arith.index_cast %add3A_250 : i32 to index
        %get3A_269 = arith.constant 32 : index
        %get3A_270 = tpu.vector_load %arg12[%get3A_268, %get3A_269] {strides = array<i32>} : memref<100x64xf32, #tpu.memory_space<vmem>>, vector<16xf32>,
        %mul3A_271 = arith.mulf %get3A_270, %gather3A_253 : vector<16xf32>
        %swap3A_272 = arith.index_cast %add3A_250 : i32 to index
        %swap3A_273 = arith.constant 32 : index
        %swap3A_274 = tpu.vector_load %arg14[%swap3A_272, %swap3A_273] {strides = array<i32>} : memref<100x64xf32, #tpu.memory_space<vmem>>, vector<16xf32>,
        tpu.vector_store %arg14[%swap3A_272, %swap3A_273], %mul3A_271 {strides = array<i32>} : memref<100x64xf32, #tpu.memory_space<vmem>>, vector<16xf32>,
        %get3A_275 = arith.index_cast %add3A_250 : i32 to index
        %get3A_276 = arith.constant 48 : index
        %get3A_277 = tpu.vector_load %arg12[%get3A_275, %get3A_276] {strides = array<i32>} : memref<100x64xf32, #tpu.memory_space<vmem>>, vector<16xf32>,
        %mul3A_278 = arith.mulf %get3A_277, %gather3A_253 : vector<16xf32>
        %swap3A_279 = arith.index_cast %add3A_250 : i32 to index
        %swap3A_280 = arith.constant 48 : index
        %swap3A_281 = tpu.vector_load %arg14[%swap3A_279, %swap3A_280] {strides = array<i32>} : memref<100x64xf32, #tpu.memory_space<vmem>>, vector<16xf32>,
        tpu.vector_store %arg14[%swap3A_279, %swap3A_280], %mul3A_278 {strides = array<i32>} : memref<100x64xf32, #tpu.memory_space<vmem>>, vector<16xf32>,
        %add3A_282 = arith.constant 5 : i32
        %add3A_283 = arith.addi %add3A_120, %add3A_282 : i32
        %broadcast_in_dim3A_284 = vector.broadcast %add3A_86 : i32 to vector<16xi32>
        %broadcast_in_dim3A_285 = vector.broadcast %add3A_283 : i32 to vector<16xi32>
        %gather3A_286 = tpu.vector_load_idx %arg10[%broadcast_in_dim3A_284, %broadcast_in_dim3A_285] : memref<100x100xf32, #tpu.memory_space<vmem>>[vector<16xi32>, vector<16xi32>], vector<16xf32>,
        %get3A_287 = arith.index_cast %add3A_283 : i32 to index
        %get3A_288 = arith.constant 0 : index
        %get3A_289 = tpu.vector_load %arg12[%get3A_287, %get3A_288] {strides = array<i32>} : memref<100x64xf32, #tpu.memory_space<vmem>>, vector<16xf32>,
        %mul3A_290 = arith.mulf %get3A_289, %gather3A_286 : vector<16xf32>
        %swap3A_291 = arith.index_cast %add3A_283 : i32 to index
        %swap3A_292 = arith.constant 0 : index
        %swap3A_293 = tpu.vector_load %arg14[%swap3A_291, %swap3A_292] {strides = array<i32>} : memref<100x64xf32, #tpu.memory_space<vmem>>, vector<16xf32>,
        tpu.vector_store %arg14[%swap3A_291, %swap3A_292], %mul3A_290 {strides = array<i32>} : memref<100x64xf32, #tpu.memory_space<vmem>>, vector<16xf32>,
        %get3A_294 = arith.index_cast %add3A_283 : i32 to index
        %get3A_295 = arith.constant 16 : index
        %get3A_296 = tpu.vector_load %arg12[%get3A_294, %get3A_295] {strides = array<i32>} : memref<100x64xf32, #tpu.memory_space<vmem>>, vector<16xf32>,
        %mul3A_297 = arith.mulf %get3A_296, %gather3A_286 : vector<16xf32>
        %swap3A_298 = arith.index_cast %add3A_283 : i32 to index
        %swap3A_299 = arith.constant 16 : index
        %swap3A_300 = tpu.vector_load %arg14[%swap3A_298, %swap3A_299] {strides = array<i32>} : memref<100x64xf32, #tpu.memory_space<vmem>>, vector<16xf32>,
        tpu.vector_store %arg14[%swap3A_298, %swap3A_299], %mul3A_297 {strides = array<i32>} : memref<100x64xf32, #tpu.memory_space<vmem>>, vector<16xf32>,
        %get3A_301 = arith.index_cast %add3A_283 : i32 to index
        %get3A_302 = arith.constant 32 : index
        %get3A_303 = tpu.vector_load %arg12[%get3A_301, %get3A_302] {strides = array<i32>} : memref<100x64xf32, #tpu.memory_space<vmem>>, vector<16xf32>,
        %mul3A_304 = arith.mulf %get3A_303, %gather3A_286 : vector<16xf32>
        %swap3A_305 = arith.index_cast %add3A_283 : i32 to index
        %swap3A_306 = arith.constant 32 : index
        %swap3A_307 = tpu.vector_load %arg14[%swap3A_305, %swap3A_306] {strides = array<i32>} : memref<100x64xf32, #tpu.memory_space<vmem>>, vector<16xf32>,
        tpu.vector_store %arg14[%swap3A_305, %swap3A_306], %mul3A_304 {strides = array<i32>} : memref<100x64xf32, #tpu.memory_space<vmem>>, vector<16xf32>,
        %get3A_308 = arith.index_cast %add3A_283 : i32 to index
        %get3A_309 = arith.constant 48 : index
        %get3A_310 = tpu.vector_load %arg12[%get3A_308, %get3A_309] {strides = array<i32>} : memref<100x64xf32, #tpu.memory_space<vmem>>, vector<16xf32>,
        %mul3A_311 = arith.mulf %get3A_310, %gather3A_286 : vector<16xf32>
        %swap3A_312 = arith.index_cast %add3A_283 : i32 to index
        %swap3A_313 = arith.constant 48 : index
        %swap3A_314 = tpu.vector_load %arg14[%swap3A_312, %swap3A_313] {strides = array<i32>} : memref<100x64xf32, #tpu.memory_space<vmem>>, vector<16xf32>,
        tpu.vector_store %arg14[%swap3A_312, %swap3A_313], %mul3A_311 {strides = array<i32>} : memref<100x64xf32, #tpu.memory_space<vmem>>, vector<16xf32>,
        %add3A_315 = arith.constant 6 : i32
        %add3A_316 = arith.addi %add3A_120, %add3A_315 : i32
        %broadcast_in_dim3A_317 = vector.broadcast %add3A_86 : i32 to vector<16xi32>
        %broadcast_in_dim3A_318 = vector.broadcast %add3A_316 : i32 to vector<16xi32>
        %gather3A_319 = tpu.vector_load_idx %arg10[%broadcast_in_dim3A_317, %broadcast_in_dim3A_318] : memref<100x100xf32, #tpu.memory_space<vmem>>[vector<16xi32>, vector<16xi32>], vector<16xf32>,
        %get3A_320 = arith.index_cast %add3A_316 : i32 to index
        %get3A_321 = arith.constant 0 : index
        %get3A_322 = tpu.vector_load %arg12[%get3A_320, %get3A_321] {strides = array<i32>} : memref<100x64xf32, #tpu.memory_space<vmem>>, vector<16xf32>,
        %mul3A_323 = arith.mulf %get3A_322, %gather3A_319 : vector<16xf32>
        %swap3A_324 = arith.index_cast %add3A_316 : i32 to index
        %swap3A_325 = arith.constant 0 : index
        %swap3A_326 = tpu.vector_load %arg14[%swap3A_324, %swap3A_325] {strides = array<i32>} : memref<100x64xf32, #tpu.memory_space<vmem>>, vector<16xf32>,
        tpu.vector_store %arg14[%swap3A_324, %swap3A_325], %mul3A_323 {strides = array<i32>} : memref<100x64xf32, #tpu.memory_space<vmem>>, vector<16xf32>,
        %get3A_327 = arith.index_cast %add3A_316 : i32 to index
        %get3A_328 = arith.constant 16 : index
        %get3A_329 = tpu.vector_load %arg12[%get3A_327, %get3A_328] {strides = array<i32>} : memref<100x64xf32, #tpu.memory_space<vmem>>, vector<16xf32>,
        %mul3A_330 = arith.mulf %get3A_329, %gather3A_319 : vector<16xf32>
        %swap3A_331 = arith.index_cast %add3A_316 : i32 to index
        %swap3A_332 = arith.constant 16 : index
        %swap3A_333 = tpu.vector_load %arg14[%swap3A_331, %swap3A_332] {strides = array<i32>} : memref<100x64xf32, #tpu.memory_space<vmem>>, vector<16xf32>,
        tpu.vector_store %arg14[%swap3A_331, %swap3A_332], %mul3A_330 {strides = array<i32>} : memref<100x64xf32, #tpu.memory_space<vmem>>, vector<16xf32>,
        %get3A_334 = arith.index_cast %add3A_316 : i32 to index
        %get3A_335 = arith.constant 32 : index
        %get3A_336 = tpu.vector_load %arg12[%get3A_334, %get3A_335] {strides = array<i32>} : memref<100x64xf32, #tpu.memory_space<vmem>>, vector<16xf32>,
        %mul3A_337 = arith.mulf %get3A_336, %gather3A_319 : vector<16xf32>
        %swap3A_338 = arith.index_cast %add3A_316 : i32 to index
        %swap3A_339 = arith.constant 32 : index
        %swap3A_340 = tpu.vector_load %arg14[%swap3A_338, %swap3A_339] {strides = array<i32>} : memref<100x64xf32, #tpu.memory_space<vmem>>, vector<16xf32>,
        tpu.vector_store %arg14[%swap3A_338, %swap3A_339], %mul3A_337 {strides = array<i32>} : memref<100x64xf32, #tpu.memory_space<vmem>>, vector<16xf32>,
        %get3A_341 = arith.index_cast %add3A_316 : i32 to index
        %get3A_342 = arith.constant 48 : index
        %get3A_343 = tpu.vector_load %arg12[%get3A_341, %get3A_342] {strides = array<i32>} : memref<100x64xf32, #tpu.memory_space<vmem>>, vector<16xf32>,
        %mul3A_344 = arith.mulf %get3A_343, %gather3A_319 : vector<16xf32>
        %swap3A_345 = arith.index_cast %add3A_316 : i32 to index
        %swap3A_346 = arith.constant 48 : index
        %swap3A_347 = tpu.vector_load %arg14[%swap3A_345, %swap3A_346] {strides = array<i32>} : memref<100x64xf32, #tpu.memory_space<vmem>>, vector<16xf32>,
        tpu.vector_store %arg14[%swap3A_345, %swap3A_346], %mul3A_344 {strides = array<i32>} : memref<100x64xf32, #tpu.memory_space<vmem>>, vector<16xf32>,
        %add3A_348 = arith.constant 7 : i32
        %add3A_349 = arith.addi %add3A_120, %add3A_348 : i32
        %broadcast_in_dim3A_350 = vector.broadcast %add3A_86 : i32 to vector<16xi32>
        %broadcast_in_dim3A_351 = vector.broadcast %add3A_349 : i32 to vector<16xi32>
        %gather3A_352 = tpu.vector_load_idx %arg10[%broadcast_in_dim3A_350, %broadcast_in_dim3A_351] : memref<100x100xf32, #tpu.memory_space<vmem>>[vector<16xi32>, vector<16xi32>], vector<16xf32>,
        %get3A_353 = arith.index_cast %add3A_349 : i32 to index
        %get3A_354 = arith.constant 0 : index
        %get3A_355 = tpu.vector_load %arg12[%get3A_353, %get3A_354] {strides = array<i32>} : memref<100x64xf32, #tpu.memory_space<vmem>>, vector<16xf32>,
        %mul3A_356 = arith.mulf %get3A_355, %gather3A_352 : vector<16xf32>
        %swap3A_357 = arith.index_cast %add3A_349 : i32 to index
        %swap3A_358 = arith.constant 0 : index
        %swap3A_359 = tpu.vector_load %arg14[%swap3A_357, %swap3A_358] {strides = array<i32>} : memref<100x64xf32, #tpu.memory_space<vmem>>, vector<16xf32>,
        tpu.vector_store %arg14[%swap3A_357, %swap3A_358], %mul3A_356 {strides = array<i32>} : memref<100x64xf32, #tpu.memory_space<vmem>>, vector<16xf32>,
        %get3A_360 = arith.index_cast %add3A_349 : i32 to index
        %get3A_361 = arith.constant 16 : index
        %get3A_362 = tpu.vector_load %arg12[%get3A_360, %get3A_361] {strides = array<i32>} : memref<100x64xf32, #tpu.memory_space<vmem>>, vector<16xf32>,
        %mul3A_363 = arith.mulf %get3A_362, %gather3A_352 : vector<16xf32>
        %swap3A_364 = arith.index_cast %add3A_349 : i32 to index
        %swap3A_365 = arith.constant 16 : index
        %swap3A_366 = tpu.vector_load %arg14[%swap3A_364, %swap3A_365] {strides = array<i32>} : memref<100x64xf32, #tpu.memory_space<vmem>>, vector<16xf32>,
        tpu.vector_store %arg14[%swap3A_364, %swap3A_365], %mul3A_363 {strides = array<i32>} : memref<100x64xf32, #tpu.memory_space<vmem>>, vector<16xf32>,
        %get3A_367 = arith.index_cast %add3A_349 : i32 to index
        %get3A_368 = arith.constant 32 : index
        %get3A_369 = tpu.vector_load %arg12[%get3A_367, %get3A_368] {strides = array<i32>} : memref<100x64xf32, #tpu.memory_space<vmem>>, vector<16xf32>,
        %mul3A_370 = arith.mulf %get3A_369, %gather3A_352 : vector<16xf32>
        %swap3A_371 = arith.index_cast %add3A_349 : i32 to index
        %swap3A_372 = arith.constant 32 : index
        %swap3A_373 = tpu.vector_load %arg14[%swap3A_371, %swap3A_372] {strides = array<i32>} : memref<100x64xf32, #tpu.memory_space<vmem>>, vector<16xf32>,
        tpu.vector_store %arg14[%swap3A_371, %swap3A_372], %mul3A_370 {strides = array<i32>} : memref<100x64xf32, #tpu.memory_space<vmem>>, vector<16xf32>,
        %get3A_374 = arith.index_cast %add3A_349 : i32 to index
        %get3A_375 = arith.constant 48 : index
        %get3A_376 = tpu.vector_load %arg12[%get3A_374, %get3A_375] {strides = array<i32>} : memref<100x64xf32, #tpu.memory_space<vmem>>, vector<16xf32>,
        %mul3A_377 = arith.mulf %get3A_376, %gather3A_352 : vector<16xf32>
        %swap3A_378 = arith.index_cast %add3A_349 : i32 to index
        %swap3A_379 = arith.constant 48 : index
        %swap3A_380 = tpu.vector_load %arg14[%swap3A_378, %swap3A_379] {strides = array<i32>} : memref<100x64xf32, #tpu.memory_space<vmem>>, vector<16xf32>,
        tpu.vector_store %arg14[%swap3A_378, %swap3A_379], %mul3A_377 {strides = array<i32>} : memref<100x64xf32, #tpu.memory_space<vmem>>, vector<16xf32>,
        %add3A_381 = arith.constant 8 : i32
        %add3A_382 = arith.addi %add3A_120, %add3A_381 : i32
        %broadcast_in_dim3A_383 = vector.broadcast %add3A_86 : i32 to vector<16xi32>
        %broadcast_in_dim3A_384 = vector.broadcast %add3A_382 : i32 to vector<16xi32>
        %gather3A_385 = tpu.vector_load_idx %arg10[%broadcast_in_dim3A_383, %broadcast_in_dim3A_384] : memref<100x100xf32, #tpu.memory_space<vmem>>[vector<16xi32>, vector<16xi32>], vector<16xf32>,
        %get3A_386 = arith.index_cast %add3A_382 : i32 to index
        %get3A_387 = arith.constant 0 : index
        %get3A_388 = tpu.vector_load %arg12[%get3A_386, %get3A_387] {strides = array<i32>} : memref<100x64xf32, #tpu.memory_space<vmem>>, vector<16xf32>,
        %mul3A_389 = arith.mulf %get3A_388, %gather3A_385 : vector<16xf32>
        %swap3A_390 = arith.index_cast %add3A_382 : i32 to index
        %swap3A_391 = arith.constant 0 : index
        %swap3A_392 = tpu.vector_load %arg14[%swap3A_390, %swap3A_391] {strides = array<i32>} : memref<100x64xf32, #tpu.memory_space<vmem>>, vector<16xf32>,
        tpu.vector_store %arg14[%swap3A_390, %swap3A_391], %mul3A_389 {strides = array<i32>} : memref<100x64xf32, #tpu.memory_space<vmem>>, vector<16xf32>,
        %get3A_393 = arith.index_cast %add3A_382 : i32 to index
        %get3A_394 = arith.constant 16 : index
        %get3A_395 = tpu.vector_load %arg12[%get3A_393, %get3A_394] {strides = array<i32>} : memref<100x64xf32, #tpu.memory_space<vmem>>, vector<16xf32>,
        %mul3A_396 = arith.mulf %get3A_395, %gather3A_385 : vector<16xf32>
        %swap3A_397 = arith.index_cast %add3A_382 : i32 to index
        %swap3A_398 = arith.constant 16 : index
        %swap3A_399 = tpu.vector_load %arg14[%swap3A_397, %swap3A_398] {strides = array<i32>} : memref<100x64xf32, #tpu.memory_space<vmem>>, vector<16xf32>,
        tpu.vector_store %arg14[%swap3A_397, %swap3A_398], %mul3A_396 {strides = array<i32>} : memref<100x64xf32, #tpu.memory_space<vmem>>, vector<16xf32>,
        %get3A_400 = arith.index_cast %add3A_382 : i32 to index
        %get3A_401 = arith.constant 32 : index
        %get3A_402 = tpu.vector_load %arg12[%get3A_400, %get3A_401] {strides = array<i32>} : memref<100x64xf32, #tpu.memory_space<vmem>>, vector<16xf32>,
        %mul3A_403 = arith.mulf %get3A_402, %gather3A_385 : vector<16xf32>
        %swap3A_404 = arith.index_cast %add3A_382 : i32 to index
        %swap3A_405 = arith.constant 32 : index
        %swap3A_406 = tpu.vector_load %arg14[%swap3A_404, %swap3A_405] {strides = array<i32>} : memref<100x64xf32, #tpu.memory_space<vmem>>, vector<16xf32>,
        tpu.vector_store %arg14[%swap3A_404, %swap3A_405], %mul3A_403 {strides = array<i32>} : memref<100x64xf32, #tpu.memory_space<vmem>>, vector<16xf32>,
        %get3A_407 = arith.index_cast %add3A_382 : i32 to index
        %get3A_408 = arith.constant 48 : index
        %get3A_409 = tpu.vector_load %arg12[%get3A_407, %get3A_408] {strides = array<i32>} : memref<100x64xf32, #tpu.memory_space<vmem>>, vector<16xf32>,
        %mul3A_410 = arith.mulf %get3A_409, %gather3A_385 : vector<16xf32>
        %swap3A_411 = arith.index_cast %add3A_382 : i32 to index
        %swap3A_412 = arith.constant 48 : index
        %swap3A_413 = tpu.vector_load %arg14[%swap3A_411, %swap3A_412] {strides = array<i32>} : memref<100x64xf32, #tpu.memory_space<vmem>>, vector<16xf32>,
        tpu.vector_store %arg14[%swap3A_411, %swap3A_412], %mul3A_410 {strides = array<i32>} : memref<100x64xf32, #tpu.memory_space<vmem>>, vector<16xf32>,
        %add3A_414 = arith.constant 9 : i32
        %add3A_415 = arith.addi %add3A_120, %add3A_414 : i32
        %broadcast_in_dim3A_416 = vector.broadcast %add3A_86 : i32 to vector<16xi32>
        %broadcast_in_dim3A_417 = vector.broadcast %add3A_415 : i32 to vector<16xi32>
        %gather3A_418 = tpu.vector_load_idx %arg10[%broadcast_in_dim3A_416, %broadcast_in_dim3A_417] : memref<100x100xf32, #tpu.memory_space<vmem>>[vector<16xi32>, vector<16xi32>], vector<16xf32>,
        %get3A_419 = arith.index_cast %add3A_415 : i32 to index
        %get3A_420 = arith.constant 0 : index
        %get3A_421 = tpu.vector_load %arg12[%get3A_419, %get3A_420] {strides = array<i32>} : memref<100x64xf32, #tpu.memory_space<vmem>>, vector<16xf32>,
        %mul3A_422 = arith.mulf %get3A_421, %gather3A_418 : vector<16xf32>
        %swap3A_423 = arith.index_cast %add3A_415 : i32 to index
        %swap3A_424 = arith.constant 0 : index
        %swap3A_425 = tpu.vector_load %arg14[%swap3A_423, %swap3A_424] {strides = array<i32>} : memref<100x64xf32, #tpu.memory_space<vmem>>, vector<16xf32>,
        tpu.vector_store %arg14[%swap3A_423, %swap3A_424], %mul3A_422 {strides = array<i32>} : memref<100x64xf32, #tpu.memory_space<vmem>>, vector<16xf32>,
        %get3A_426 = arith.index_cast %add3A_415 : i32 to index
        %get3A_427 = arith.constant 16 : index
        %get3A_428 = tpu.vector_load %arg12[%get3A_426, %get3A_427] {strides = array<i32>} : memref<100x64xf32, #tpu.memory_space<vmem>>, vector<16xf32>,
        %mul3A_429 = arith.mulf %get3A_428, %gather3A_418 : vector<16xf32>
        %swap3A_430 = arith.index_cast %add3A_415 : i32 to index
        %swap3A_431 = arith.constant 16 : index
        %swap3A_432 = tpu.vector_load %arg14[%swap3A_430, %swap3A_431] {strides = array<i32>} : memref<100x64xf32, #tpu.memory_space<vmem>>, vector<16xf32>,
        tpu.vector_store %arg14[%swap3A_430, %swap3A_431], %mul3A_429 {strides = array<i32>} : memref<100x64xf32, #tpu.memory_space<vmem>>, vector<16xf32>,
        %get3A_433 = arith.index_cast %add3A_415 : i32 to index
        %get3A_434 = arith.constant 32 : index
        %get3A_435 = tpu.vector_load %arg12[%get3A_433, %get3A_434] {strides = array<i32>} : memref<100x64xf32, #tpu.memory_space<vmem>>, vector<16xf32>,
        %mul3A_436 = arith.mulf %get3A_435, %gather3A_418 : vector<16xf32>
        %swap3A_437 = arith.index_cast %add3A_415 : i32 to index
        %swap3A_438 = arith.constant 32 : index
        %swap3A_439 = tpu.vector_load %arg14[%swap3A_437, %swap3A_438] {strides = array<i32>} : memref<100x64xf32, #tpu.memory_space<vmem>>, vector<16xf32>,
        tpu.vector_store %arg14[%swap3A_437, %swap3A_438], %mul3A_436 {strides = array<i32>} : memref<100x64xf32, #tpu.memory_space<vmem>>, vector<16xf32>,
        %get3A_440 = arith.index_cast %add3A_415 : i32 to index
        %get3A_441 = arith.constant 48 : index
        %get3A_442 = tpu.vector_load %arg12[%get3A_440, %get3A_441] {strides = array<i32>} : memref<100x64xf32, #tpu.memory_space<vmem>>, vector<16xf32>,
        %mul3A_443 = arith.mulf %get3A_442, %gather3A_418 : vector<16xf32>
        %swap3A_444 = arith.index_cast %add3A_415 : i32 to index
        %swap3A_445 = arith.constant 48 : index
        %swap3A_446 = tpu.vector_load %arg14[%swap3A_444, %swap3A_445] {strides = array<i32>} : memref<100x64xf32, #tpu.memory_space<vmem>>, vector<16xf32>,
        tpu.vector_store %arg14[%swap3A_444, %swap3A_445], %mul3A_443 {strides = array<i32>} : memref<100x64xf32, #tpu.memory_space<vmem>>, vector<16xf32>,
        %add3A_447 = arith.constant 10 : i32
        %add3A_448 = arith.addi %add3A_120, %add3A_447 : i32
        %broadcast_in_dim3A_449 = vector.broadcast %add3A_86 : i32 to vector<16xi32>
        %broadcast_in_dim3A_450 = vector.broadcast %add3A_448 : i32 to vector<16xi32>
        %gather3A_451 = tpu.vector_load_idx %arg10[%broadcast_in_dim3A_449, %broadcast_in_dim3A_450] : memref<100x100xf32, #tpu.memory_space<vmem>>[vector<16xi32>, vector<16xi32>], vector<16xf32>,
        %get3A_452 = arith.index_cast %add3A_448 : i32 to index
        %get3A_453 = arith.constant 0 : index
        %get3A_454 = tpu.vector_load %arg12[%get3A_452, %get3A_453] {strides = array<i32>} : memref<100x64xf32, #tpu.memory_space<vmem>>, vector<16xf32>,
        %mul3A_455 = arith.mulf %get3A_454, %gather3A_451 : vector<16xf32>
        %swap3A_456 = arith.index_cast %add3A_448 : i32 to index
        %swap3A_457 = arith.constant 0 : index
        %swap3A_458 = tpu.vector_load %arg14[%swap3A_456, %swap3A_457] {strides = array<i32>} : memref<100x64xf32, #tpu.memory_space<vmem>>, vector<16xf32>,
        tpu.vector_store %arg14[%swap3A_456, %swap3A_457], %mul3A_455 {strides = array<i32>} : memref<100x64xf32, #tpu.memory_space<vmem>>, vector<16xf32>,
        %get3A_459 = arith.index_cast %add3A_448 : i32 to index
        %get3A_460 = arith.constant 16 : index
        %get3A_461 = tpu.vector_load %arg12[%get3A_459, %get3A_460] {strides = array<i32>} : memref<100x64xf32, #tpu.memory_space<vmem>>, vector<16xf32>,
        %mul3A_462 = arith.mulf %get3A_461, %gather3A_451 : vector<16xf32>
        %swap3A_463 = arith.index_cast %add3A_448 : i32 to index
        %swap3A_464 = arith.constant 16 : index
        %swap3A_465 = tpu.vector_load %arg14[%swap3A_463, %swap3A_464] {strides = array<i32>} : memref<100x64xf32, #tpu.memory_space<vmem>>, vector<16xf32>,
        tpu.vector_store %arg14[%swap3A_463, %swap3A_464], %mul3A_462 {strides = array<i32>} : memref<100x64xf32, #tpu.memory_space<vmem>>, vector<16xf32>,
        %get3A_466 = arith.index_cast %add3A_448 : i32 to index
        %get3A_467 = arith.constant 32 : index
        %get3A_468 = tpu.vector_load %arg12[%get3A_466, %get3A_467] {strides = array<i32>} : memref<100x64xf32, #tpu.memory_space<vmem>>, vector<16xf32>,
        %mul3A_469 = arith.mulf %get3A_468, %gather3A_451 : vector<16xf32>
        %swap3A_470 = arith.index_cast %add3A_448 : i32 to index
        %swap3A_471 = arith.constant 32 : index
        %swap3A_472 = tpu.vector_load %arg14[%swap3A_470, %swap3A_471] {strides = array<i32>} : memref<100x64xf32, #tpu.memory_space<vmem>>, vector<16xf32>,
        tpu.vector_store %arg14[%swap3A_470, %swap3A_471], %mul3A_469 {strides = array<i32>} : memref<100x64xf32, #tpu.memory_space<vmem>>, vector<16xf32>,
        %get3A_473 = arith.index_cast %add3A_448 : i32 to index
        %get3A_474 = arith.constant 48 : index
        %get3A_475 = tpu.vector_load %arg12[%get3A_473, %get3A_474] {strides = array<i32>} : memref<100x64xf32, #tpu.memory_space<vmem>>, vector<16xf32>,
        %mul3A_476 = arith.mulf %get3A_475, %gather3A_451 : vector<16xf32>
        %swap3A_477 = arith.index_cast %add3A_448 : i32 to index
        %swap3A_478 = arith.constant 48 : index
        %swap3A_479 = tpu.vector_load %arg14[%swap3A_477, %swap3A_478] {strides = array<i32>} : memref<100x64xf32, #tpu.memory_space<vmem>>, vector<16xf32>,
        tpu.vector_store %arg14[%swap3A_477, %swap3A_478], %mul3A_476 {strides = array<i32>} : memref<100x64xf32, #tpu.memory_space<vmem>>, vector<16xf32>,
        %add3A_480 = arith.constant 11 : i32
        %add3A_481 = arith.addi %add3A_120, %add3A_480 : i32
        %broadcast_in_dim3A_482 = vector.broadcast %add3A_86 : i32 to vector<16xi32>
        %broadcast_in_dim3A_483 = vector.broadcast %add3A_481 : i32 to vector<16xi32>
        %gather3A_484 = tpu.vector_load_idx %arg10[%broadcast_in_dim3A_482, %broadcast_in_dim3A_483] : memref<100x100xf32, #tpu.memory_space<vmem>>[vector<16xi32>, vector<16xi32>], vector<16xf32>,
        %get3A_485 = arith.index_cast %add3A_481 : i32 to index
        %get3A_486 = arith.constant 0 : index
        %get3A_487 = tpu.vector_load %arg12[%get3A_485, %get3A_486] {strides = array<i32>} : memref<100x64xf32, #tpu.memory_space<vmem>>, vector<16xf32>,
        %mul3A_488 = arith.mulf %get3A_487, %gather3A_484 : vector<16xf32>
        %swap3A_489 = arith.index_cast %add3A_481 : i32 to index
        %swap3A_490 = arith.constant 0 : index
        %swap3A_491 = tpu.vector_load %arg14[%swap3A_489, %swap3A_490] {strides = array<i32>} : memref<100x64xf32, #tpu.memory_space<vmem>>, vector<16xf32>,
        tpu.vector_store %arg14[%swap3A_489, %swap3A_490], %mul3A_488 {strides = array<i32>} : memref<100x64xf32, #tpu.memory_space<vmem>>, vector<16xf32>,
        %get3A_492 = arith.index_cast %add3A_481 : i32 to index
        %get3A_493 = arith.constant 16 : index
        %get3A_494 = tpu.vector_load %arg12[%get3A_492, %get3A_493] {strides = array<i32>} : memref<100x64xf32, #tpu.memory_space<vmem>>, vector<16xf32>,
        %mul3A_495 = arith.mulf %get3A_494, %gather3A_484 : vector<16xf32>
        %swap3A_496 = arith.index_cast %add3A_481 : i32 to index
        %swap3A_497 = arith.constant 16 : index
        %swap3A_498 = tpu.vector_load %arg14[%swap3A_496, %swap3A_497] {strides = array<i32>} : memref<100x64xf32, #tpu.memory_space<vmem>>, vector<16xf32>,
        tpu.vector_store %arg14[%swap3A_496, %swap3A_497], %mul3A_495 {strides = array<i32>} : memref<100x64xf32, #tpu.memory_space<vmem>>, vector<16xf32>,
        %get3A_499 = arith.index_cast %add3A_481 : i32 to index
        %get3A_500 = arith.constant 32 : index
        %get3A_501 = tpu.vector_load %arg12[%get3A_499, %get3A_500] {strides = array<i32>} : memref<100x64xf32, #tpu.memory_space<vmem>>, vector<16xf32>,
        %mul3A_502 = arith.mulf %get3A_501, %gather3A_484 : vector<16xf32>
        %swap3A_503 = arith.index_cast %add3A_481 : i32 to index
        %swap3A_504 = arith.constant 32 : index
        %swap3A_505 = tpu.vector_load %arg14[%swap3A_503, %swap3A_504] {strides = array<i32>} : memref<100x64xf32, #tpu.memory_space<vmem>>, vector<16xf32>,
        tpu.vector_store %arg14[%swap3A_503, %swap3A_504], %mul3A_502 {strides = array<i32>} : memref<100x64xf32, #tpu.memory_space<vmem>>, vector<16xf32>,
        %get3A_506 = arith.index_cast %add3A_481 : i32 to index
        %get3A_507 = arith.constant 48 : index
        %get3A_508 = tpu.vector_load %arg12[%get3A_506, %get3A_507] {strides = array<i32>} : memref<100x64xf32, #tpu.memory_space<vmem>>, vector<16xf32>,
        %mul3A_509 = arith.mulf %get3A_508, %gather3A_484 : vector<16xf32>
        %swap3A_510 = arith.index_cast %add3A_481 : i32 to index
        %swap3A_511 = arith.constant 48 : index
        %swap3A_512 = tpu.vector_load %arg14[%swap3A_510, %swap3A_511] {strides = array<i32>} : memref<100x64xf32, #tpu.memory_space<vmem>>, vector<16xf32>,
        tpu.vector_store %arg14[%swap3A_510, %swap3A_511], %mul3A_509 {strides = array<i32>} : memref<100x64xf32, #tpu.memory_space<vmem>>, vector<16xf32>,
        %add3A_513 = arith.constant 12 : i32
        %add3A_514 = arith.addi %add3A_120, %add3A_513 : i32
        %broadcast_in_dim3A_515 = vector.broadcast %add3A_86 : i32 to vector<16xi32>
        %broadcast_in_dim3A_516 = vector.broadcast %add3A_514 : i32 to vector<16xi32>
        %gather3A_517 = tpu.vector_load_idx %arg10[%broadcast_in_dim3A_515, %broadcast_in_dim3A_516] : memref<100x100xf32, #tpu.memory_space<vmem>>[vector<16xi32>, vector<16xi32>], vector<16xf32>,
        %get3A_518 = arith.index_cast %add3A_514 : i32 to index
        %get3A_519 = arith.constant 0 : index
        %get3A_520 = tpu.vector_load %arg12[%get3A_518, %get3A_519] {strides = array<i32>} : memref<100x64xf32, #tpu.memory_space<vmem>>, vector<16xf32>,
        %mul3A_521 = arith.mulf %get3A_520, %gather3A_517 : vector<16xf32>
        %swap3A_522 = arith.index_cast %add3A_514 : i32 to index
        %swap3A_523 = arith.constant 0 : index
        %swap3A_524 = tpu.vector_load %arg14[%swap3A_522, %swap3A_523] {strides = array<i32>} : memref<100x64xf32, #tpu.memory_space<vmem>>, vector<16xf32>,
        tpu.vector_store %arg14[%swap3A_522, %swap3A_523], %mul3A_521 {strides = array<i32>} : memref<100x64xf32, #tpu.memory_space<vmem>>, vector<16xf32>,
        %get3A_525 = arith.index_cast %add3A_514 : i32 to index
        %get3A_526 = arith.constant 16 : index
        %get3A_527 = tpu.vector_load %arg12[%get3A_525, %get3A_526] {strides = array<i32>} : memref<100x64xf32, #tpu.memory_space<vmem>>, vector<16xf32>,
        %mul3A_528 = arith.mulf %get3A_527, %gather3A_517 : vector<16xf32>
        %swap3A_529 = arith.index_cast %add3A_514 : i32 to index
        %swap3A_530 = arith.constant 16 : index
        %swap3A_531 = tpu.vector_load %arg14[%swap3A_529, %swap3A_530] {strides = array<i32>} : memref<100x64xf32, #tpu.memory_space<vmem>>, vector<16xf32>,
        tpu.vector_store %arg14[%swap3A_529, %swap3A_530], %mul3A_528 {strides = array<i32>} : memref<100x64xf32, #tpu.memory_space<vmem>>, vector<16xf32>,
        %get3A_532 = arith.index_cast %add3A_514 : i32 to index
        %get3A_533 = arith.constant 32 : index
        %get3A_534 = tpu.vector_load %arg12[%get3A_532, %get3A_533] {strides = array<i32>} : memref<100x64xf32, #tpu.memory_space<vmem>>, vector<16xf32>,
        %mul3A_535 = arith.mulf %get3A_534, %gather3A_517 : vector<16xf32>
        %swap3A_536 = arith.index_cast %add3A_514 : i32 to index
        %swap3A_537 = arith.constant 32 : index
        %swap3A_538 = tpu.vector_load %arg14[%swap3A_536, %swap3A_537] {strides = array<i32>} : memref<100x64xf32, #tpu.memory_space<vmem>>, vector<16xf32>,
        tpu.vector_store %arg14[%swap3A_536, %swap3A_537], %mul3A_535 {strides = array<i32>} : memref<100x64xf32, #tpu.memory_space<vmem>>, vector<16xf32>,
        %get3A_539 = arith.index_cast %add3A_514 : i32 to index
        %get3A_540 = arith.constant 48 : index
        %get3A_541 = tpu.vector_load %arg12[%get3A_539, %get3A_540] {strides = array<i32>} : memref<100x64xf32, #tpu.memory_space<vmem>>, vector<16xf32>,
        %mul3A_542 = arith.mulf %get3A_541, %gather3A_517 : vector<16xf32>
        %swap3A_543 = arith.index_cast %add3A_514 : i32 to index
        %swap3A_544 = arith.constant 48 : index
        %swap3A_545 = tpu.vector_load %arg14[%swap3A_543, %swap3A_544] {strides = array<i32>} : memref<100x64xf32, #tpu.memory_space<vmem>>, vector<16xf32>,
        tpu.vector_store %arg14[%swap3A_543, %swap3A_544], %mul3A_542 {strides = array<i32>} : memref<100x64xf32, #tpu.memory_space<vmem>>, vector<16xf32>,
        %add3A_546 = arith.constant 13 : i32
        %add3A_547 = arith.addi %add3A_120, %add3A_546 : i32
        %broadcast_in_dim3A_548 = vector.broadcast %add3A_86 : i32 to vector<16xi32>
        %broadcast_in_dim3A_549 = vector.broadcast %add3A_547 : i32 to vector<16xi32>
        %gather3A_550 = tpu.vector_load_idx %arg10[%broadcast_in_dim3A_548, %broadcast_in_dim3A_549] : memref<100x100xf32, #tpu.memory_space<vmem>>[vector<16xi32>, vector<16xi32>], vector<16xf32>,
        %get3A_551 = arith.index_cast %add3A_547 : i32 to index
        %get3A_552 = arith.constant 0 : index
        %get3A_553 = tpu.vector_load %arg12[%get3A_551, %get3A_552] {strides = array<i32>} : memref<100x64xf32, #tpu.memory_space<vmem>>, vector<16xf32>,
        %mul3A_554 = arith.mulf %get3A_553, %gather3A_550 : vector<16xf32>
        %swap3A_555 = arith.index_cast %add3A_547 : i32 to index
        %swap3A_556 = arith.constant 0 : index
        %swap3A_557 = tpu.vector_load %arg14[%swap3A_555, %swap3A_556] {strides = array<i32>} : memref<100x64xf32, #tpu.memory_space<vmem>>, vector<16xf32>,
        tpu.vector_store %arg14[%swap3A_555, %swap3A_556], %mul3A_554 {strides = array<i32>} : memref<100x64xf32, #tpu.memory_space<vmem>>, vector<16xf32>,
        %get3A_558 = arith.index_cast %add3A_547 : i32 to index
        %get3A_559 = arith.constant 16 : index
        %get3A_560 = tpu.vector_load %arg12[%get3A_558, %get3A_559] {strides = array<i32>} : memref<100x64xf32, #tpu.memory_space<vmem>>, vector<16xf32>,
        %mul3A_561 = arith.mulf %get3A_560, %gather3A_550 : vector<16xf32>
        %swap3A_562 = arith.index_cast %add3A_547 : i32 to index
        %swap3A_563 = arith.constant 16 : index
        %swap3A_564 = tpu.vector_load %arg14[%swap3A_562, %swap3A_563] {strides = array<i32>} : memref<100x64xf32, #tpu.memory_space<vmem>>, vector<16xf32>,
        tpu.vector_store %arg14[%swap3A_562, %swap3A_563], %mul3A_561 {strides = array<i32>} : memref<100x64xf32, #tpu.memory_space<vmem>>, vector<16xf32>,
        %get3A_565 = arith.index_cast %add3A_547 : i32 to index
        %get3A_566 = arith.constant 32 : index
        %get3A_567 = tpu.vector_load %arg12[%get3A_565, %get3A_566] {strides = array<i32>} : memref<100x64xf32, #tpu.memory_space<vmem>>, vector<16xf32>,
        %mul3A_568 = arith.mulf %get3A_567, %gather3A_550 : vector<16xf32>
        %swap3A_569 = arith.index_cast %add3A_547 : i32 to index
        %swap3A_570 = arith.constant 32 : index
        %swap3A_571 = tpu.vector_load %arg14[%swap3A_569, %swap3A_570] {strides = array<i32>} : memref<100x64xf32, #tpu.memory_space<vmem>>, vector<16xf32>,
        tpu.vector_store %arg14[%swap3A_569, %swap3A_570], %mul3A_568 {strides = array<i32>} : memref<100x64xf32, #tpu.memory_space<vmem>>, vector<16xf32>,
        %get3A_572 = arith.index_cast %add3A_547 : i32 to index
        %get3A_573 = arith.constant 48 : index
        %get3A_574 = tpu.vector_load %arg12[%get3A_572, %get3A_573] {strides = array<i32>} : memref<100x64xf32, #tpu.memory_space<vmem>>, vector<16xf32>,
        %mul3A_575 = arith.mulf %get3A_574, %gather3A_550 : vector<16xf32>
        %swap3A_576 = arith.index_cast %add3A_547 : i32 to index
        %swap3A_577 = arith.constant 48 : index
        %swap3A_578 = tpu.vector_load %arg14[%swap3A_576, %swap3A_577] {strides = array<i32>} : memref<100x64xf32, #tpu.memory_space<vmem>>, vector<16xf32>,
        tpu.vector_store %arg14[%swap3A_576, %swap3A_577], %mul3A_575 {strides = array<i32>} : memref<100x64xf32, #tpu.memory_space<vmem>>, vector<16xf32>,
        %add3A_579 = arith.constant 14 : i32
        %add3A_580 = arith.addi %add3A_120, %add3A_579 : i32
        %broadcast_in_dim3A_581 = vector.broadcast %add3A_86 : i32 to vector<16xi32>
        %broadcast_in_dim3A_582 = vector.broadcast %add3A_580 : i32 to vector<16xi32>
        %gather3A_583 = tpu.vector_load_idx %arg10[%broadcast_in_dim3A_581, %broadcast_in_dim3A_582] : memref<100x100xf32, #tpu.memory_space<vmem>>[vector<16xi32>, vector<16xi32>], vector<16xf32>,
        %get3A_584 = arith.index_cast %add3A_580 : i32 to index
        %get3A_585 = arith.constant 0 : index
        %get3A_586 = tpu.vector_load %arg12[%get3A_584, %get3A_585] {strides = array<i32>} : memref<100x64xf32, #tpu.memory_space<vmem>>, vector<16xf32>,
        %mul3A_587 = arith.mulf %get3A_586, %gather3A_583 : vector<16xf32>
        %swap3A_588 = arith.index_cast %add3A_580 : i32 to index
        %swap3A_589 = arith.constant 0 : index
        %swap3A_590 = tpu.vector_load %arg14[%swap3A_588, %swap3A_589] {strides = array<i32>} : memref<100x64xf32, #tpu.memory_space<vmem>>, vector<16xf32>,
        tpu.vector_store %arg14[%swap3A_588, %swap3A_589], %mul3A_587 {strides = array<i32>} : memref<100x64xf32, #tpu.memory_space<vmem>>, vector<16xf32>,
        %get3A_591 = arith.index_cast %add3A_580 : i32 to index
        %get3A_592 = arith.constant 16 : index
        %get3A_593 = tpu.vector_load %arg12[%get3A_591, %get3A_592] {strides = array<i32>} : memref<100x64xf32, #tpu.memory_space<vmem>>, vector<16xf32>,
        %mul3A_594 = arith.mulf %get3A_593, %gather3A_583 : vector<16xf32>
        %swap3A_595 = arith.index_cast %add3A_580 : i32 to index
        %swap3A_596 = arith.constant 16 : index
        %swap3A_597 = tpu.vector_load %arg14[%swap3A_595, %swap3A_596] {strides = array<i32>} : memref<100x64xf32, #tpu.memory_space<vmem>>, vector<16xf32>,
        tpu.vector_store %arg14[%swap3A_595, %swap3A_596], %mul3A_594 {strides = array<i32>} : memref<100x64xf32, #tpu.memory_space<vmem>>, vector<16xf32>,
        %get3A_598 = arith.index_cast %add3A_580 : i32 to index
        %get3A_599 = arith.constant 32 : index
        %get3A_600 = tpu.vector_load %arg12[%get3A_598, %get3A_599] {strides = array<i32>} : memref<100x64xf32, #tpu.memory_space<vmem>>, vector<16xf32>,
        %mul3A_601 = arith.mulf %get3A_600, %gather3A_583 : vector<16xf32>
        %swap3A_602 = arith.index_cast %add3A_580 : i32 to index
        %swap3A_603 = arith.constant 32 : index
        %swap3A_604 = tpu.vector_load %arg14[%swap3A_602, %swap3A_603] {strides = array<i32>} : memref<100x64xf32, #tpu.memory_space<vmem>>, vector<16xf32>,
        tpu.vector_store %arg14[%swap3A_602, %swap3A_603], %mul3A_601 {strides = array<i32>} : memref<100x64xf32, #tpu.memory_space<vmem>>, vector<16xf32>,
        %get3A_605 = arith.index_cast %add3A_580 : i32 to index
        %get3A_606 = arith.constant 48 : index
        %get3A_607 = tpu.vector_load %arg12[%get3A_605, %get3A_606] {strides = array<i32>} : memref<100x64xf32, #tpu.memory_space<vmem>>, vector<16xf32>,
        %mul3A_608 = arith.mulf %get3A_607, %gather3A_583 : vector<16xf32>
        %swap3A_609 = arith.index_cast %add3A_580 : i32 to index
        %swap3A_610 = arith.constant 48 : index
        %swap3A_611 = tpu.vector_load %arg14[%swap3A_609, %swap3A_610] {strides = array<i32>} : memref<100x64xf32, #tpu.memory_space<vmem>>, vector<16xf32>,
        tpu.vector_store %arg14[%swap3A_609, %swap3A_610], %mul3A_608 {strides = array<i32>} : memref<100x64xf32, #tpu.memory_space<vmem>>, vector<16xf32>,
        %add3A_612 = arith.constant 15 : i32
        %add3A_613 = arith.addi %add3A_120, %add3A_612 : i32
        %broadcast_in_dim3A_614 = vector.broadcast %add3A_86 : i32 to vector<16xi32>
        %broadcast_in_dim3A_615 = vector.broadcast %add3A_613 : i32 to vector<16xi32>
        %gather3A_616 = tpu.vector_load_idx %arg10[%broadcast_in_dim3A_614, %broadcast_in_dim3A_615] : memref<100x100xf32, #tpu.memory_space<vmem>>[vector<16xi32>, vector<16xi32>], vector<16xf32>,
        %get3A_617 = arith.index_cast %add3A_613 : i32 to index
        %get3A_618 = arith.constant 0 : index
        %get3A_619 = tpu.vector_load %arg12[%get3A_617, %get3A_618] {strides = array<i32>} : memref<100x64xf32, #tpu.memory_space<vmem>>, vector<16xf32>,
        %mul3A_620 = arith.mulf %get3A_619, %gather3A_616 : vector<16xf32>
        %swap3A_621 = arith.index_cast %add3A_613 : i32 to index
        %swap3A_622 = arith.constant 0 : index
        %swap3A_623 = tpu.vector_load %arg14[%swap3A_621, %swap3A_622] {strides = array<i32>} : memref<100x64xf32, #tpu.memory_space<vmem>>, vector<16xf32>,
        tpu.vector_store %arg14[%swap3A_621, %swap3A_622], %mul3A_620 {strides = array<i32>} : memref<100x64xf32, #tpu.memory_space<vmem>>, vector<16xf32>,
        %get3A_624 = arith.index_cast %add3A_613 : i32 to index
        %get3A_625 = arith.constant 16 : index
        %get3A_626 = tpu.vector_load %arg12[%get3A_624, %get3A_625] {strides = array<i32>} : memref<100x64xf32, #tpu.memory_space<vmem>>, vector<16xf32>,
        %mul3A_627 = arith.mulf %get3A_626, %gather3A_616 : vector<16xf32>
        %swap3A_628 = arith.index_cast %add3A_613 : i32 to index
        %swap3A_629 = arith.constant 16 : index
        %swap3A_630 = tpu.vector_load %arg14[%swap3A_628, %swap3A_629] {strides = array<i32>} : memref<100x64xf32, #tpu.memory_space<vmem>>, vector<16xf32>,
        tpu.vector_store %arg14[%swap3A_628, %swap3A_629], %mul3A_627 {strides = array<i32>} : memref<100x64xf32, #tpu.memory_space<vmem>>, vector<16xf32>,
        %get3A_631 = arith.index_cast %add3A_613 : i32 to index
        %get3A_632 = arith.constant 32 : index
        %get3A_633 = tpu.vector_load %arg12[%get3A_631, %get3A_632] {strides = array<i32>} : memref<100x64xf32, #tpu.memory_space<vmem>>, vector<16xf32>,
        %mul3A_634 = arith.mulf %get3A_633, %gather3A_616 : vector<16xf32>
        %swap3A_635 = arith.index_cast %add3A_613 : i32 to index
        %swap3A_636 = arith.constant 32 : index
        %swap3A_637 = tpu.vector_load %arg14[%swap3A_635, %swap3A_636] {strides = array<i32>} : memref<100x64xf32, #tpu.memory_space<vmem>>, vector<16xf32>,
        tpu.vector_store %arg14[%swap3A_635, %swap3A_636], %mul3A_634 {strides = array<i32>} : memref<100x64xf32, #tpu.memory_space<vmem>>, vector<16xf32>,
        %get3A_638 = arith.index_cast %add3A_613 : i32 to index
        %get3A_639 = arith.constant 48 : index
        %get3A_640 = tpu.vector_load %arg12[%get3A_638, %get3A_639] {strides = array<i32>} : memref<100x64xf32, #tpu.memory_space<vmem>>, vector<16xf32>,
        %mul3A_641 = arith.mulf %get3A_640, %gather3A_616 : vector<16xf32>
        %swap3A_642 = arith.index_cast %add3A_613 : i32 to index
        %swap3A_643 = arith.constant 48 : index
        %swap3A_644 = tpu.vector_load %arg14[%swap3A_642, %swap3A_643] {strides = array<i32>} : memref<100x64xf32, #tpu.memory_space<vmem>>, vector<16xf32>,
        tpu.vector_store %arg14[%swap3A_642, %swap3A_643], %mul3A_641 {strides = array<i32>} : memref<100x64xf32, #tpu.memory_space<vmem>>, vector<16xf32>,
        %add3A_645 = arith.constant 16 : i32
        %add3A_646 = arith.addi %add3A_120, %add3A_645 : i32
        %broadcast_in_dim3A_647 = vector.broadcast %add3A_86 : i32 to vector<16xi32>
        %broadcast_in_dim3A_648 = vector.broadcast %add3A_646 : i32 to vector<16xi32>
        %gather3A_649 = tpu.vector_load_idx %arg10[%broadcast_in_dim3A_647, %broadcast_in_dim3A_648] : memref<100x100xf32, #tpu.memory_space<vmem>>[vector<16xi32>, vector<16xi32>], vector<16xf32>,
        %get3A_650 = arith.index_cast %add3A_646 : i32 to index
        %get3A_651 = arith.constant 0 : index
        %get3A_652 = tpu.vector_load %arg12[%get3A_650, %get3A_651] {strides = array<i32>} : memref<100x64xf32, #tpu.memory_space<vmem>>, vector<16xf32>,
        %mul3A_653 = arith.mulf %get3A_652, %gather3A_649 : vector<16xf32>
        %swap3A_654 = arith.index_cast %add3A_646 : i32 to index
        %swap3A_655 = arith.constant 0 : index
        %swap3A_656 = tpu.vector_load %arg14[%swap3A_654, %swap3A_655] {strides = array<i32>} : memref<100x64xf32, #tpu.memory_space<vmem>>, vector<16xf32>,
        tpu.vector_store %arg14[%swap3A_654, %swap3A_655], %mul3A_653 {strides = array<i32>} : memref<100x64xf32, #tpu.memory_space<vmem>>, vector<16xf32>,
        %get3A_657 = arith.index_cast %add3A_646 : i32 to index
        %get3A_658 = arith.constant 16 : index
        %get3A_659 = tpu.vector_load %arg12[%get3A_657, %get3A_658] {strides = array<i32>} : memref<100x64xf32, #tpu.memory_space<vmem>>, vector<16xf32>,
        %mul3A_660 = arith.mulf %get3A_659, %gather3A_649 : vector<16xf32>
        %swap3A_661 = arith.index_cast %add3A_646 : i32 to index
        %swap3A_662 = arith.constant 16 : index
        %swap3A_663 = tpu.vector_load %arg14[%swap3A_661, %swap3A_662] {strides = array<i32>} : memref<100x64xf32, #tpu.memory_space<vmem>>, vector<16xf32>,
        tpu.vector_store %arg14[%swap3A_661, %swap3A_662], %mul3A_660 {strides = array<i32>} : memref<100x64xf32, #tpu.memory_space<vmem>>, vector<16xf32>,
        %get3A_664 = arith.index_cast %add3A_646 : i32 to index
        %get3A_665 = arith.constant 32 : index
        %get3A_666 = tpu.vector_load %arg12[%get3A_664, %get3A_665] {strides = array<i32>} : memref<100x64xf32, #tpu.memory_space<vmem>>, vector<16xf32>,
        %mul3A_667 = arith.mulf %get3A_666, %gather3A_649 : vector<16xf32>
        %swap3A_668 = arith.index_cast %add3A_646 : i32 to index
        %swap3A_669 = arith.constant 32 : index
        %swap3A_670 = tpu.vector_load %arg14[%swap3A_668, %swap3A_669] {strides = array<i32>} : memref<100x64xf32, #tpu.memory_space<vmem>>, vector<16xf32>,
        tpu.vector_store %arg14[%swap3A_668, %swap3A_669], %mul3A_667 {strides = array<i32>} : memref<100x64xf32, #tpu.memory_space<vmem>>, vector<16xf32>,
        %get3A_671 = arith.index_cast %add3A_646 : i32 to index
        %get3A_672 = arith.constant 48 : index
        %get3A_673 = tpu.vector_load %arg12[%get3A_671, %get3A_672] {strides = array<i32>} : memref<100x64xf32, #tpu.memory_space<vmem>>, vector<16xf32>,
        %mul3A_674 = arith.mulf %get3A_673, %gather3A_649 : vector<16xf32>
        %swap3A_675 = arith.index_cast %add3A_646 : i32 to index
        %swap3A_676 = arith.constant 48 : index
        %swap3A_677 = tpu.vector_load %arg14[%swap3A_675, %swap3A_676] {strides = array<i32>} : memref<100x64xf32, #tpu.memory_space<vmem>>, vector<16xf32>,
        tpu.vector_store %arg14[%swap3A_675, %swap3A_676], %mul3A_674 {strides = array<i32>} : memref<100x64xf32, #tpu.memory_space<vmem>>, vector<16xf32>,
        %add3A_678 = arith.constant 17 : i32
        %add3A_679 = arith.addi %add3A_120, %add3A_678 : i32
        %broadcast_in_dim3A_680 = vector.broadcast %add3A_86 : i32 to vector<16xi32>
        %broadcast_in_dim3A_681 = vector.broadcast %add3A_679 : i32 to vector<16xi32>
        %gather3A_682 = tpu.vector_load_idx %arg10[%broadcast_in_dim3A_680, %broadcast_in_dim3A_681] : memref<100x100xf32, #tpu.memory_space<vmem>>[vector<16xi32>, vector<16xi32>], vector<16xf32>,
        %get3A_683 = arith.index_cast %add3A_679 : i32 to index
        %get3A_684 = arith.constant 0 : index
        %get3A_685 = tpu.vector_load %arg12[%get3A_683, %get3A_684] {strides = array<i32>} : memref<100x64xf32, #tpu.memory_space<vmem>>, vector<16xf32>,
        %mul3A_686 = arith.mulf %get3A_685, %gather3A_682 : vector<16xf32>
        %swap3A_687 = arith.index_cast %add3A_679 : i32 to index
        %swap3A_688 = arith.constant 0 : index
        %swap3A_689 = tpu.vector_load %arg14[%swap3A_687, %swap3A_688] {strides = array<i32>} : memref<100x64xf32, #tpu.memory_space<vmem>>, vector<16xf32>,
        tpu.vector_store %arg14[%swap3A_687, %swap3A_688], %mul3A_686 {strides = array<i32>} : memref<100x64xf32, #tpu.memory_space<vmem>>, vector<16xf32>,
        %get3A_690 = arith.index_cast %add3A_679 : i32 to index
        %get3A_691 = arith.constant 16 : index
        %get3A_692 = tpu.vector_load %arg12[%get3A_690, %get3A_691] {strides = array<i32>} : memref<100x64xf32, #tpu.memory_space<vmem>>, vector<16xf32>,
        %mul3A_693 = arith.mulf %get3A_692, %gather3A_682 : vector<16xf32>
        %swap3A_694 = arith.index_cast %add3A_679 : i32 to index
        %swap3A_695 = arith.constant 16 : index
        %swap3A_696 = tpu.vector_load %arg14[%swap3A_694, %swap3A_695] {strides = array<i32>} : memref<100x64xf32, #tpu.memory_space<vmem>>, vector<16xf32>,
        tpu.vector_store %arg14[%swap3A_694, %swap3A_695], %mul3A_693 {strides = array<i32>} : memref<100x64xf32, #tpu.memory_space<vmem>>, vector<16xf32>,
        %get3A_697 = arith.index_cast %add3A_679 : i32 to index
        %get3A_698 = arith.constant 32 : index
        %get3A_699 = tpu.vector_load %arg12[%get3A_697, %get3A_698] {strides = array<i32>} : memref<100x64xf32, #tpu.memory_space<vmem>>, vector<16xf32>,
        %mul3A_700 = arith.mulf %get3A_699, %gather3A_682 : vector<16xf32>
        %swap3A_701 = arith.index_cast %add3A_679 : i32 to index
        %swap3A_702 = arith.constant 32 : index
        %swap3A_703 = tpu.vector_load %arg14[%swap3A_701, %swap3A_702] {strides = array<i32>} : memref<100x64xf32, #tpu.memory_space<vmem>>, vector<16xf32>,
        tpu.vector_store %arg14[%swap3A_701, %swap3A_702], %mul3A_700 {strides = array<i32>} : memref<100x64xf32, #tpu.memory_space<vmem>>, vector<16xf32>,
        %get3A_704 = arith.index_cast %add3A_679 : i32 to index
        %get3A_705 = arith.constant 48 : index
        %get3A_706 = tpu.vector_load %arg12[%get3A_704, %get3A_705] {strides = array<i32>} : memref<100x64xf32, #tpu.memory_space<vmem>>, vector<16xf32>,
        %mul3A_707 = arith.mulf %get3A_706, %gather3A_682 : vector<16xf32>
        %swap3A_708 = arith.index_cast %add3A_679 : i32 to index
        %swap3A_709 = arith.constant 48 : index
        %swap3A_710 = tpu.vector_load %arg14[%swap3A_708, %swap3A_709] {strides = array<i32>} : memref<100x64xf32, #tpu.memory_space<vmem>>, vector<16xf32>,
        tpu.vector_store %arg14[%swap3A_708, %swap3A_709], %mul3A_707 {strides = array<i32>} : memref<100x64xf32, #tpu.memory_space<vmem>>, vector<16xf32>,
        %add3A_711 = arith.constant 18 : i32
        %add3A_712 = arith.addi %add3A_120, %add3A_711 : i32
        %broadcast_in_dim3A_713 = vector.broadcast %add3A_86 : i32 to vector<16xi32>
        %broadcast_in_dim3A_714 = vector.broadcast %add3A_712 : i32 to vector<16xi32>
        %gather3A_715 = tpu.vector_load_idx %arg10[%broadcast_in_dim3A_713, %broadcast_in_dim3A_714] : memref<100x100xf32, #tpu.memory_space<vmem>>[vector<16xi32>, vector<16xi32>], vector<16xf32>,
        %get3A_716 = arith.index_cast %add3A_712 : i32 to index
        %get3A_717 = arith.constant 0 : index
        %get3A_718 = tpu.vector_load %arg12[%get3A_716, %get3A_717] {strides = array<i32>} : memref<100x64xf32, #tpu.memory_space<vmem>>, vector<16xf32>,
        %mul3A_719 = arith.mulf %get3A_718, %gather3A_715 : vector<16xf32>
        %swap3A_720 = arith.index_cast %add3A_712 : i32 to index
        %swap3A_721 = arith.constant 0 : index
        %swap3A_722 = tpu.vector_load %arg14[%swap3A_720, %swap3A_721] {strides = array<i32>} : memref<100x64xf32, #tpu.memory_space<vmem>>, vector<16xf32>,
        tpu.vector_store %arg14[%swap3A_720, %swap3A_721], %mul3A_719 {strides = array<i32>} : memref<100x64xf32, #tpu.memory_space<vmem>>, vector<16xf32>,
        %get3A_723 = arith.index_cast %add3A_712 : i32 to index
        %get3A_724 = arith.constant 16 : index
        %get3A_725 = tpu.vector_load %arg12[%get3A_723, %get3A_724] {strides = array<i32>} : memref<100x64xf32, #tpu.memory_space<vmem>>, vector<16xf32>,
        %mul3A_726 = arith.mulf %get3A_725, %gather3A_715 : vector<16xf32>
        %swap3A_727 = arith.index_cast %add3A_712 : i32 to index
        %swap3A_728 = arith.constant 16 : index
        %swap3A_729 = tpu.vector_load %arg14[%swap3A_727, %swap3A_728] {strides = array<i32>} : memref<100x64xf32, #tpu.memory_space<vmem>>, vector<16xf32>,
        tpu.vector_store %arg14[%swap3A_727, %swap3A_728], %mul3A_726 {strides = array<i32>} : memref<100x64xf32, #tpu.memory_space<vmem>>, vector<16xf32>,
        %get3A_730 = arith.index_cast %add3A_712 : i32 to index
        %get3A_731 = arith.constant 32 : index
        %get3A_732 = tpu.vector_load %arg12[%get3A_730, %get3A_731] {strides = array<i32>} : memref<100x64xf32, #tpu.memory_space<vmem>>, vector<16xf32>,
        %mul3A_733 = arith.mulf %get3A_732, %gather3A_715 : vector<16xf32>
        %swap3A_734 = arith.index_cast %add3A_712 : i32 to index
        %swap3A_735 = arith.constant 32 : index
        %swap3A_736 = tpu.vector_load %arg14[%swap3A_734, %swap3A_735] {strides = array<i32>} : memref<100x64xf32, #tpu.memory_space<vmem>>, vector<16xf32>,
        tpu.vector_store %arg14[%swap3A_734, %swap3A_735], %mul3A_733 {strides = array<i32>} : memref<100x64xf32, #tpu.memory_space<vmem>>, vector<16xf32>,
        %get3A_737 = arith.index_cast %add3A_712 : i32 to index
        %get3A_738 = arith.constant 48 : index
        %get3A_739 = tpu.vector_load %arg12[%get3A_737, %get3A_738] {strides = array<i32>} : memref<100x64xf32, #tpu.memory_space<vmem>>, vector<16xf32>,
        %mul3A_740 = arith.mulf %get3A_739, %gather3A_715 : vector<16xf32>
        %swap3A_741 = arith.index_cast %add3A_712 : i32 to index
        %swap3A_742 = arith.constant 48 : index
        %swap3A_743 = tpu.vector_load %arg14[%swap3A_741, %swap3A_742] {strides = array<i32>} : memref<100x64xf32, #tpu.memory_space<vmem>>, vector<16xf32>,
        tpu.vector_store %arg14[%swap3A_741, %swap3A_742], %mul3A_740 {strides = array<i32>} : memref<100x64xf32, #tpu.memory_space<vmem>>, vector<16xf32>,
        %add3A_744 = arith.constant 19 : i32
        %add3A_745 = arith.addi %add3A_120, %add3A_744 : i32
        %broadcast_in_dim3A_746 = vector.broadcast %add3A_86 : i32 to vector<16xi32>
        %broadcast_in_dim3A_747 = vector.broadcast %add3A_745 : i32 to vector<16xi32>
        %gather3A_748 = tpu.vector_load_idx %arg10[%broadcast_in_dim3A_746, %broadcast_in_dim3A_747] : memref<100x100xf32, #tpu.memory_space<vmem>>[vector<16xi32>, vector<16xi32>], vector<16xf32>,
        %get3A_749 = arith.index_cast %add3A_745 : i32 to index
        %get3A_750 = arith.constant 0 : index
        %get3A_751 = tpu.vector_load %arg12[%get3A_749, %get3A_750] {strides = array<i32>} : memref<100x64xf32, #tpu.memory_space<vmem>>, vector<16xf32>,
        %mul3A_752 = arith.mulf %get3A_751, %gather3A_748 : vector<16xf32>
        %swap3A_753 = arith.index_cast %add3A_745 : i32 to index
        %swap3A_754 = arith.constant 0 : index
        %swap3A_755 = tpu.vector_load %arg14[%swap3A_753, %swap3A_754] {strides = array<i32>} : memref<100x64xf32, #tpu.memory_space<vmem>>, vector<16xf32>,
        tpu.vector_store %arg14[%swap3A_753, %swap3A_754], %mul3A_752 {strides = array<i32>} : memref<100x64xf32, #tpu.memory_space<vmem>>, vector<16xf32>,
        %get3A_756 = arith.index_cast %add3A_745 : i32 to index
        %get3A_757 = arith.constant 16 : index
        %get3A_758 = tpu.vector_load %arg12[%get3A_756, %get3A_757] {strides = array<i32>} : memref<100x64xf32, #tpu.memory_space<vmem>>, vector<16xf32>,
        %mul3A_759 = arith.mulf %get3A_758, %gather3A_748 : vector<16xf32>
        %swap3A_760 = arith.index_cast %add3A_745 : i32 to index
        %swap3A_761 = arith.constant 16 : index
        %swap3A_762 = tpu.vector_load %arg14[%swap3A_760, %swap3A_761] {strides = array<i32>} : memref<100x64xf32, #tpu.memory_space<vmem>>, vector<16xf32>,
        tpu.vector_store %arg14[%swap3A_760, %swap3A_761], %mul3A_759 {strides = array<i32>} : memref<100x64xf32, #tpu.memory_space<vmem>>, vector<16xf32>,
        %get3A_763 = arith.index_cast %add3A_745 : i32 to index
        %get3A_764 = arith.constant 32 : index
        %get3A_765 = tpu.vector_load %arg12[%get3A_763, %get3A_764] {strides = array<i32>} : memref<100x64xf32, #tpu.memory_space<vmem>>, vector<16xf32>,
        %mul3A_766 = arith.mulf %get3A_765, %gather3A_748 : vector<16xf32>
        %swap3A_767 = arith.index_cast %add3A_745 : i32 to index
        %swap3A_768 = arith.constant 32 : index
        %swap3A_769 = tpu.vector_load %arg14[%swap3A_767, %swap3A_768] {strides = array<i32>} : memref<100x64xf32, #tpu.memory_space<vmem>>, vector<16xf32>,
        tpu.vector_store %arg14[%swap3A_767, %swap3A_768], %mul3A_766 {strides = array<i32>} : memref<100x64xf32, #tpu.memory_space<vmem>>, vector<16xf32>,
        %get3A_770 = arith.index_cast %add3A_745 : i32 to index
        %get3A_771 = arith.constant 48 : index
        %get3A_772 = tpu.vector_load %arg12[%get3A_770, %get3A_771] {strides = array<i32>} : memref<100x64xf32, #tpu.memory_space<vmem>>, vector<16xf32>,
        %mul3A_773 = arith.mulf %get3A_772, %gather3A_748 : vector<16xf32>
        %swap3A_774 = arith.index_cast %add3A_745 : i32 to index
        %swap3A_775 = arith.constant 48 : index
        %swap3A_776 = tpu.vector_load %arg14[%swap3A_774, %swap3A_775] {strides = array<i32>} : memref<100x64xf32, #tpu.memory_space<vmem>>, vector<16xf32>,
        tpu.vector_store %arg14[%swap3A_774, %swap3A_775], %mul3A_773 {strides = array<i32>} : memref<100x64xf32, #tpu.memory_space<vmem>>, vector<16xf32>,
      }
      %scan3A_102 = arith.constant 5 : i32
      %add3A_103 = arith.constant 2 : i32
      %add3A_104 = arith.addi %add3A_86, %add3A_103 : i32
      %lt3A_105 = arith.constant 100 : i32
      %lt3A_106 = arith.cmpi slt, %add3A_104, %lt3A_105 : i32
      %convert_element_type3A_107 = arith.extui %lt3A_106 : i1 to i32
      %cond3A_108 = arith.constant 0 : i32
      %cond3A_109 = arith.cmpi ne, %convert_element_type3A_107, %cond3A_108 : i32
      scf.if %cond3A_109 {
        %add3A_116 = arith.constant 2 : i32
        %add3A_117 = arith.addi %add3A_86, %add3A_116 : i32
        %dma_start3A_118 = arith.constant 0 : i32
        %dma_start3A_119 = tpu.memref_slice %arg8[%add3A_117, %dma_start3A_118] : memref<100x100xi32, #tpu.memory_space<vmem>> -> memref<1x100xi32, #tpu.memory_space<vmem>>
        %dma_start3A_120 = tpu.memref_squeeze %dma_start3A_119 : memref<1x100xi32, #tpu.memory_space<vmem>> -> memref<100xi32, #tpu.memory_space<vmem>>
        %dma_start3A_121 = arith.constant 0 : i32
        %dma_start3A_122 = arith.constant 0 : i32
        %dma_start3A_123 = tpu.memref_slice %arg2[%dma_start3A_121, %dma_start3A_122] : memref<10000x64xf32, #tpu.memory_space<hbm>> -> memref<10000x64xf32, #tpu.memory_space<hbm>>
        tpu.enqueue_indirect_dma source(%dma_start3A_123 : memref<10000x64xf32, #tpu.memory_space<hbm>>) target(%arg12 : memref<100x64xf32, #tpu.memory_space<vmem>>) offsets(%dma_start3A_120 : memref<100xi32, #tpu.memory_space<vmem>>) semaphore(%arg17 : memref<!tpu.dma_semaphore, #tpu.memory_space<semaphore_mem>>)
      } else {
      }
      %dma_start3A_110 = arith.constant 0 : i32
      %dma_start3A_111 = tpu.memref_slice %arg9[%add3A_86, %dma_start3A_110] : memref<100x100xi32, #tpu.memory_space<vmem>> -> memref<1x100xi32, #tpu.memory_space<vmem>>
      %dma_start3A_112 = tpu.memref_squeeze %dma_start3A_111 : memref<1x100xi32, #tpu.memory_space<vmem>> -> memref<100xi32, #tpu.memory_space<vmem>>
      %dma_start3A_113 = arith.constant 0 : i32
      %dma_start3A_114 = arith.constant 0 : i32
      %dma_start3A_115 = tpu.memref_slice %arg15[%dma_start3A_113, %dma_start3A_114] : memref<10000x64xf32, #tpu.memory_space<vmem_shared>> -> memref<10000x64xf32, #tpu.memory_space<vmem_shared>>
      tpu.enqueue_indirect_dma source(%arg14 : memref<100x64xf32, #tpu.memory_space<vmem>>) target(%dma_start3A_115 : memref<10000x64xf32, #tpu.memory_space<vmem_shared>>) offsets(%dma_start3A_112 : memref<100xi32, #tpu.memory_space<vmem>>) semaphore(%arg19 : memref<!tpu.dma_semaphore, #tpu.memory_space<semaphore_mem>>) {add = true}
    }
    %scan3A_25 = arith.constant 50 : i32
    %dma_wait3A = arith.constant 98 : i32
    %dma_wait3A_26 = arith.constant 0 : i32
    %dma_wait3A_27 = tpu.memref_slice %arg9[%dma_wait3A, %dma_wait3A_26] : memref<100x100xi32, #tpu.memory_space<vmem>> -> memref<1x100xi32, #tpu.memory_space<vmem>>
    %dma_wait3A_28 = tpu.memref_squeeze %dma_wait3A_27 : memref<1x100xi32, #tpu.memory_space<vmem>> -> memref<100xi32, #tpu.memory_space<vmem>>
    %dma_wait3A_29 = arith.constant 0 : i32
    %dma_wait3A_30 = arith.constant 0 : i32
    %dma_wait3A_31 = tpu.memref_slice %arg15[%dma_wait3A_29, %dma_wait3A_30] : memref<10000x64xf32, #tpu.memory_space<vmem_shared>> -> memref<10000x64xf32, #tpu.memory_space<vmem_shared>>
    tpu.wait_indirect_dma semaphore(%arg18 : memref<!tpu.dma_semaphore, #tpu.memory_space<semaphore_mem>>) src(%arg13 : memref<100x64xf32, #tpu.memory_space<vmem>>) dst(%dma_wait3A_31 : memref<10000x64xf32, #tpu.memory_space<vmem_shared>>)
    %dma_wait3A_32 = arith.constant 99 : i32
    %dma_wait3A_33 = arith.constant 0 : i32
    %dma_wait3A_34 = tpu.memref_slice %arg9[%dma_wait3A_32, %dma_wait3A_33] : memref<100x100xi32, #tpu.memory_space<vmem>> -> memref<1x100xi32, #tpu.memory_space<vmem>>
    %dma_wait3A_35 = tpu.memref_squeeze %dma_wait3A_34 : memref<1x100xi32, #tpu.memory_space<vmem>> -> memref<100xi32, #tpu.memory_space<vmem>>
    %dma_wait3A_36 = arith.constant 0 : i32
    %dma_wait3A_37 = arith.constant 0 : i32
    %dma_wait3A_38 = tpu.memref_slice %arg15[%dma_wait3A_36, %dma_wait3A_37] : memref<10000x64xf32, #tpu.memory_space<vmem_shared>> -> memref<10000x64xf32, #tpu.memory_space<vmem_shared>>
    tpu.wait_indirect_dma semaphore(%arg19 : memref<!tpu.dma_semaphore, #tpu.memory_space<semaphore_mem>>) src(%arg14 : memref<100x64xf32, #tpu.memory_space<vmem>>) dst(%dma_wait3A_38 : memref<10000x64xf32, #tpu.memory_space<vmem_shared>>)
    %barrier3A_39 = arith.constant 0 : index
    tpu.barrier barrier_id(%barrier3A_39)
    %lt3A_40 = arith.constant 15 : i32
    %lt3A_41 = arith.cmpi slt, %arg1, %lt3A_40 : i32
    %convert_element_type3A_42 = arith.extui %lt3A_41 : i1 to i32
    %cond3A_43 = arith.constant 0 : i32
    %cond3A_44 = arith.cmpi ne, %convert_element_type3A_42, %cond3A_43 : i32
    scf.if %cond3A_44 {
      %mul3A_50 = arith.constant 624 : i32
      %mul3A_51 = arith.muli %arg1, %mul3A_50 : i32
      %mul3A_52 = arith.constant 624 : i32
      %mul3A_53 = arith.muli %arg1, %mul3A_52 : i32
      "tpu.region"() ({
        %run_scoped3A = tpu.sem_alloc : memref<!tpu.dma_semaphore, #tpu.memory_space<semaphore_mem>>
        %dma_start3A_54 = arith.constant 0 : i32
        %dma_start3A_55 = tpu.memref_slice %arg7[%arg0, %mul3A_53, %dma_start3A_54] : memref<2x10000x64xf32, #tpu.memory_space<hbm>> -> memref<1x624x64xf32, #tpu.memory_space<hbm>>
        %dma_start3A_56 = tpu.memref_squeeze %dma_start3A_55 : memref<1x624x64xf32, #tpu.memory_space<hbm>> -> memref<624x64xf32, #tpu.memory_space<hbm>>
        %dma_start3A_57 = arith.constant 0 : i32
        %dma_start3A_58 = tpu.memref_slice %arg15[%mul3A_51, %dma_start3A_57] : memref<10000x64xf32, #tpu.memory_space<vmem_shared>> -> memref<624x64xf32, #tpu.memory_space<vmem_shared>>
        tpu.enqueue_dma source(%dma_start3A_58 : memref<624x64xf32, #tpu.memory_space<vmem_shared>>) target(%dma_start3A_56 : memref<624x64xf32, #tpu.memory_space<hbm>>) target_semaphore(%run_scoped3A : memref<!tpu.dma_semaphore, #tpu.memory_space<semaphore_mem>>)
        %dma_wait3A_59 = arith.constant 0 : i32
        %dma_wait3A_60 = tpu.memref_slice %arg7[%arg0, %mul3A_53, %dma_wait3A_59] : memref<2x10000x64xf32, #tpu.memory_space<hbm>> -> memref<1x624x64xf32, #tpu.memory_space<hbm>>
        %dma_wait3A_61 = tpu.memref_squeeze %dma_wait3A_60 : memref<1x624x64xf32, #tpu.memory_space<hbm>> -> memref<624x64xf32, #tpu.memory_space<hbm>>
        %dma_wait3A_62 = arith.constant 0 : i32
        %dma_wait3A_63 = tpu.memref_slice %arg15[%mul3A_51, %dma_wait3A_62] : memref<10000x64xf32, #tpu.memory_space<vmem_shared>> -> memref<624x64xf32, #tpu.memory_space<vmem_shared>>
        tpu.wait_dma2 semaphore(%run_scoped3A : memref<!tpu.dma_semaphore, #tpu.memory_space<semaphore_mem>>) src(%dma_wait3A_63 : memref<624x64xf32, #tpu.memory_space<vmem_shared>>) dst(%dma_wait3A_61 : memref<624x64xf32, #tpu.memory_space<hbm>>)
        tpu.yield
      }) : () -> ()
    } else {
    }
    %eq3A_45 = arith.constant 15 : i32
    %eq3A_46 = arith.cmpi eq, %arg1, %eq3A_45 : i32
    %convert_element_type3A_47 = arith.extui %eq3A_46 : i1 to i32
    %cond3A_48 = arith.constant 0 : i32
    %cond3A_49 = arith.cmpi ne, %convert_element_type3A_47, %cond3A_48 : i32
    scf.if %cond3A_49 {
      "tpu.region"() ({
        %run_scoped3A = tpu.sem_alloc : memref<!tpu.dma_semaphore, #tpu.memory_space<semaphore_mem>>
        %dma_start3A_50 = arith.constant 9360 : i32
        %dma_start3A_51 = arith.constant 0 : i32
        %dma_start3A_52 = tpu.memref_slice %arg7[%arg0, %dma_start3A_50, %dma_start3A_51] : memref<2x10000x64xf32, #tpu.memory_space<hbm>> -> memref<1x640x64xf32, #tpu.memory_space<hbm>>
        %dma_start3A_53 = tpu.memref_squeeze %dma_start3A_52 : memref<1x640x64xf32, #tpu.memory_space<hbm>> -> memref<640x64xf32, #tpu.memory_space<hbm>>
        %dma_start3A_54 = arith.constant 9360 : i32
        %dma_start3A_55 = arith.constant 0 : i32
        %dma_start3A_56 = tpu.memref_slice %arg15[%dma_start3A_54, %dma_start3A_55] : memref<10000x64xf32, #tpu.memory_space<vmem_shared>> -> memref<640x64xf32, #tpu.memory_space<vmem_shared>>
        tpu.enqueue_dma source(%dma_start3A_56 : memref<640x64xf32, #tpu.memory_space<vmem_shared>>) target(%dma_start3A_53 : memref<640x64xf32, #tpu.memory_space<hbm>>) target_semaphore(%run_scoped3A : memref<!tpu.dma_semaphore, #tpu.memory_space<semaphore_mem>>)
        %dma_wait3A_57 = arith.constant 9360 : i32
        %dma_wait3A_58 = arith.constant 0 : i32
        %dma_wait3A_59 = tpu.memref_slice %arg7[%arg0, %dma_wait3A_57, %dma_wait3A_58] : memref<2x10000x64xf32, #tpu.memory_space<hbm>> -> memref<1x640x64xf32, #tpu.memory_space<hbm>>
        %dma_wait3A_60 = tpu.memref_squeeze %dma_wait3A_59 : memref<1x640x64xf32, #tpu.memory_space<hbm>> -> memref<640x64xf32, #tpu.memory_space<hbm>>
        %dma_wait3A_61 = arith.constant 9360 : i32
        %dma_wait3A_62 = arith.constant 0 : i32
        %dma_wait3A_63 = tpu.memref_slice %arg15[%dma_wait3A_61, %dma_wait3A_62] : memref<10000x64xf32, #tpu.memory_space<vmem_shared>> -> memref<640x64xf32, #tpu.memory_space<vmem_shared>>
        tpu.wait_dma2 semaphore(%run_scoped3A : memref<!tpu.dma_semaphore, #tpu.memory_space<semaphore_mem>>) src(%dma_wait3A_63 : memref<640x64xf32, #tpu.memory_space<vmem_shared>>) dst(%dma_wait3A_60 : memref<640x64xf32, #tpu.memory_space<hbm>>)
        tpu.yield
      }) : () -> ()
    } else {
    }
    return
  }
}

</mosaic_0001>

<sc_bundles>
// kernel: _aggregate_sc.3.cloned.1.call-start
scs
__scs_entry_jumppad:
0x0: {  	(pc) =	sbr.rel $0x88, $3  }
0x1: {  	(tag) =	ssettag $0x0;
	lr =	simm.s32 $0x1  }
0x2: {  	[smem:$0x3F9C] =	sst lr;
	_ =	strace $0xD0000000  }
0x3: {  	_ = 	snop  }
0x4: {  	_ = 	snop  }
0x5: {  	_ = 	snop  }
0x6: {  	_ = 	snop  }
0x7: {  	_ = 	snop  }
__scs_overlays_trampoline_lowered:
0x8: {  	[smem:$0x3FAB] =	sst s0  }
0x9: {  	[smem:$0x3FAC] =	sst s1  }
0xa: {  	[smem:$0x3FAD] =	sst s2  }
0xb: {  	[smem:$0x3FAE] =	sst s3  }
0xc: {  	[smem:$0x3FAF] =	sst s4  }
0xd: {  	[smem:$0x3FB0] =	sst s5  }
0xe: {  	[smem:$0x3FB1] =	sst s6  }
0xf: {  	[smem:$0x3FB2] =	sst s7  }
0x10: {  	[smem:$0x3FB3] =	sst s8  }
0x11: {  	[smem:$0x3FB4] =	sst s9;
	s0 =	simm.s32 @!p0 $0x0  }
0x12: {  	s1 =	sld [smem:$0x3F9A];
	s0 =	simm.s32 @p0 $0x1  }
0x13: {  	[smem:$0x3FB5] =	sst s0;
	s0 =	simm.s32 @!p1 $0x0  }
0x14: {  	s2 =	sld [smem:$0x3F99];
	s0 =	simm.s32 @p1 $0x1  }
0x15: {  	[smem:$0x3FB6] =	sst s0;
	s0 =	simm.s32 @!p2 $0x0  }
0x16: {  	s3 =	sld [smem:$0x3FDB];
	s0 =	simm.s32 @p2 $0x1  }
0x17: {  	s4 =	simm.s32 $0x1BF5;
	[smem:$0x3FB8] =	sst s0  }
0x18: {  	s0 =	sld [smem:$0x3F9B];
	_ =	swait.ge [sflag:s4], $0x0  }
0x19: {  	s7 =	sld [smem:$0x3F9C]  }
0x1a: {  	s8 =	sadd.s32 $0xFFFFE003, lr  }
0x1b: {  	s9 =	sadd.s32 $0xFFFFFEF7, lr;
	s5 =	simm.s32 $0xFFFFFFFF;
	p2 =	slt.u32 s8, $0xFFFFF086  }
0x1c: {  	p1 =	slt.u32 s9, $0xF7A;
	s5 =	simm.s32 @!p2 $0x0  }
0x1d: {  	s5 =	simm.s32 @p1 $0x1;
	p0 =	seq.s32 s7, s2  }
0x1e: {  	s7 =	smul.u32 @!p0 $0xF7A, s2;
	p2 =	seq.s32 @!p0 s5, $0x0  }
0x1f: {  	s9 =	smul.u32 $0xF7A, s1;
	s8 =	simm.s32 @!p0 $0x1BF5;
	p2 =	por !p2, p0  }
0x20: {  	[sflag:s8] =	ssyncset.s32 @!p0 $0xFFFFF086;
	s6 =	sadd.s32 @!p0 s3, s7;
	s7 =	simm.s32 @!p0 $0x108  }
0x21: {  	s3 =	sadd.s32 s3, s9;
	s6 =	sadd.s32 @!p0 $0x88, s6;
	s7 =	simm.s32 @p2 $0x1082  }
0x22: {  	[simem:s7], [sflag:s8] =	dma.local @!p0 [hbm:s6], $0xF7A  }
0x23: {  	s9 =	sor.u32 $0xD0000000, s2;
	s6 =	simm.s32 $0x108;
	_ =	swait.ge @!p0 [sflag:s8], $0x0  }
0x24: {  	s3 =	sadd.s32 $0x88, s3;
	s6 =	simm.s32 @!p1 $0x1082;
	[sflag:s4] =	ssyncset.s32 $0xFFFFF086  }
0x25: {  	[simem:s6], [sflag:s4] =	dma.local [hbm:s3], $0xF7A  }
0x26: {  	[smem:$0x3F9C] =	sst s1;
	(tag) =	ssettag s2;
	_ =	strace s9  }
0x27: {  	s1 =	sld [smem:$0x3FAC]  }
0x28: {  	s2 =	sld [smem:$0x3FAD]  }
0x29: {  	s4 =	sld [smem:$0x3FAF]  }
0x2a: {  	p0 =	seq.s32 s5, $0x0;
	s5 =	sld [smem:$0x3FB0]  }
0x2b: {  	s6 =	sld [smem:$0x3FB1]  }
0x2c: {  	s7 =	sld [smem:$0x3FB2]  }
0x2d: {  	s3 =	simm.s32 $0x108;
	s8 =	sld [smem:$0x3FB3]  }
0x2e: {  	s3 =	simm.s32 @!p0 $0x1082;
	s9 =	sld [smem:$0x3FB4]  }
0x2f: {  	lr =	sadd.s32 s0, s3;
	s0 =	sld [smem:$0x3FAB]  }
0x30: {  	s3 =	sld [smem:$0x3FAE]  }
0x31: {  	[smem:$0x3FB7] =	sst s10  }
0x32: {  	s10 =	sld [smem:$0x3FB5];
	_ =	sdelay $0x3  }
0x33: {  	p0 =	seq.s32 s10, $0x1;
	s10 =	sld [smem:$0x3FB7];
	_ =	sdelay $0x3  }
0x34: {  	[smem:$0x3FB7] =	sst s10  }
0x35: {  	s10 =	sld [smem:$0x3FB6];
	_ =	sdelay $0x3  }
0x36: {  	p1 =	seq.s32 s10, $0x1;
	s10 =	sld [smem:$0x3FB7];
	_ =	sdelay $0x3  }
0x37: {  	[smem:$0x3FB7] =	sst s10  }
0x38: {  	s10 =	sld [smem:$0x3FB8]  }
0x39: {  	_ = 	snop;
	(pc) =	sbr.ind lr, $3  }
0x3a: {  	_ = 	snop  }
0x3b: {  	_ = 	snop  }
0x3c: {  	p2 =	seq.s32 s10, $0x1;
	s10 =	sld [smem:$0x3FB7]  }
0x3d: {  	_ =	shalt  }
0x3e: {  	_ =	shalt  }
0x3f: {  	_ =	shalt  }
0x40: {  	_ =	shalt  }
0x41: {  	_ =	shalt  }
0x42: {  	_ =	shalt  }
0x43: {  	_ =	shalt  }
0x44: {  	_ =	shalt  }
0x45: {  	_ =	shalt  }
0x46: {  	_ =	shalt  }
0x47: {  	_ =	shalt  }
0x48: {  	_ =	shalt  }
0x49: {  	_ =	shalt  }
0x4a: {  	_ =	shalt  }
0x4b: {  	_ =	shalt  }
0x4c: {  	_ =	shalt  }
0x4d: {  	_ =	shalt  }
0x4e: {  	_ =	shalt  }
0x4f: {  	_ =	shalt  }
0x50: {  	_ =	shalt  }
0x51: {  	_ =	shalt  }
0x52: {  	_ =	shalt  }
0x53: {  	_ =	shalt  }
0x54: {  	_ =	shalt  }
0x55: {  	_ =	shalt  }
0x56: {  	_ =	shalt  }
0x57: {  	_ =	shalt  }
0x58: {  	_ =	shalt  }
0x59: {  	_ =	shalt  }
0x5a: {  	_ =	shalt  }
0x5b: {  	_ =	shalt  }
0x5c: {  	_ =	shalt  }
0x5d: {  	_ =	shalt  }
0x5e: {  	_ =	shalt  }
0x5f: {  	_ =	shalt  }
0x60: {  	_ =	shalt  }
0x61: {  	_ =	shalt  }
0x62: {  	_ =	shalt  }
0x63: {  	_ =	shalt  }
0x64: {  	_ =	shalt  }
0x65: {  	_ =	shalt  }
0x66: {  	_ =	shalt  }
0x67: {  	_ =	shalt  }
0x68: {  	_ =	shalt  }
0x69: {  	_ =	shalt  }
0x6a: {  	_ =	shalt  }
0x6b: {  	_ =	shalt  }
0x6c: {  	_ =	shalt  }
0x6d: {  	_ =	shalt  }
0x6e: {  	_ =	shalt  }
0x6f: {  	_ =	shalt  }
0x70: {  	_ =	shalt  }
0x71: {  	_ =	shalt  }
0x72: {  	_ =	shalt  }
0x73: {  	_ =	shalt  }
0x74: {  	_ =	shalt  }
0x75: {  	_ =	shalt  }
0x76: {  	_ =	shalt  }
0x77: {  	_ =	shalt  }
0x78: {  	_ =	shalt  }
0x79: {  	_ =	shalt  }
0x7a: {  	_ =	shalt  }
0x7b: {  	_ =	shalt  }
0x7c: {  	_ =	shalt  }
0x7d: {  	_ =	shalt  }
0x7e: {  	_ =	shalt  }
0x7f: {  	_ =	shalt  }
0x80: {  	_ =	shalt  }
0x81: {  	_ =	shalt  }
0x82: {  	_ =	shalt  }
0x83: {  	_ =	shalt  }
0x84: {  	_ =	shalt  }
0x85: {  	_ =	shalt  }
0x86: {  	_ =	shalt  }
0x87: {  	_ =	shalt  }
.Lfunc_end0:
.L_simem_size_0:
called_computation_lowered:
.L_overlay_start_0:
0x88: {  	s2 =	sld [smem:$0x3FD9]  }
0x89: {  	s3 =	sld [smem:$0x3FFE];
	_ =	sdelay $0x1  }
0x8a: {  	s1 =	srdreg.scid  }
0x8b: {  	s0 =	sand.u32 $0x1, s1  }
0x8c: {  	s17 =	sshll.u32 s0, $0xA;
	s2 =	sadd.s32 s3, s2  }
0x8d: {  	s2 =	sadd.s32 s2, s17  }
0x8e: {  	[smem:$0x3FC3] =	sst s2  }
0x8f: {  	_ = 	snop  }
0x90: {  	s2 =	sld [smem:$0x3FD0];
	(tm) =	ssettm $0x1  }
0x91: {  	s18 =	sld [smem:$0x3FFB];
	_ =	sdelay $0x3  }
0x92: {  	_ =	strace s18  }
0x93: {  	s3 =	sld [smem:$0x3FFC];
	_ =	sdelay $0x3  }
0x94: {  	_ =	strace s3  }
0x95: {  	s3 =	sld [smem:$0x3FFD];
	_ =	sdelay $0x3  }
0x96: {  	_ =	strace s3  }
0x97: {  	_ =	strace $0x8FFFFFFF  }
0x98: {  	s19 =	sld [smem:$0x3FDB];
	_ =	sdelay $0x1  }
0x99: {  	s4 =	simm.s32 $_scs_section_size  }
0x9a: {  	s5 =	simm.s32 $_size__tile_overlayer_lowered;
	s6 =	simm.s32 $_tile_overlayer_lowered  }
0x9b: {  	s22 =	simm.s32 $0x1BFF;
	s21 =	sshll.u32 s6, $0x1;
	s3 =	sadd.s32 s4, s19  }
0x9c: {  	s7 =	simm.s32 $0x0;
	s20 =	sshll.u32 s5, $0x1;
	s5 =	sadd.s32 s21, s3  }
0x9d: {  	[timem:s7], [sflag:s22] =	dma.local [hbm:s5], s20  }
0x9e: {  	_ =	swait.ge [sflag:s22], s20  }
0x9f: {  	s4 =	ssub.s32 $0x0, s20;
	[sflag:s22] =	ssyncset.done $0x0  }
0xa0: {  	[sflag:s22] =	ssyncadd.s32 s4;
	_ =	sdelay $0x1  }
0xa1: {  	s23 =	simm.s32 $0x1B8B  }
0xa2: {  	_ =	swait.ge [sflag:s23], $0x1  }
0xa3: {  	[sflag:s23] =	ssyncset.done $0x0  }
0xa4: {  	s25 =	simm.s32 $0x1B8E;
	s24 =	sld [smem:$0x3FFE];
	[sflag:s23] =	ssyncadd.s32 $0xFFFFFFFF  }
0xa5: {  	s26 =	simm.s32 $execute0_lowered;
	[smem:$0x3FD2] =	sst s25  }
0xa6: {  	s5 =	sshll.u32 s26, $0x1;
	_ =	strace $0x80000046;
	[dreg:$0x1] =	wrdreg $0xFFFFFFFF  }
0xa7: {  	s28 =	simm.s32 $_size_execute0_lowered;
	s3 =	sadd.s32 s3, s5;
	[dreg:$0x0] =	wrdreg $0x0  }
0xa8: {  	s5 =	sshll.u32 s28, $0x1;
	[dreg:$0x2] =	wrdreg s3  }
0xa9: {  	[dreg:$0x3] =	wrdreg s5  }
0xaa: {  	[dreg:$0x4] =	wrdreg $0xC0  }
0xab: {  	_ =	task [dreg:s7], $0x5FFFF  }
0xac: {  	[dreg:$0x1] =	wrdreg $0xFFFFFFFF  }
0xad: {  	[dreg:$0x0] =	wrdreg $0x60  }
0xae: {  	[dreg:$0x2] =	wrdreg s24  }
0xaf: {  	[dreg:$0x3] =	wrdreg s2  }
0xb0: {  	[dreg:$0x4] =	wrdreg $0xDDE00  }
0xb1: {  	[dreg:$0x5] =	wrdreg $0x9  }
0xb2: {  	_ =	task.clear_ibuf [dreg:s7], $0x6FFFF;
	_ =	strace $0x90000046  }
0xb3: {  	s29 =	simm.s32 $0x9;
	_ =	strace $0x80000048  }
0xb4: {  	_ =	swait.ge [sflag:s29], $0x1  }
0xb5: {  	[sflag:s29] =	ssyncadd.s32 $0xFFFFFFFF  }
0xb6: {  	_ =	strace $0x90000048  }
0xb7: {  	_ =	sfence  }
0xb8: {  	s30 =	sld [smem:$0x0];
	_ =	sdelay $0x2  }
0xb9: {  	s31 =	sshll.u32 s1, $0xD;
	s1 =	sshrl.u32 s1, $0x2  }
0xba: {  	s3 =	sand.u32 $0x4000, s31;
	s1 =	sadd.s32 s1, s30  }
0xbb: {  	s0 =	sor.u32 s3, s0;
	s1 =	sshll.u32 s1, $0x11  }
0xbc: {  	s0 =	sor.u32 s1, s0  }
0xbd: {  	s0 =	sadd.s32 $0x8F2B, s0  }
0xbe: {  	[sflag:s0] =	ssyncadd.remote.s32 $0x1  }
0xbf: {  	_ =	sfence.sel $0xFFFF  }
0xc0: {  	[dreg:$0x0] =	wrdreg $0xFFFFFFFF;
	(pc) =	sbr.abs _section_cstart, $3  }
0xc1: {  	[dreg:$0x1] =	wrdreg $0xFFFFFFFF  }
0xc2: {  	_ =	task.clear_ibuf [dreg:s7], $0x2FFFF;
	_ =	strace $0x9FFFFFFF  }
0xc3: {  	(tm) =	ssettm $0x7FFFFFFF  }
tec
execute0_lowered:
.L_overlay_start_1:
0x0: {  	(tag) =	ssettag $0x1  }
0x1: {  	s0 =	rddreg [dreg:$0x0]  }
0x2: {  	s1 =	srdreg.scid;
	s10 =	rddreg [dreg:$0x1]  }
0x3: {  	s2 =	rddreg [dreg:$0x2];
	s13 =	stileid.u32;
	s3 =	simm.s32 $0x0  }
0x4: {  	s15 =	simm.s32 $0x5;
	s17 =	simm.s32 $0x5140;
	s18 =	simm.s32 $0x64  }
0x5: {  	s21 =	simm.s32 $0x92E0;
	s22 =	simm.s32 $0x1;
	s23 =	simm.s32 $0xABE0  }
0x6: {  	s24 =	simm.s32 $0x2;
	s28 =	simm.s32 $0x3;
	s29 =	simm.s32 $0x4  }
0x7: {  	s30 =	simm.s32 $0x0;
	s1 =	sand.u32 $0x1, s1;
	s6 =	smul.u32 $0x27000, s13  }
0x8: {  	[smem:$0x7FF] =	sst s3;
	s11 =	smul.u32 $0x9C00, s13;
	s12 =	sadd.s32 $0x92400, s2  }
0x9: {  	p0 =	seq.s32 s13, $0xF;
	s4 =	sshll.u32 s1, $0x4;
	_ =	strace $0x80000047  }
0xa: {  	s7 =	ssub.s32 $0x2, s1;
	s1 =	smul.u32 $0x9C400, s1;
	s12 =	sshrl.u32 @p0 s12, $0x3  }
0xb: {  	s4 =	sor.u32 s13, s4;
	s9 =	sshrl.u32 s7, $0x1;
	s6 =	sshrl.u32 s6, $0x2  }
0xc: {  	s16 =	sadd.s32 s11, s2;
	s5 =	smul.u32 $0x514, s4;
	s4 =	sadd.s32 $0x20A00, s0  }
0xd: {  	s25 =	ssub.s32 s7, s9;
	s26 =	sadd.s32 s11, s1;
	s1 =	sshrl.u32 s1, $0x3  }
0xe: {  	s14 =	sadd.s32 s6, s2;
	s9 =	sshrl.u32 s26, $0x3;
	s1 =	sadd.s32 s10, s1  }
.Ltmp0:
0xf: {  	s11 =	smax.u32 s25, $0x1;
	s14 =	sshrl.u32 @!p0 s14, $0x3;
	(pc) =	sbr.rel .LBB2_1-.Ltmp0, $4  }
0x10: {  	s25 =	sshrl.u32 @!p0 s16, $0x3;
	s26 =	simm.s32 $0xC4E0;
	s8 =	sadd.s32 s5, s0  }
0x11: {  	s5 =	sadd.s32 $0xA00, s0;
	s9 =	sadd.s32 s10, s9;
	s10 =	sadd.s32 $0x12480, s1  }
0x12: {  	s0 =	sshll.u32 @!p0 s13, $0x6;
	s31 =	sadd.s32 $0x1E00, s8;
	s7 =	sadd.s32 $0xC200, s8  }
0x13: {  	s8 =	sadd.s32 $0x16600, s8;
	s13 =	sor.u32 @!p0 $0x1C05, s0;
	[dreg:$0x4] =	wrdreg s31  }
.LBB2_8:
0x14: {  	s0 =	sadd.s32 $0x28A0, s0  }
0x15: {  	[spmem:s2] =	stream.indirect.scatter.add.f32 [tilespmem:s26], [sflag:$0x4], $0x40, s0, s18, $0xb8;
	[tilespmem:$0x17A20] =	vst v63  }
0x16: {  	_ =	swait.ge [sflag:s28], $0x1900  }
0x17: {  	[sflag:s28] =	ssyncset.done $0x0  }
0x18: {  	[sflag:s28] =	ssyncadd.s32 $0xFFFFE700  }
0x19: {  	_ =	swait.ge [sflag:s29], $0x1900  }
0x1a: {  	[sflag:s29] =	ssyncset.done $0x0  }
0x1b: {  	[sflag:s29] =	ssyncadd.s32 $0xFFFFE700  }
0x1c: {  	s0 =	simm.s32 @p0 $0x1FC5;
	[bflag:$0x0] =	sbarrier.arrive $0xFFFF  }
0x1d: {  	[hbm:s10], [sflag:s0] =	dma.local @p0 [spmem:s12], $0x1400  }
0x1e: {  	s0 =	simm.s32 @p0 $0x5  }
0x1f: {  	s30 =	sadd.s32 $0x1, s30;
	_ =	swait.ge @p0 [sflag:s0], $0x1400  }
0x20: {  	p1 =	sne.s32 s30, s11;
	[sflag:s0] =	ssyncset.done @p0 $0x0  }
.Ltmp1:
0x21: {  	[sflag:s0] =	ssyncadd.s32 @p0 $0xFFFFEC00;
	s0 =	simm.s32 @!p0 $0x5;
	(pc) =	sbr.rel @!p1 .LBB2_9-.Ltmp1, $4  }
0x22: {  	[hbm:s9], [sflag:s13] =	dma.local @!p0 [spmem:s25], $0x1380  }
0x23: {  	_ =	swait.ge @!p0 [sflag:s0], $0x1380  }
0x24: {  	[sflag:s0] =	ssyncset.done @!p0 $0x0  }
0x25: {  	[sflag:s0] =	ssyncadd.s32 @!p0 $0xFFFFEC80  }
.LBB2_1:
0x26: {  	s0 =	simm.s32 @p0 $0x1FC5  }
0x27: {  	[spmem:s12], [sflag:s0] =	dma.local @p0 [hbm:s5], $0x1400  }
0x28: {  	s0 =	simm.s32 @p0 $0x5  }
0x29: {  	_ =	swait.ge @p0 [sflag:s0], $0x1400  }
0x2a: {  	[sflag:s0] =	ssyncset.done @p0 $0x0  }
0x2b: {  	[sflag:s0] =	ssyncadd.s32 @p0 $0xFFFFEC00;
	s0 =	simm.s32 @!p0 $0x5  }
0x2c: {  	[spmem:s14], [sflag:s13] =	dma.local @!p0 [hbm:s5], $0x1380  }
0x2d: {  	_ =	swait.ge @!p0 [sflag:s0], $0x1380  }
0x2e: {  	[sflag:s0] =	ssyncset.done @!p0 $0x0  }
0x2f: {  	s6 =	rddreg [dreg:$0x4];
	[sflag:s0] =	ssyncadd.s32 @!p0 $0xFFFFEC80  }
0x30: {  	[tilespmem:s3], [sflag:$0x5] =	stream.linear.gather [hbm4b:s6+s3], $0x28A0, $0x38;
	[tilespmem:$0x17A20] =	vst v63  }
0x31: {  	_ =	swait.ge [sflag:s15], $0x28A0  }
0x32: {  	[sflag:s15] =	ssyncset.done $0x0  }
0x33: {  	s16 =	simm.s32 $0x28A0;
	[sflag:s15] =	ssyncadd.s32 $0xFFFFD760  }
0x34: {  	[tilespmem:s16], [sflag:$0x5] =	stream.linear.gather [hbm4b:s7+s3], $0x28A0, $0x38;
	[tilespmem:$0x17A20] =	vst v63  }
0x35: {  	_ =	swait.ge [sflag:s15], $0x28A0  }
0x36: {  	[sflag:s15] =	ssyncset.done $0x0  }
0x37: {  	[sflag:s15] =	ssyncadd.s32 $0xFFFFD760  }
0x38: {  	[tilespmem:s17], [sflag:$0x5] =	stream.linear.gather [hbm4b:s8+s3], $0x28A0, $0x38;
	[tilespmem:$0x17A20] =	vst v63  }
0x39: {  	_ =	swait.ge [sflag:s15], $0x28A0  }
0x3a: {  	[sflag:s15] =	ssyncset.done $0x0  }
0x3b: {  	[sflag:s15] =	ssyncadd.s32 $0xFFFFD760  }
0x3c: {  	s19 =	simm.s32 $0x79E0;
	[bflag:$0x0] =	sbarrier.arrive $0xFFFF  }
0x3d: {  	[tilespmem:s19], [sflag:$0x1] =	stream.indirect.gather [hbm4b:s4+s18], $0x40, s3, s18, $0xb8;
	[tilespmem:$0x17A20] =	vst v63  }
0x3e: {  	s20 =	simm.s32 $0x68;
	s31 =	simm.s32 $0x0  }
0x3f: {  	[tilespmem:s21], [sflag:$0x2] =	stream.indirect.gather [hbm4b:s4+s18], $0x40, s20, s18, $0xb8;
	[tilespmem:$0x17A20] =	vst v63  }
.LBB2_2:
0x40: {  	_ =	swait.ge [sflag:s22], $0x1900  }
0x41: {  	p1 =	seq.s32 s31, $0x0;
	s0 =	sshll.u32 s31, $0x1;
	[sflag:s22] =	ssyncset.done $0x0  }
0x42: {  	s1 =	simm.s32 @!p1 $0x3;
	v0 =	vmov s0;
	[sflag:s22] =	ssyncadd.s32 $0xFFFFE700  }
0x43: {  	v0 =	vmul.u32 $0x68, v0;
	_ =	swait.ge @!p1 [sflag:s1], $0x1900  }
0x44: {  	s16 =	simm.s32 $0xAE60;
	[sflag:s1] =	ssyncset.done @!p1 $0x0  }
0x45: {  	s19 =	simm.s32 $0x7C60;
	v0 =	vbroadcast v0, $0x0;
	[sflag:s1] =	ssyncadd.s32 @!p1 $0xFFFFE700;
	s1 =	simm.s32 $0x13  }
.LBB2_3:
0x46: {  	s20 =	sadd.s32 $0xFFFFFFED, s1  }
0x47: {  	v1 =	vmov s20  }
0x48: {  	v2 =	vand.u32 $0xF8, v1  }
0x49: {  	v1 =	vand.u32 $0x4, v1;
	v2 =	vadd.s32 v0, v2  }
0x4a: {  	v1 =	vor.u32 v1, v2;
	_ =	sdelay $0x3  }
0x4b: {  	v2 =	vld [tilespmem:s19+$0xFFFFFD80]  }
0x4c: {  	v1 =	vld.idx.msk [tilespmem:v1+s17+$0x0], $0xffff;
	_ =	sdelay $0x4  }
0x4d: {  	v2 =	vmul.f32 v2, v1;
	_ =	sdelay $0x1  }
0x4e: {  	[tilespmem:s16+$0xFFFFFD80] =	vst v2  }
0x4f: {  	v2 =	vld [tilespmem:s19+$0xFFFFFD90];
	_ =	sdelay $0x4  }
0x50: {  	v2 =	vmul.f32 v2, v1;
	_ =	sdelay $0x1  }
0x51: {  	[tilespmem:s16+$0xFFFFFD90] =	vst v2  }
0x52: {  	v2 =	vld [tilespmem:s19+$0xFFFFFDA0];
	_ =	sdelay $0x4  }
0x53: {  	v2 =	vmul.f32 v2, v1;
	_ =	sdelay $0x1  }
0x54: {  	s6 =	sadd.s32 $0xFFFFFFEE, s1;
	[tilespmem:s16+$0xFFFFFDA0] =	vst v2  }
0x55: {  	v3 =	vmov s6;
	v2 =	vld [tilespmem:s19+$0xFFFFFDB0]  }
0x56: {  	v4 =	vand.u32 $0xF8, v3  }
0x57: {  	v3 =	vand.u32 $0x5, v3;
	v4 =	vadd.s32 v0, v4  }
0x58: {  	v3 =	vor.u32 v3, v4;
	_ =	sdelay $0x1  }
0x59: {  	v1 =	vmul.f32 v2, v1;
	_ =	sdelay $0x1  }
0x5a: {  	[tilespmem:s16+$0xFFFFFDB0] =	vst v1  }
0x5b: {  	v1 =	vld.idx.msk [tilespmem:v3+s17+$0x0], $0xffff  }
0x5c: {  	v2 =	vld [tilespmem:s19+$0xFFFFFDC0];
	_ =	sdelay $0x4  }
0x5d: {  	v2 =	vmul.f32 v2, v1;
	_ =	sdelay $0x1  }
0x5e: {  	[tilespmem:s16+$0xFFFFFDC0] =	vst v2  }
0x5f: {  	v2 =	vld [tilespmem:s19+$0xFFFFFDD0];
	_ =	sdelay $0x4  }
0x60: {  	v2 =	vmul.f32 v2, v1;
	_ =	sdelay $0x1  }
0x61: {  	[tilespmem:s16+$0xFFFFFDD0] =	vst v2  }
0x62: {  	v2 =	vld [tilespmem:s19+$0xFFFFFDE0];
	_ =	sdelay $0x4  }
0x63: {  	v2 =	vmul.f32 v2, v1;
	_ =	sdelay $0x1  }
0x64: {  	s6 =	sadd.s32 $0xFFFFFFEF, s1;
	[tilespmem:s16+$0xFFFFFDE0] =	vst v2  }
0x65: {  	v3 =	vmov s6;
	v2 =	vld [tilespmem:s19+$0xFFFFFDF0]  }
0x66: {  	v46 =	vand.u32 $0xF8, v3  }
0x67: {  	v3 =	vand.u32 $0x6, v3;
	v4 =	vadd.s32 v0, v46  }
0x68: {  	v3 =	vor.u32 v3, v4;
	_ =	sdelay $0x1  }
0x69: {  	v1 =	vmul.f32 v2, v1;
	_ =	sdelay $0x1  }
0x6a: {  	[tilespmem:s16+$0xFFFFFDF0] =	vst v1  }
0x6b: {  	v1 =	vld.idx.msk [tilespmem:v3+s17+$0x0], $0xffff  }
0x6c: {  	v2 =	vld [tilespmem:s19+$0xFFFFFE00];
	_ =	sdelay $0x4  }
0x6d: {  	v2 =	vmul.f32 v2, v1;
	_ =	sdelay $0x1  }
0x6e: {  	[tilespmem:s16+$0xFFFFFE00] =	vst v2  }
0x6f: {  	v2 =	vld [tilespmem:s19+$0xFFFFFE10];
	_ =	sdelay $0x4  }
0x70: {  	v2 =	vmul.f32 v2, v1;
	_ =	sdelay $0x1  }
0x71: {  	[tilespmem:s16+$0xFFFFFE10] =	vst v2  }
0x72: {  	v2 =	vld [tilespmem:s19+$0xFFFFFE20];
	_ =	sdelay $0x4  }
0x73: {  	v2 =	vmul.f32 v2, v1;
	_ =	sdelay $0x1  }
0x74: {  	s6 =	sadd.s32 $0xFFFFFFF0, s1;
	[tilespmem:s16+$0xFFFFFE20] =	vst v2  }
0x75: {  	v3 =	vmov s6;
	v2 =	vld [tilespmem:s19+$0xFFFFFE30]  }
0x76: {  	v47 =	vand.u32 $0xF8, v3  }
0x77: {  	v3 =	vand.u32 $0x7, v3;
	v4 =	vadd.s32 v0, v47  }
0x78: {  	v3 =	vor.u32 v3, v4;
	_ =	sdelay $0x1  }
0x79: {  	v1 =	vmul.f32 v2, v1;
	_ =	sdelay $0x1  }
0x7a: {  	[tilespmem:s16+$0xFFFFFE30] =	vst v1  }
0x7b: {  	v1 =	vld.idx.msk [tilespmem:v3+s17+$0x0], $0xffff  }
0x7c: {  	v2 =	vld [tilespmem:s19+$0xFFFFFE40];
	_ =	sdelay $0x4  }
0x7d: {  	v2 =	vmul.f32 v2, v1;
	_ =	sdelay $0x1  }
0x7e: {  	[tilespmem:s16+$0xFFFFFE40] =	vst v2  }
0x7f: {  	v2 =	vld [tilespmem:s19+$0xFFFFFE50];
	_ =	sdelay $0x4  }
0x80: {  	v2 =	vmul.f32 v2, v1;
	_ =	sdelay $0x1  }
0x81: {  	[tilespmem:s16+$0xFFFFFE50] =	vst v2  }
0x82: {  	v2 =	vld [tilespmem:s19+$0xFFFFFE60];
	_ =	sdelay $0x4  }
0x83: {  	v2 =	vmul.f32 v2, v1;
	_ =	sdelay $0x1  }
0x84: {  	s6 =	sadd.s32 $0xFFFFFFF1, s1;
	[tilespmem:s16+$0xFFFFFE60] =	vst v2  }
0x85: {  	v3 =	vmov s6;
	v2 =	vld [tilespmem:s19+$0xFFFFFE70]  }
0x86: {  	v48 =	vand.u32 $0x1F8, v3  }
0x87: {  	v3 =	vand.u32 $0x4, v3;
	v4 =	vadd.s32 v0, v48  }
0x88: {  	v3 =	vor.u32 v3, v4;
	_ =	sdelay $0x1  }
0x89: {  	v1 =	vmul.f32 v2, v1;
	_ =	sdelay $0x1  }
0x8a: {  	[tilespmem:s16+$0xFFFFFE70] =	vst v1  }
0x8b: {  	v1 =	vld.idx.msk [tilespmem:v3+s17+$0x0], $0xffff  }
0x8c: {  	v2 =	vld [tilespmem:s19+$0xFFFFFE80];
	_ =	sdelay $0x4  }
0x8d: {  	v2 =	vmul.f32 v2, v1;
	_ =	sdelay $0x1  }
0x8e: {  	[tilespmem:s16+$0xFFFFFE80] =	vst v2  }
0x8f: {  	v2 =	vld [tilespmem:s19+$0xFFFFFE90];
	_ =	sdelay $0x4  }
0x90: {  	v2 =	vmul.f32 v2, v1;
	_ =	sdelay $0x1  }
0x91: {  	[tilespmem:s16+$0xFFFFFE90] =	vst v2  }
0x92: {  	v2 =	vld [tilespmem:s19+$0xFFFFFEA0];
	_ =	sdelay $0x4  }
0x93: {  	v2 =	vmul.f32 v2, v1;
	_ =	sdelay $0x1  }
0x94: {  	s6 =	sadd.s32 $0xFFFFFFF2, s1;
	[tilespmem:s16+$0xFFFFFEA0] =	vst v2  }
0x95: {  	v3 =	vmov s6;
	v2 =	vld [tilespmem:s19+$0xFFFFFEB0]  }
0x96: {  	v49 =	vand.u32 $0x1F8, v3  }
0x97: {  	v3 =	vand.u32 $0x5, v3;
	v4 =	vadd.s32 v0, v49  }
0x98: {  	v3 =	vor.u32 v3, v4;
	_ =	sdelay $0x1  }
0x99: {  	v1 =	vmul.f32 v2, v1;
	_ =	sdelay $0x1  }
0x9a: {  	[tilespmem:s16+$0xFFFFFEB0] =	vst v1  }
0x9b: {  	v1 =	vld.idx.msk [tilespmem:v3+s17+$0x0], $0xffff  }
0x9c: {  	v2 =	vld [tilespmem:s19+$0xFFFFFEC0];
	_ =	sdelay $0x4  }
0x9d: {  	v2 =	vmul.f32 v2, v1;
	_ =	sdelay $0x1  }
0x9e: {  	[tilespmem:s16+$0xFFFFFEC0] =	vst v2  }
0x9f: {  	v2 =	vld [tilespmem:s19+$0xFFFFFED0];
	_ =	sdelay $0x4  }
0xa0: {  	v2 =	vmul.f32 v2, v1;
	_ =	sdelay $0x1  }
0xa1: {  	[tilespmem:s16+$0xFFFFFED0] =	vst v2  }
0xa2: {  	v2 =	vld [tilespmem:s19+$0xFFFFFEE0];
	_ =	sdelay $0x4  }
0xa3: {  	v2 =	vmul.f32 v2, v1;
	_ =	sdelay $0x1  }
0xa4: {  	s6 =	sadd.s32 $0xFFFFFFF3, s1;
	[tilespmem:s16+$0xFFFFFEE0] =	vst v2  }
0xa5: {  	v3 =	vmov s6;
	v2 =	vld [tilespmem:s19+$0xFFFFFEF0]  }
0xa6: {  	v50 =	vand.u32 $0x1F8, v3  }
0xa7: {  	v3 =	vand.u32 $0x6, v3;
	v4 =	vadd.s32 v0, v50  }
0xa8: {  	v3 =	vor.u32 v3, v4;
	_ =	sdelay $0x1  }
0xa9: {  	v1 =	vmul.f32 v2, v1;
	_ =	sdelay $0x1  }
0xaa: {  	[tilespmem:s16+$0xFFFFFEF0] =	vst v1  }
0xab: {  	v1 =	vld.idx.msk [tilespmem:v3+s17+$0x0], $0xffff  }
0xac: {  	v2 =	vld [tilespmem:s19+$0xFFFFFF00];
	_ =	sdelay $0x4  }
0xad: {  	v2 =	vmul.f32 v2, v1;
	_ =	sdelay $0x1  }
0xae: {  	[tilespmem:s16+$0xFFFFFF00] =	vst v2  }
0xaf: {  	v2 =	vld [tilespmem:s19+$0xFFFFFF10];
	_ =	sdelay $0x4  }
0xb0: {  	v2 =	vmul.f32 v2, v1;
	_ =	sdelay $0x1  }
0xb1: {  	[tilespmem:s16+$0xFFFFFF10] =	vst v2  }
0xb2: {  	v2 =	vld [tilespmem:s19+$0xFFFFFF20];
	_ =	sdelay $0x4  }
0xb3: {  	v2 =	vmul.f32 v2, v1;
	_ =	sdelay $0x1  }
0xb4: {  	s6 =	sadd.s32 $0xFFFFFFF4, s1;
	[tilespmem:s16+$0xFFFFFF20] =	vst v2  }
0xb5: {  	v3 =	vmov s6;
	v2 =	vld [tilespmem:s19+$0xFFFFFF30]  }
0xb6: {  	v51 =	vand.u32 $0x1F8, v3  }
0xb7: {  	v3 =	vand.u32 $0x7, v3;
	v4 =	vadd.s32 v0, v51  }
0xb8: {  	v3 =	vor.u32 v3, v4;
	_ =	sdelay $0x1  }
0xb9: {  	v1 =	vmul.f32 v2, v1;
	_ =	sdelay $0x1  }
0xba: {  	[tilespmem:s16+$0xFFFFFF30] =	vst v1  }
0xbb: {  	v1 =	vld.idx.msk [tilespmem:v3+s17+$0x0], $0xffff  }
0xbc: {  	v2 =	vld [tilespmem:s19+$0xFFFFFF40];
	_ =	sdelay $0x4  }
0xbd: {  	v2 =	vmul.f32 v2, v1;
	_ =	sdelay $0x1  }
0xbe: {  	[tilespmem:s16+$0xFFFFFF40] =	vst v2  }
0xbf: {  	v2 =	vld [tilespmem:s19+$0xFFFFFF50];
	_ =	sdelay $0x4  }
0xc0: {  	v2 =	vmul.f32 v2, v1;
	_ =	sdelay $0x1  }
0xc1: {  	[tilespmem:s16+$0xFFFFFF50] =	vst v2  }
0xc2: {  	v2 =	vld [tilespmem:s19+$0xFFFFFF60];
	_ =	sdelay $0x4  }
0xc3: {  	v2 =	vmul.f32 v2, v1;
	_ =	sdelay $0x1  }
0xc4: {  	s6 =	sadd.s32 $0xFFFFFFF5, s1;
	[tilespmem:s16+$0xFFFFFF60] =	vst v2  }
0xc5: {  	v3 =	vmov s6;
	v2 =	vld [tilespmem:s19+$0xFFFFFF70]  }
0xc6: {  	v52 =	vand.u32 $0x1F8, v3  }
0xc7: {  	v3 =	vand.u32 $0x4, v3;
	v4 =	vadd.s32 v0, v52  }
0xc8: {  	v3 =	vor.u32 v3, v4;
	_ =	sdelay $0x1  }
0xc9: {  	v1 =	vmul.f32 v2, v1;
	_ =	sdelay $0x1  }
0xca: {  	[tilespmem:s16+$0xFFFFFF70] =	vst v1  }
0xcb: {  	v1 =	vld.idx.msk [tilespmem:v3+s17+$0x0], $0xffff  }
0xcc: {  	v2 =	vld [tilespmem:s19+$0xFFFFFF80];
	_ =	sdelay $0x4  }
0xcd: {  	v2 =	vmul.f32 v2, v1;
	_ =	sdelay $0x1  }
0xce: {  	[tilespmem:s16+$0xFFFFFF80] =	vst v2  }
0xcf: {  	v2 =	vld [tilespmem:s19+$0xFFFFFF90];
	_ =	sdelay $0x4  }
0xd0: {  	v2 =	vmul.f32 v2, v1;
	_ =	sdelay $0x1  }
0xd1: {  	[tilespmem:s16+$0xFFFFFF90] =	vst v2  }
0xd2: {  	v2 =	vld [tilespmem:s19+$0xFFFFFFA0];
	_ =	sdelay $0x4  }
0xd3: {  	v2 =	vmul.f32 v2, v1;
	_ =	sdelay $0x1  }
0xd4: {  	s6 =	sadd.s32 $0xFFFFFFF6, s1;
	[tilespmem:s16+$0xFFFFFFA0] =	vst v2  }
0xd5: {  	v3 =	vmov s6;
	v2 =	vld [tilespmem:s19+$0xFFFFFFB0]  }
0xd6: {  	v53 =	vand.u32 $0x1F8, v3  }
0xd7: {  	v3 =	vand.u32 $0x5, v3;
	v4 =	vadd.s32 v0, v53  }
0xd8: {  	v3 =	vor.u32 v3, v4;
	_ =	sdelay $0x1  }
0xd9: {  	v1 =	vmul.f32 v2, v1;
	_ =	sdelay $0x1  }
0xda: {  	[tilespmem:s16+$0xFFFFFFB0] =	vst v1  }
0xdb: {  	v1 =	vld.idx.msk [tilespmem:v3+s17+$0x0], $0xffff  }
0xdc: {  	v2 =	vld [tilespmem:s19+$0xFFFFFFC0];
	_ =	sdelay $0x4  }
0xdd: {  	v2 =	vmul.f32 v2, v1;
	_ =	sdelay $0x1  }
0xde: {  	[tilespmem:s16+$0xFFFFFFC0] =	vst v2  }
0xdf: {  	v2 =	vld [tilespmem:s19+$0xFFFFFFD0];
	_ =	sdelay $0x4  }
0xe0: {  	v2 =	vmul.f32 v2, v1;
	_ =	sdelay $0x1  }
0xe1: {  	[tilespmem:s16+$0xFFFFFFD0] =	vst v2  }
0xe2: {  	v2 =	vld [tilespmem:s19+$0xFFFFFFE0];
	_ =	sdelay $0x4  }
0xe3: {  	v2 =	vmul.f32 v2, v1;
	_ =	sdelay $0x1  }
0xe4: {  	s6 =	sadd.s32 $0xFFFFFFF7, s1;
	[tilespmem:s16+$0xFFFFFFE0] =	vst v2  }
0xe5: {  	v3 =	vmov s6;
	v2 =	vld [tilespmem:s19+$0xFFFFFFF0]  }
0xe6: {  	v54 =	vand.u32 $0x1F8, v3  }
0xe7: {  	v3 =	vand.u32 $0x6, v3;
	v4 =	vadd.s32 v0, v54  }
0xe8: {  	v3 =	vor.u32 v3, v4;
	_ =	sdelay $0x1  }
0xe9: {  	v1 =	vmul.f32 v2, v1;
	_ =	sdelay $0x1  }
0xea: {  	[tilespmem:s16+$0xFFFFFFF0] =	vst v1  }
0xeb: {  	v1 =	vld.idx.msk [tilespmem:v3+s17+$0x0], $0xffff  }
0xec: {  	v2 =	vld [tilespmem:s19+$0x0];
	_ =	sdelay $0x4  }
0xed: {  	v2 =	vmul.f32 v2, v1;
	_ =	sdelay $0x1  }
0xee: {  	[tilespmem:s16+$0x0] =	vst v2  }
0xef: {  	v2 =	vld [tilespmem:s19+$0x10];
	_ =	sdelay $0x4  }
0xf0: {  	v2 =	vmul.f32 v2, v1;
	_ =	sdelay $0x1  }
0xf1: {  	[tilespmem:s16+$0x10] =	vst v2  }
0xf2: {  	v2 =	vld [tilespmem:s19+$0x20];
	_ =	sdelay $0x4  }
0xf3: {  	v2 =	vmul.f32 v2, v1;
	_ =	sdelay $0x1  }
0xf4: {  	s6 =	sadd.s32 $0xFFFFFFF8, s1;
	[tilespmem:s16+$0x20] =	vst v2  }
0xf5: {  	v3 =	vmov s6;
	v2 =	vld [tilespmem:s19+$0x30]  }
0xf6: {  	v55 =	vand.u32 $0x1F8, v3  }
0xf7: {  	v3 =	vand.u32 $0x7, v3;
	v4 =	vadd.s32 v0, v55  }
0xf8: {  	v3 =	vor.u32 v3, v4;
	_ =	sdelay $0x1  }
0xf9: {  	v1 =	vmul.f32 v2, v1;
	_ =	sdelay $0x1  }
0xfa: {  	[tilespmem:s16+$0x30] =	vst v1  }
0xfb: {  	v1 =	vld.idx.msk [tilespmem:v3+s17+$0x0], $0xffff  }
0xfc: {  	v2 =	vld [tilespmem:s19+$0x40];
	_ =	sdelay $0x4  }
0xfd: {  	v2 =	vmul.f32 v2, v1;
	_ =	sdelay $0x1  }
0xfe: {  	[tilespmem:s16+$0x40] =	vst v2  }
0xff: {  	v2 =	vld [tilespmem:s19+$0x50];
	_ =	sdelay $0x4  }
0x100: {  	v2 =	vmul.f32 v2, v1;
	_ =	sdelay $0x1  }
0x101: {  	[tilespmem:s16+$0x50] =	vst v2  }
0x102: {  	v2 =	vld [tilespmem:s19+$0x60];
	_ =	sdelay $0x4  }
0x103: {  	v2 =	vmul.f32 v2, v1;
	_ =	sdelay $0x1  }
0x104: {  	s6 =	sadd.s32 $0xFFFFFFF9, s1;
	[tilespmem:s16+$0x60] =	vst v2  }
0x105: {  	v3 =	vmov s6;
	v2 =	vld [tilespmem:s19+$0x70]  }
0x106: {  	v56 =	vand.u32 $0x1F8, v3  }
0x107: {  	v3 =	vand.u32 $0x4, v3;
	v4 =	vadd.s32 v0, v56  }
0x108: {  	v3 =	vor.u32 v3, v4;
	_ =	sdelay $0x1  }
0x109: {  	v1 =	vmul.f32 v2, v1;
	_ =	sdelay $0x1  }
0x10a: {  	[tilespmem:s16+$0x70] =	vst v1  }
0x10b: {  	v1 =	vld.idx.msk [tilespmem:v3+s17+$0x0], $0xffff  }
0x10c: {  	v2 =	vld [tilespmem:s19+$0x80];
	_ =	sdelay $0x4  }
0x10d: {  	v2 =	vmul.f32 v2, v1;
	_ =	sdelay $0x1  }
0x10e: {  	[tilespmem:s16+$0x80] =	vst v2  }
0x10f: {  	v2 =	vld [tilespmem:s19+$0x90];
	_ =	sdelay $0x4  }
0x110: {  	v2 =	vmul.f32 v2, v1;
	_ =	sdelay $0x1  }
0x111: {  	[tilespmem:s16+$0x90] =	vst v2  }
0x112: {  	v2 =	vld [tilespmem:s19+$0xA0];
	_ =	sdelay $0x4  }
0x113: {  	v2 =	vmul.f32 v2, v1;
	_ =	sdelay $0x1  }
0x114: {  	s6 =	sadd.s32 $0xFFFFFFFA, s1;
	[tilespmem:s16+$0xA0] =	vst v2  }
0x115: {  	v3 =	vmov s6;
	v2 =	vld [tilespmem:s19+$0xB0]  }
0x116: {  	v57 =	vand.u32 $0x1F8, v3  }
0x117: {  	v3 =	vand.u32 $0x5, v3;
	v4 =	vadd.s32 v0, v57  }
0x118: {  	v3 =	vor.u32 v3, v4;
	_ =	sdelay $0x1  }
0x119: {  	v1 =	vmul.f32 v2, v1;
	_ =	sdelay $0x1  }
0x11a: {  	[tilespmem:s16+$0xB0] =	vst v1  }
0x11b: {  	v1 =	vld.idx.msk [tilespmem:v3+s17+$0x0], $0xffff  }
0x11c: {  	v2 =	vld [tilespmem:s19+$0xC0];
	_ =	sdelay $0x4  }
0x11d: {  	v2 =	vmul.f32 v2, v1;
	_ =	sdelay $0x1  }
0x11e: {  	[tilespmem:s16+$0xC0] =	vst v2  }
0x11f: {  	v2 =	vld [tilespmem:s19+$0xD0];
	_ =	sdelay $0x4  }
0x120: {  	v2 =	vmul.f32 v2, v1;
	_ =	sdelay $0x1  }
0x121: {  	[tilespmem:s16+$0xD0] =	vst v2  }
0x122: {  	v2 =	vld [tilespmem:s19+$0xE0];
	_ =	sdelay $0x4  }
0x123: {  	v2 =	vmul.f32 v2, v1;
	_ =	sdelay $0x1  }
0x124: {  	s6 =	sadd.s32 $0xFFFFFFFB, s1;
	[tilespmem:s16+$0xE0] =	vst v2  }
0x125: {  	v3 =	vmov s6;
	v2 =	vld [tilespmem:s19+$0xF0]  }
0x126: {  	v58 =	vand.u32 $0x1F8, v3  }
0x127: {  	v3 =	vand.u32 $0x6, v3;
	v4 =	vadd.s32 v0, v58  }
0x128: {  	v3 =	vor.u32 v3, v4;
	_ =	sdelay $0x1  }
0x129: {  	v1 =	vmul.f32 v2, v1;
	_ =	sdelay $0x1  }
0x12a: {  	[tilespmem:s16+$0xF0] =	vst v1  }
0x12b: {  	v1 =	vld.idx.msk [tilespmem:v3+s17+$0x0], $0xffff  }
0x12c: {  	v2 =	vld [tilespmem:s19+$0x100];
	_ =	sdelay $0x4  }
0x12d: {  	v2 =	vmul.f32 v2, v1;
	_ =	sdelay $0x1  }
0x12e: {  	[tilespmem:s16+$0x100] =	vst v2  }
0x12f: {  	v2 =	vld [tilespmem:s19+$0x110];
	_ =	sdelay $0x4  }
0x130: {  	v2 =	vmul.f32 v2, v1;
	_ =	sdelay $0x1  }
0x131: {  	[tilespmem:s16+$0x110] =	vst v2  }
0x132: {  	v2 =	vld [tilespmem:s19+$0x120];
	_ =	sdelay $0x4  }
0x133: {  	v2 =	vmul.f32 v2, v1;
	_ =	sdelay $0x1  }
0x134: {  	s6 =	sadd.s32 $0xFFFFFFFC, s1;
	[tilespmem:s16+$0x120] =	vst v2  }
0x135: {  	v3 =	vmov s6;
	v2 =	vld [tilespmem:s19+$0x130]  }
0x136: {  	v59 =	vand.u32 $0x1F8, v3  }
0x137: {  	v3 =	vand.u32 $0x7, v3;
	v4 =	vadd.s32 v0, v59  }
0x138: {  	v3 =	vor.u32 v3, v4;
	_ =	sdelay $0x1  }
0x139: {  	v1 =	vmul.f32 v2, v1;
	_ =	sdelay $0x1  }
0x13a: {  	[tilespmem:s16+$0x130] =	vst v1  }
0x13b: {  	v1 =	vld.idx.msk [tilespmem:v3+s17+$0x0], $0xffff  }
0x13c: {  	v2 =	vld [tilespmem:s19+$0x140];
	_ =	sdelay $0x4  }
0x13d: {  	v2 =	vmul.f32 v2, v1;
	_ =	sdelay $0x1  }
0x13e: {  	[tilespmem:s16+$0x140] =	vst v2  }
0x13f: {  	v2 =	vld [tilespmem:s19+$0x150];
	_ =	sdelay $0x4  }
0x140: {  	v2 =	vmul.f32 v2, v1;
	_ =	sdelay $0x1  }
0x141: {  	[tilespmem:s16+$0x150] =	vst v2  }
0x142: {  	v2 =	vld [tilespmem:s19+$0x160];
	_ =	sdelay $0x4  }
0x143: {  	v2 =	vmul.f32 v2, v1;
	_ =	sdelay $0x1  }
0x144: {  	s6 =	sadd.s32 $0xFFFFFFFD, s1;
	[tilespmem:s16+$0x160] =	vst v2  }
0x145: {  	v3 =	vmov s6;
	v2 =	vld [tilespmem:s19+$0x170]  }
0x146: {  	v60 =	vand.u32 $0x1F8, v3  }
0x147: {  	v3 =	vand.u32 $0x4, v3;
	v4 =	vadd.s32 v0, v60  }
0x148: {  	v3 =	vor.u32 v3, v4;
	_ =	sdelay $0x1  }
0x149: {  	v1 =	vmul.f32 v2, v1;
	_ =	sdelay $0x1  }
0x14a: {  	[tilespmem:s16+$0x170] =	vst v1  }
0x14b: {  	v1 =	vld.idx.msk [tilespmem:v3+s17+$0x0], $0xffff  }
0x14c: {  	v2 =	vld [tilespmem:s19+$0x180];
	_ =	sdelay $0x4  }
0x14d: {  	v2 =	vmul.f32 v2, v1;
	_ =	sdelay $0x1  }
0x14e: {  	[tilespmem:s16+$0x180] =	vst v2  }
0x14f: {  	v2 =	vld [tilespmem:s19+$0x190];
	_ =	sdelay $0x4  }
0x150: {  	v2 =	vmul.f32 v2, v1;
	_ =	sdelay $0x1  }
0x151: {  	[tilespmem:s16+$0x190] =	vst v2  }
0x152: {  	v2 =	vld [tilespmem:s19+$0x1A0];
	_ =	sdelay $0x4  }
0x153: {  	v2 =	vmul.f32 v2, v1;
	_ =	sdelay $0x1  }
0x154: {  	s6 =	sadd.s32 $0xFFFFFFFE, s1;
	[tilespmem:s16+$0x1A0] =	vst v2  }
0x155: {  	v3 =	vmov s6;
	v2 =	vld [tilespmem:s19+$0x1B0]  }
0x156: {  	v61 =	vand.u32 $0x1F8, v3  }
0x157: {  	v3 =	vand.u32 $0x5, v3;
	v4 =	vadd.s32 v0, v61  }
0x158: {  	v3 =	vor.u32 v3, v4;
	_ =	sdelay $0x1  }
0x159: {  	v1 =	vmul.f32 v2, v1;
	_ =	sdelay $0x1  }
0x15a: {  	[tilespmem:s16+$0x1B0] =	vst v1  }
0x15b: {  	v1 =	vld.idx.msk [tilespmem:v3+s17+$0x0], $0xffff  }
0x15c: {  	v2 =	vld [tilespmem:s19+$0x1C0];
	_ =	sdelay $0x4  }
0x15d: {  	v2 =	vmul.f32 v2, v1;
	_ =	sdelay $0x1  }
0x15e: {  	[tilespmem:s16+$0x1C0] =	vst v2  }
0x15f: {  	v2 =	vld [tilespmem:s19+$0x1D0];
	_ =	sdelay $0x4  }
0x160: {  	v2 =	vmul.f32 v2, v1;
	_ =	sdelay $0x1  }
0x161: {  	[tilespmem:s16+$0x1D0] =	vst v2  }
0x162: {  	v2 =	vld [tilespmem:s19+$0x1E0];
	_ =	sdelay $0x4  }
0x163: {  	v2 =	vmul.f32 v2, v1;
	_ =	sdelay $0x1  }
0x164: {  	s6 =	sadd.s32 $0xFFFFFFFF, s1;
	[tilespmem:s16+$0x1E0] =	vst v2  }
0x165: {  	v3 =	vmov s6;
	v2 =	vld [tilespmem:s19+$0x1F0]  }
0x166: {  	v62 =	vand.u32 $0x1F8, v3  }
0x167: {  	v3 =	vand.u32 $0x6, v3;
	v4 =	vadd.s32 v0, v62  }
0x168: {  	v3 =	vor.u32 v3, v4;
	_ =	sdelay $0x1  }
0x169: {  	v1 =	vmul.f32 v2, v1;
	_ =	sdelay $0x1  }
0x16a: {  	[tilespmem:s16+$0x1F0] =	vst v1  }
0x16b: {  	v1 =	vld.idx.msk [tilespmem:v3+s17+$0x0], $0xffff  }
0x16c: {  	v2 =	vld [tilespmem:s19+$0x200];
	_ =	sdelay $0x4  }
0x16d: {  	v2 =	vmul.f32 v2, v1;
	_ =	sdelay $0x1  }
0x16e: {  	[tilespmem:s16+$0x200] =	vst v2  }
0x16f: {  	v2 =	vld [tilespmem:s19+$0x210];
	_ =	sdelay $0x4  }
0x170: {  	v2 =	vmul.f32 v2, v1;
	_ =	sdelay $0x1  }
0x171: {  	[tilespmem:s16+$0x210] =	vst v2  }
0x172: {  	v2 =	vld [tilespmem:s19+$0x220];
	_ =	sdelay $0x4  }
0x173: {  	v2 =	vmul.f32 v2, v1;
	_ =	sdelay $0x1  }
0x174: {  	[tilespmem:s16+$0x220] =	vst v2  }
0x175: {  	v3 =	vmov s1;
	v2 =	vld [tilespmem:s19+$0x230]  }
0x176: {  	v63 =	vand.u32 $0x1F8, v3  }
0x177: {  	v3 =	vand.u32 $0x7, v3;
	v4 =	vadd.s32 v0, v63  }
0x178: {  	v3 =	vor.u32 v3, v4;
	_ =	sdelay $0x1  }
0x179: {  	v1 =	vmul.f32 v2, v1;
	_ =	sdelay $0x1  }
0x17a: {  	[tilespmem:s16+$0x230] =	vst v1  }
0x17b: {  	v1 =	vld.idx.msk [tilespmem:v3+s17+$0x0], $0xffff  }
0x17c: {  	v2 =	vld [tilespmem:s19+$0x240];
	_ =	sdelay $0x4  }
0x17d: {  	v2 =	vmul.f32 v2, v1;
	_ =	sdelay $0x1  }
0x17e: {  	[tilespmem:s16+$0x240] =	vst v2  }
0x17f: {  	v2 =	vld [tilespmem:s19+$0x250];
	_ =	sdelay $0x4  }
0x180: {  	v2 =	vmul.f32 v2, v1;
	_ =	sdelay $0x1  }
0x181: {  	[tilespmem:s16+$0x250] =	vst v2  }
0x182: {  	v2 =	vld [tilespmem:s19+$0x260];
	_ =	sdelay $0x4  }
0x183: {  	v2 =	vmul.f32 v2, v1;
	_ =	sdelay $0x1  }
0x184: {  	[tilespmem:s16+$0x260] =	vst v2  }
0x185: {  	v2 =	vld [tilespmem:s19+$0x270];
	_ =	sdelay $0x1  }
0x186: {  	p2 =	sne.s32 s1, $0x63  }
.Ltmp2:
0x187: {  	_ = 	snop;
	(pc) =	sbr.rel @p2 .LBB2_3-.Ltmp2, $3  }
0x188: {  	_ = 	snop  }
0x189: {  	v1 =	vmul.f32 v2, v1;
	_ =	sdelay $0x1  }
0x18a: {  	s1 =	sadd.s32 $0x14, s1;
	s19 =	sadd.s32 $0x500, s19;
	[tilespmem:s16+$0x270] =	vst v1;
	s16 =	sadd.s32 $0x500, s16  }
0x18b: {  	p2 =	seq.s32 s31, $0x31  }
0x18c: {  	s1 =	smul.u32 @!p2 $0x340, s31;
	_ =	sdelay $0x1  }
0x18d: {  	s19 =	simm.s32 @!p2 $0x64;
	s16 =	sshra.s32 @!p2 s1, $0x2;
	s1 =	simm.s32 @p2 $0x9F40  }
0x18e: {  	s20 =	simm.s32 @!p2 $0x79E0;
	s16 =	sadd.s32 @!p2 $0xD0, s16;
	s1 =	sshra.s32 s1, $0x2  }
0x18f: {  	[tilespmem:s20], [sflag:$0x1] =	stream.indirect.gather @!p2 [hbm4b:s4+s19], $0x40, s16, s19, $0xb8;
	[tilespmem:$0x17A20] =	vst v63  }
0x190: {  	s20 =	sadd.s32 $0x28A0, s1  }
0x191: {  	[spmem:s2] =	stream.indirect.scatter.add.f32 [tilespmem:s23], [sflag:$0x3], $0x40, s20, s18, $0xb8;
	[tilespmem:$0x17A20] =	vst v63  }
0x192: {  	_ =	swait.ge [sflag:s24], $0x1900  }
0x193: {  	s0 =	sor.u32 $0x1, s0;
	[sflag:s24] =	ssyncset.done $0x0  }
0x194: {  	v0 =	vmov s0;
	s16 =	simm.s32 @!p1 $0x4;
	[sflag:s24] =	ssyncadd.s32 $0xFFFFE700  }
0x195: {  	v0 =	vmul.u32 $0x68, v0;
	_ =	swait.ge @!p1 [sflag:s16], $0x1900  }
0x196: {  	s19 =	simm.s32 $0xC760;
	[sflag:s16] =	ssyncset.done @!p1 $0x0  }
0x197: {  	v0 =	vbroadcast v0, $0x0;
	s20 =	simm.s32 $0x9560;
	[sflag:s16] =	ssyncadd.s32 @!p1 $0xFFFFE700;
	s16 =	simm.s32 $0x13  }
.LBB2_5:
0x198: {  	s6 =	sadd.s32 $0xFFFFFFED, s16  }
0x199: {  	v1 =	vmov s6  }
0x19a: {  	v2 =	vand.u32 $0xF8, v1  }
0x19b: {  	v1 =	vand.u32 $0x4, v1;
	v2 =	vadd.s32 v0, v2  }
0x19c: {  	v1 =	vor.u32 v1, v2;
	_ =	sdelay $0x3  }
0x19d: {  	v2 =	vld [tilespmem:s20+$0xFFFFFD80]  }
0x19e: {  	v1 =	vld.idx.msk [tilespmem:v1+s17+$0x0], $0xffff;
	_ =	sdelay $0x4  }
0x19f: {  	v2 =	vmul.f32 v2, v1;
	_ =	sdelay $0x1  }
0x1a0: {  	[tilespmem:s19+$0xFFFFFD80] =	vst v2  }
0x1a1: {  	v2 =	vld [tilespmem:s20+$0xFFFFFD90];
	_ =	sdelay $0x4  }
0x1a2: {  	v2 =	vmul.f32 v2, v1;
	_ =	sdelay $0x1  }
0x1a3: {  	[tilespmem:s19+$0xFFFFFD90] =	vst v2  }
0x1a4: {  	v2 =	vld [tilespmem:s20+$0xFFFFFDA0];
	_ =	sdelay $0x4  }
0x1a5: {  	v2 =	vmul.f32 v2, v1;
	_ =	sdelay $0x1  }
0x1a6: {  	s6 =	sadd.s32 $0xFFFFFFEE, s16;
	[tilespmem:s19+$0xFFFFFDA0] =	vst v2  }
0x1a7: {  	v3 =	vmov s6;
	v2 =	vld [tilespmem:s20+$0xFFFFFDB0]  }
0x1a8: {  	v4 =	vand.u32 $0xF8, v3  }
0x1a9: {  	v3 =	vand.u32 $0x5, v3;
	v4 =	vadd.s32 v0, v4  }
0x1aa: {  	v3 =	vor.u32 v3, v4;
	_ =	sdelay $0x1  }
0x1ab: {  	v1 =	vmul.f32 v2, v1;
	_ =	sdelay $0x1  }
0x1ac: {  	[tilespmem:s19+$0xFFFFFDB0] =	vst v1  }
0x1ad: {  	v1 =	vld.idx.msk [tilespmem:v3+s17+$0x0], $0xffff  }
0x1ae: {  	v2 =	vld [tilespmem:s20+$0xFFFFFDC0];
	_ =	sdelay $0x4  }
0x1af: {  	v2 =	vmul.f32 v2, v1;
	_ =	sdelay $0x1  }
0x1b0: {  	[tilespmem:s19+$0xFFFFFDC0] =	vst v2  }
0x1b1: {  	v2 =	vld [tilespmem:s20+$0xFFFFFDD0];
	_ =	sdelay $0x4  }
0x1b2: {  	v2 =	vmul.f32 v2, v1;
	_ =	sdelay $0x1  }
0x1b3: {  	[tilespmem:s19+$0xFFFFFDD0] =	vst v2  }
0x1b4: {  	v2 =	vld [tilespmem:s20+$0xFFFFFDE0];
	_ =	sdelay $0x4  }
0x1b5: {  	v2 =	vmul.f32 v2, v1;
	_ =	sdelay $0x1  }
0x1b6: {  	s6 =	sadd.s32 $0xFFFFFFEF, s16;
	[tilespmem:s19+$0xFFFFFDE0] =	vst v2  }
0x1b7: {  	v3 =	vmov s6;
	v2 =	vld [tilespmem:s20+$0xFFFFFDF0]  }
0x1b8: {  	v46 =	vand.u32 $0xF8, v3  }
0x1b9: {  	v3 =	vand.u32 $0x6, v3;
	v4 =	vadd.s32 v0, v46  }
0x1ba: {  	v3 =	vor.u32 v3, v4;
	_ =	sdelay $0x1  }
0x1bb: {  	v1 =	vmul.f32 v2, v1;
	_ =	sdelay $0x1  }
0x1bc: {  	[tilespmem:s19+$0xFFFFFDF0] =	vst v1  }
0x1bd: {  	v1 =	vld.idx.msk [tilespmem:v3+s17+$0x0], $0xffff  }
0x1be: {  	v2 =	vld [tilespmem:s20+$0xFFFFFE00];
	_ =	sdelay $0x4  }
0x1bf: {  	v2 =	vmul.f32 v2, v1;
	_ =	sdelay $0x1  }
0x1c0: {  	[tilespmem:s19+$0xFFFFFE00] =	vst v2  }
0x1c1: {  	v2 =	vld [tilespmem:s20+$0xFFFFFE10];
	_ =	sdelay $0x4  }
0x1c2: {  	v2 =	vmul.f32 v2, v1;
	_ =	sdelay $0x1  }
0x1c3: {  	[tilespmem:s19+$0xFFFFFE10] =	vst v2  }
0x1c4: {  	v2 =	vld [tilespmem:s20+$0xFFFFFE20];
	_ =	sdelay $0x4  }
0x1c5: {  	v2 =	vmul.f32 v2, v1;
	_ =	sdelay $0x1  }
0x1c6: {  	s6 =	sadd.s32 $0xFFFFFFF0, s16;
	[tilespmem:s19+$0xFFFFFE20] =	vst v2  }
0x1c7: {  	v3 =	vmov s6;
	v2 =	vld [tilespmem:s20+$0xFFFFFE30]  }
0x1c8: {  	v47 =	vand.u32 $0xF8, v3  }
0x1c9: {  	v3 =	vand.u32 $0x7, v3;
	v4 =	vadd.s32 v0, v47  }
0x1ca: {  	v3 =	vor.u32 v3, v4;
	_ =	sdelay $0x1  }
0x1cb: {  	v1 =	vmul.f32 v2, v1;
	_ =	sdelay $0x1  }
0x1cc: {  	[tilespmem:s19+$0xFFFFFE30] =	vst v1  }
0x1cd: {  	v1 =	vld.idx.msk [tilespmem:v3+s17+$0x0], $0xffff  }
0x1ce: {  	v2 =	vld [tilespmem:s20+$0xFFFFFE40];
	_ =	sdelay $0x4  }
0x1cf: {  	v2 =	vmul.f32 v2, v1;
	_ =	sdelay $0x1  }
0x1d0: {  	[tilespmem:s19+$0xFFFFFE40] =	vst v2  }
0x1d1: {  	v2 =	vld [tilespmem:s20+$0xFFFFFE50];
	_ =	sdelay $0x4  }
0x1d2: {  	v2 =	vmul.f32 v2, v1;
	_ =	sdelay $0x1  }
0x1d3: {  	[tilespmem:s19+$0xFFFFFE50] =	vst v2  }
0x1d4: {  	v2 =	vld [tilespmem:s20+$0xFFFFFE60];
	_ =	sdelay $0x4  }
0x1d5: {  	v2 =	vmul.f32 v2, v1;
	_ =	sdelay $0x1  }
0x1d6: {  	s6 =	sadd.s32 $0xFFFFFFF1, s16;
	[tilespmem:s19+$0xFFFFFE60] =	vst v2  }
0x1d7: {  	v3 =	vmov s6;
	v2 =	vld [tilespmem:s20+$0xFFFFFE70]  }
0x1d8: {  	v48 =	vand.u32 $0x1F8, v3  }
0x1d9: {  	v3 =	vand.u32 $0x4, v3;
	v4 =	vadd.s32 v0, v48  }
0x1da: {  	v3 =	vor.u32 v3, v4;
	_ =	sdelay $0x1  }
0x1db: {  	v1 =	vmul.f32 v2, v1;
	_ =	sdelay $0x1  }
0x1dc: {  	[tilespmem:s19+$0xFFFFFE70] =	vst v1  }
0x1dd: {  	v1 =	vld.idx.msk [tilespmem:v3+s17+$0x0], $0xffff  }
0x1de: {  	v2 =	vld [tilespmem:s20+$0xFFFFFE80];
	_ =	sdelay $0x4  }
0x1df: {  	v2 =	vmul.f32 v2, v1;
	_ =	sdelay $0x1  }
0x1e0: {  	[tilespmem:s19+$0xFFFFFE80] =	vst v2  }
0x1e1: {  	v2 =	vld [tilespmem:s20+$0xFFFFFE90];
	_ =	sdelay $0x4  }
0x1e2: {  	v2 =	vmul.f32 v2, v1;
	_ =	sdelay $0x1  }
0x1e3: {  	[tilespmem:s19+$0xFFFFFE90] =	vst v2  }
0x1e4: {  	v2 =	vld [tilespmem:s20+$0xFFFFFEA0];
	_ =	sdelay $0x4  }
0x1e5: {  	v2 =	vmul.f32 v2, v1;
	_ =	sdelay $0x1  }
0x1e6: {  	s6 =	sadd.s32 $0xFFFFFFF2, s16;
	[tilespmem:s19+$0xFFFFFEA0] =	vst v2  }
0x1e7: {  	v3 =	vmov s6;
	v2 =	vld [tilespmem:s20+$0xFFFFFEB0]  }
0x1e8: {  	v49 =	vand.u32 $0x1F8, v3  }
0x1e9: {  	v3 =	vand.u32 $0x5, v3;
	v4 =	vadd.s32 v0, v49  }
0x1ea: {  	v3 =	vor.u32 v3, v4;
	_ =	sdelay $0x1  }
0x1eb: {  	v1 =	vmul.f32 v2, v1;
	_ =	sdelay $0x1  }
0x1ec: {  	[tilespmem:s19+$0xFFFFFEB0] =	vst v1  }
0x1ed: {  	v1 =	vld.idx.msk [tilespmem:v3+s17+$0x0], $0xffff  }
0x1ee: {  	v2 =	vld [tilespmem:s20+$0xFFFFFEC0];
	_ =	sdelay $0x4  }
0x1ef: {  	v2 =	vmul.f32 v2, v1;
	_ =	sdelay $0x1  }
0x1f0: {  	[tilespmem:s19+$0xFFFFFEC0] =	vst v2  }
0x1f1: {  	v2 =	vld [tilespmem:s20+$0xFFFFFED0];
	_ =	sdelay $0x4  }
0x1f2: {  	v2 =	vmul.f32 v2, v1;
	_ =	sdelay $0x1  }
0x1f3: {  	[tilespmem:s19+$0xFFFFFED0] =	vst v2  }
0x1f4: {  	v2 =	vld [tilespmem:s20+$0xFFFFFEE0];
	_ =	sdelay $0x4  }
0x1f5: {  	v2 =	vmul.f32 v2, v1;
	_ =	sdelay $0x1  }
0x1f6: {  	s6 =	sadd.s32 $0xFFFFFFF3, s16;
	[tilespmem:s19+$0xFFFFFEE0] =	vst v2  }
0x1f7: {  	v3 =	vmov s6;
	v2 =	vld [tilespmem:s20+$0xFFFFFEF0]  }
0x1f8: {  	v50 =	vand.u32 $0x1F8, v3  }
0x1f9: {  	v3 =	vand.u32 $0x6, v3;
	v4 =	vadd.s32 v0, v50  }
0x1fa: {  	v3 =	vor.u32 v3, v4;
	_ =	sdelay $0x1  }
0x1fb: {  	v1 =	vmul.f32 v2, v1;
	_ =	sdelay $0x1  }
0x1fc: {  	[tilespmem:s19+$0xFFFFFEF0] =	vst v1  }
0x1fd: {  	v1 =	vld.idx.msk [tilespmem:v3+s17+$0x0], $0xffff  }
0x1fe: {  	v2 =	vld [tilespmem:s20+$0xFFFFFF00];
	_ =	sdelay $0x4  }
0x1ff: {  	v2 =	vmul.f32 v2, v1;
	_ =	sdelay $0x1  }
0x200: {  	[tilespmem:s19+$0xFFFFFF00] =	vst v2  }
0x201: {  	v2 =	vld [tilespmem:s20+$0xFFFFFF10];
	_ =	sdelay $0x4  }
0x202: {  	v2 =	vmul.f32 v2, v1;
	_ =	sdelay $0x1  }
0x203: {  	[tilespmem:s19+$0xFFFFFF10] =	vst v2  }
0x204: {  	v2 =	vld [tilespmem:s20+$0xFFFFFF20];
	_ =	sdelay $0x4  }
0x205: {  	v2 =	vmul.f32 v2, v1;
	_ =	sdelay $0x1  }
0x206: {  	s6 =	sadd.s32 $0xFFFFFFF4, s16;
	[tilespmem:s19+$0xFFFFFF20] =	vst v2  }
0x207: {  	v3 =	vmov s6;
	v2 =	vld [tilespmem:s20+$0xFFFFFF30]  }
0x208: {  	v51 =	vand.u32 $0x1F8, v3  }
0x209: {  	v3 =	vand.u32 $0x7, v3;
	v4 =	vadd.s32 v0, v51  }
0x20a: {  	v3 =	vor.u32 v3, v4;
	_ =	sdelay $0x1  }
0x20b: {  	v1 =	vmul.f32 v2, v1;
	_ =	sdelay $0x1  }
0x20c: {  	[tilespmem:s19+$0xFFFFFF30] =	vst v1  }
0x20d: {  	v1 =	vld.idx.msk [tilespmem:v3+s17+$0x0], $0xffff  }
0x20e: {  	v2 =	vld [tilespmem:s20+$0xFFFFFF40];
	_ =	sdelay $0x4  }
0x20f: {  	v2 =	vmul.f32 v2, v1;
	_ =	sdelay $0x1  }
0x210: {  	[tilespmem:s19+$0xFFFFFF40] =	vst v2  }
0x211: {  	v2 =	vld [tilespmem:s20+$0xFFFFFF50];
	_ =	sdelay $0x4  }
0x212: {  	v2 =	vmul.f32 v2, v1;
	_ =	sdelay $0x1  }
0x213: {  	[tilespmem:s19+$0xFFFFFF50] =	vst v2  }
0x214: {  	v2 =	vld [tilespmem:s20+$0xFFFFFF60];
	_ =	sdelay $0x4  }
0x215: {  	v2 =	vmul.f32 v2, v1;
	_ =	sdelay $0x1  }
0x216: {  	s6 =	sadd.s32 $0xFFFFFFF5, s16;
	[tilespmem:s19+$0xFFFFFF60] =	vst v2  }
0x217: {  	v3 =	vmov s6;
	v2 =	vld [tilespmem:s20+$0xFFFFFF70]  }
0x218: {  	v52 =	vand.u32 $0x1F8, v3  }
0x219: {  	v3 =	vand.u32 $0x4, v3;
	v4 =	vadd.s32 v0, v52  }
0x21a: {  	v3 =	vor.u32 v3, v4;
	_ =	sdelay $0x1  }
0x21b: {  	v1 =	vmul.f32 v2, v1;
	_ =	sdelay $0x1  }
0x21c: {  	[tilespmem:s19+$0xFFFFFF70] =	vst v1  }
0x21d: {  	v1 =	vld.idx.msk [tilespmem:v3+s17+$0x0], $0xffff  }
0x21e: {  	v2 =	vld [tilespmem:s20+$0xFFFFFF80];
	_ =	sdelay $0x4  }
0x21f: {  	v2 =	vmul.f32 v2, v1;
	_ =	sdelay $0x1  }
0x220: {  	[tilespmem:s19+$0xFFFFFF80] =	vst v2  }
0x221: {  	v2 =	vld [tilespmem:s20+$0xFFFFFF90];
	_ =	sdelay $0x4  }
0x222: {  	v2 =	vmul.f32 v2, v1;
	_ =	sdelay $0x1  }
0x223: {  	[tilespmem:s19+$0xFFFFFF90] =	vst v2  }
0x224: {  	v2 =	vld [tilespmem:s20+$0xFFFFFFA0];
	_ =	sdelay $0x4  }
0x225: {  	v2 =	vmul.f32 v2, v1;
	_ =	sdelay $0x1  }
0x226: {  	s6 =	sadd.s32 $0xFFFFFFF6, s16;
	[tilespmem:s19+$0xFFFFFFA0] =	vst v2  }
0x227: {  	v3 =	vmov s6;
	v2 =	vld [tilespmem:s20+$0xFFFFFFB0]  }
0x228: {  	v53 =	vand.u32 $0x1F8, v3  }
0x229: {  	v3 =	vand.u32 $0x5, v3;
	v4 =	vadd.s32 v0, v53  }
0x22a: {  	v3 =	vor.u32 v3, v4;
	_ =	sdelay $0x1  }
0x22b: {  	v1 =	vmul.f32 v2, v1;
	_ =	sdelay $0x1  }
0x22c: {  	[tilespmem:s19+$0xFFFFFFB0] =	vst v1  }
0x22d: {  	v1 =	vld.idx.msk [tilespmem:v3+s17+$0x0], $0xffff  }
0x22e: {  	v2 =	vld [tilespmem:s20+$0xFFFFFFC0];
	_ =	sdelay $0x4  }
0x22f: {  	v2 =	vmul.f32 v2, v1;
	_ =	sdelay $0x1  }
0x230: {  	[tilespmem:s19+$0xFFFFFFC0] =	vst v2  }
0x231: {  	v2 =	vld [tilespmem:s20+$0xFFFFFFD0];
	_ =	sdelay $0x4  }
0x232: {  	v2 =	vmul.f32 v2, v1;
	_ =	sdelay $0x1  }
0x233: {  	[tilespmem:s19+$0xFFFFFFD0] =	vst v2  }
0x234: {  	v2 =	vld [tilespmem:s20+$0xFFFFFFE0];
	_ =	sdelay $0x4  }
0x235: {  	v2 =	vmul.f32 v2, v1;
	_ =	sdelay $0x1  }
0x236: {  	s6 =	sadd.s32 $0xFFFFFFF7, s16;
	[tilespmem:s19+$0xFFFFFFE0] =	vst v2  }
0x237: {  	v3 =	vmov s6;
	v2 =	vld [tilespmem:s20+$0xFFFFFFF0]  }
0x238: {  	v54 =	vand.u32 $0x1F8, v3  }
0x239: {  	v3 =	vand.u32 $0x6, v3;
	v4 =	vadd.s32 v0, v54  }
0x23a: {  	v3 =	vor.u32 v3, v4;
	_ =	sdelay $0x1  }
0x23b: {  	v1 =	vmul.f32 v2, v1;
	_ =	sdelay $0x1  }
0x23c: {  	[tilespmem:s19+$0xFFFFFFF0] =	vst v1  }
0x23d: {  	v1 =	vld.idx.msk [tilespmem:v3+s17+$0x0], $0xffff  }
0x23e: {  	v2 =	vld [tilespmem:s20+$0x0];
	_ =	sdelay $0x4  }
0x23f: {  	v2 =	vmul.f32 v2, v1;
	_ =	sdelay $0x1  }
0x240: {  	[tilespmem:s19+$0x0] =	vst v2  }
0x241: {  	v2 =	vld [tilespmem:s20+$0x10];
	_ =	sdelay $0x4  }
0x242: {  	v2 =	vmul.f32 v2, v1;
	_ =	sdelay $0x1  }
0x243: {  	[tilespmem:s19+$0x10] =	vst v2  }
0x244: {  	v2 =	vld [tilespmem:s20+$0x20];
	_ =	sdelay $0x4  }
0x245: {  	v2 =	vmul.f32 v2, v1;
	_ =	sdelay $0x1  }
0x246: {  	s6 =	sadd.s32 $0xFFFFFFF8, s16;
	[tilespmem:s19+$0x20] =	vst v2  }
0x247: {  	v3 =	vmov s6;
	v2 =	vld [tilespmem:s20+$0x30]  }
0x248: {  	v55 =	vand.u32 $0x1F8, v3  }
0x249: {  	v3 =	vand.u32 $0x7, v3;
	v4 =	vadd.s32 v0, v55  }
0x24a: {  	v3 =	vor.u32 v3, v4;
	_ =	sdelay $0x1  }
0x24b: {  	v1 =	vmul.f32 v2, v1;
	_ =	sdelay $0x1  }
0x24c: {  	[tilespmem:s19+$0x30] =	vst v1  }
0x24d: {  	v1 =	vld.idx.msk [tilespmem:v3+s17+$0x0], $0xffff  }
0x24e: {  	v2 =	vld [tilespmem:s20+$0x40];
	_ =	sdelay $0x4  }
0x24f: {  	v2 =	vmul.f32 v2, v1;
	_ =	sdelay $0x1  }
0x250: {  	[tilespmem:s19+$0x40] =	vst v2  }
0x251: {  	v2 =	vld [tilespmem:s20+$0x50];
	_ =	sdelay $0x4  }
0x252: {  	v2 =	vmul.f32 v2, v1;
	_ =	sdelay $0x1  }
0x253: {  	[tilespmem:s19+$0x50] =	vst v2  }
0x254: {  	v2 =	vld [tilespmem:s20+$0x60];
	_ =	sdelay $0x4  }
0x255: {  	v2 =	vmul.f32 v2, v1;
	_ =	sdelay $0x1  }
0x256: {  	s6 =	sadd.s32 $0xFFFFFFF9, s16;
	[tilespmem:s19+$0x60] =	vst v2  }
0x257: {  	v3 =	vmov s6;
	v2 =	vld [tilespmem:s20+$0x70]  }
0x258: {  	v56 =	vand.u32 $0x1F8, v3  }
0x259: {  	v3 =	vand.u32 $0x4, v3;
	v4 =	vadd.s32 v0, v56  }
0x25a: {  	v3 =	vor.u32 v3, v4;
	_ =	sdelay $0x1  }
0x25b: {  	v1 =	vmul.f32 v2, v1;
	_ =	sdelay $0x1  }
0x25c: {  	[tilespmem:s19+$0x70] =	vst v1  }
0x25d: {  	v1 =	vld.idx.msk [tilespmem:v3+s17+$0x0], $0xffff  }
0x25e: {  	v2 =	vld [tilespmem:s20+$0x80];
	_ =	sdelay $0x4  }
0x25f: {  	v2 =	vmul.f32 v2, v1;
	_ =	sdelay $0x1  }
0x260: {  	[tilespmem:s19+$0x80] =	vst v2  }
0x261: {  	v2 =	vld [tilespmem:s20+$0x90];
	_ =	sdelay $0x4  }
0x262: {  	v2 =	vmul.f32 v2, v1;
	_ =	sdelay $0x1  }
0x263: {  	[tilespmem:s19+$0x90] =	vst v2  }
0x264: {  	v2 =	vld [tilespmem:s20+$0xA0];
	_ =	sdelay $0x4  }
0x265: {  	v2 =	vmul.f32 v2, v1;
	_ =	sdelay $0x1  }
0x266: {  	s6 =	sadd.s32 $0xFFFFFFFA, s16;
	[tilespmem:s19+$0xA0] =	vst v2  }
0x267: {  	v3 =	vmov s6;
	v2 =	vld [tilespmem:s20+$0xB0]  }
0x268: {  	v57 =	vand.u32 $0x1F8, v3  }
0x269: {  	v3 =	vand.u32 $0x5, v3;
	v4 =	vadd.s32 v0, v57  }
0x26a: {  	v3 =	vor.u32 v3, v4;
	_ =	sdelay $0x1  }
0x26b: {  	v1 =	vmul.f32 v2, v1;
	_ =	sdelay $0x1  }
0x26c: {  	[tilespmem:s19+$0xB0] =	vst v1  }
0x26d: {  	v1 =	vld.idx.msk [tilespmem:v3+s17+$0x0], $0xffff  }
0x26e: {  	v2 =	vld [tilespmem:s20+$0xC0];
	_ =	sdelay $0x4  }
0x26f: {  	v2 =	vmul.f32 v2, v1;
	_ =	sdelay $0x1  }
0x270: {  	[tilespmem:s19+$0xC0] =	vst v2  }
0x271: {  	v2 =	vld [tilespmem:s20+$0xD0];
	_ =	sdelay $0x4  }
0x272: {  	v2 =	vmul.f32 v2, v1;
	_ =	sdelay $0x1  }
0x273: {  	[tilespmem:s19+$0xD0] =	vst v2  }
0x274: {  	v2 =	vld [tilespmem:s20+$0xE0];
	_ =	sdelay $0x4  }
0x275: {  	v2 =	vmul.f32 v2, v1;
	_ =	sdelay $0x1  }
0x276: {  	s6 =	sadd.s32 $0xFFFFFFFB, s16;
	[tilespmem:s19+$0xE0] =	vst v2  }
0x277: {  	v3 =	vmov s6;
	v2 =	vld [tilespmem:s20+$0xF0]  }
0x278: {  	v58 =	vand.u32 $0x1F8, v3  }
0x279: {  	v3 =	vand.u32 $0x6, v3;
	v4 =	vadd.s32 v0, v58  }
0x27a: {  	v3 =	vor.u32 v3, v4;
	_ =	sdelay $0x1  }
0x27b: {  	v1 =	vmul.f32 v2, v1;
	_ =	sdelay $0x1  }
0x27c: {  	[tilespmem:s19+$0xF0] =	vst v1  }
0x27d: {  	v1 =	vld.idx.msk [tilespmem:v3+s17+$0x0], $0xffff  }
0x27e: {  	v2 =	vld [tilespmem:s20+$0x100];
	_ =	sdelay $0x4  }
0x27f: {  	v2 =	vmul.f32 v2, v1;
	_ =	sdelay $0x1  }
0x280: {  	[tilespmem:s19+$0x100] =	vst v2  }
0x281: {  	v2 =	vld [tilespmem:s20+$0x110];
	_ =	sdelay $0x4  }
0x282: {  	v2 =	vmul.f32 v2, v1;
	_ =	sdelay $0x1  }
0x283: {  	[tilespmem:s19+$0x110] =	vst v2  }
0x284: {  	v2 =	vld [tilespmem:s20+$0x120];
	_ =	sdelay $0x4  }
0x285: {  	v2 =	vmul.f32 v2, v1;
	_ =	sdelay $0x1  }
0x286: {  	s6 =	sadd.s32 $0xFFFFFFFC, s16;
	[tilespmem:s19+$0x120] =	vst v2  }
0x287: {  	v3 =	vmov s6;
	v2 =	vld [tilespmem:s20+$0x130]  }
0x288: {  	v59 =	vand.u32 $0x1F8, v3  }
0x289: {  	v3 =	vand.u32 $0x7, v3;
	v4 =	vadd.s32 v0, v59  }
0x28a: {  	v3 =	vor.u32 v3, v4;
	_ =	sdelay $0x1  }
0x28b: {  	v1 =	vmul.f32 v2, v1;
	_ =	sdelay $0x1  }
0x28c: {  	[tilespmem:s19+$0x130] =	vst v1  }
0x28d: {  	v1 =	vld.idx.msk [tilespmem:v3+s17+$0x0], $0xffff  }
0x28e: {  	v2 =	vld [tilespmem:s20+$0x140];
	_ =	sdelay $0x4  }
0x28f: {  	v2 =	vmul.f32 v2, v1;
	_ =	sdelay $0x1  }
0x290: {  	[tilespmem:s19+$0x140] =	vst v2  }
0x291: {  	v2 =	vld [tilespmem:s20+$0x150];
	_ =	sdelay $0x4  }
0x292: {  	v2 =	vmul.f32 v2, v1;
	_ =	sdelay $0x1  }
0x293: {  	[tilespmem:s19+$0x150] =	vst v2  }
0x294: {  	v2 =	vld [tilespmem:s20+$0x160];
	_ =	sdelay $0x4  }
0x295: {  	v2 =	vmul.f32 v2, v1;
	_ =	sdelay $0x1  }
0x296: {  	s6 =	sadd.s32 $0xFFFFFFFD, s16;
	[tilespmem:s19+$0x160] =	vst v2  }
0x297: {  	v3 =	vmov s6;
	v2 =	vld [tilespmem:s20+$0x170]  }
0x298: {  	v60 =	vand.u32 $0x1F8, v3  }
0x299: {  	v3 =	vand.u32 $0x4, v3;
	v4 =	vadd.s32 v0, v60  }
0x29a: {  	v3 =	vor.u32 v3, v4;
	_ =	sdelay $0x1  }
0x29b: {  	v1 =	vmul.f32 v2, v1;
	_ =	sdelay $0x1  }
0x29c: {  	[tilespmem:s19+$0x170] =	vst v1  }
0x29d: {  	v1 =	vld.idx.msk [tilespmem:v3+s17+$0x0], $0xffff  }
0x29e: {  	v2 =	vld [tilespmem:s20+$0x180];
	_ =	sdelay $0x4  }
0x29f: {  	v2 =	vmul.f32 v2, v1;
	_ =	sdelay $0x1  }
0x2a0: {  	[tilespmem:s19+$0x180] =	vst v2  }
0x2a1: {  	v2 =	vld [tilespmem:s20+$0x190];
	_ =	sdelay $0x4  }
0x2a2: {  	v2 =	vmul.f32 v2, v1;
	_ =	sdelay $0x1  }
0x2a3: {  	[tilespmem:s19+$0x190] =	vst v2  }
0x2a4: {  	v2 =	vld [tilespmem:s20+$0x1A0];
	_ =	sdelay $0x4  }
0x2a5: {  	v2 =	vmul.f32 v2, v1;
	_ =	sdelay $0x1  }
0x2a6: {  	s6 =	sadd.s32 $0xFFFFFFFE, s16;
	[tilespmem:s19+$0x1A0] =	vst v2  }
0x2a7: {  	v3 =	vmov s6;
	v2 =	vld [tilespmem:s20+$0x1B0]  }
0x2a8: {  	v61 =	vand.u32 $0x1F8, v3  }
0x2a9: {  	v3 =	vand.u32 $0x5, v3;
	v4 =	vadd.s32 v0, v61  }
0x2aa: {  	v3 =	vor.u32 v3, v4;
	_ =	sdelay $0x1  }
0x2ab: {  	v1 =	vmul.f32 v2, v1;
	_ =	sdelay $0x1  }
0x2ac: {  	[tilespmem:s19+$0x1B0] =	vst v1  }
0x2ad: {  	v1 =	vld.idx.msk [tilespmem:v3+s17+$0x0], $0xffff  }
0x2ae: {  	v2 =	vld [tilespmem:s20+$0x1C0];
	_ =	sdelay $0x4  }
0x2af: {  	v2 =	vmul.f32 v2, v1;
	_ =	sdelay $0x1  }
0x2b0: {  	[tilespmem:s19+$0x1C0] =	vst v2  }
0x2b1: {  	v2 =	vld [tilespmem:s20+$0x1D0];
	_ =	sdelay $0x4  }
0x2b2: {  	v2 =	vmul.f32 v2, v1;
	_ =	sdelay $0x1  }
0x2b3: {  	[tilespmem:s19+$0x1D0] =	vst v2  }
0x2b4: {  	v2 =	vld [tilespmem:s20+$0x1E0];
	_ =	sdelay $0x4  }
0x2b5: {  	v2 =	vmul.f32 v2, v1;
	_ =	sdelay $0x1  }
0x2b6: {  	s6 =	sadd.s32 $0xFFFFFFFF, s16;
	[tilespmem:s19+$0x1E0] =	vst v2  }
0x2b7: {  	v3 =	vmov s6;
	v2 =	vld [tilespmem:s20+$0x1F0]  }
0x2b8: {  	v62 =	vand.u32 $0x1F8, v3  }
0x2b9: {  	v3 =	vand.u32 $0x6, v3;
	v4 =	vadd.s32 v0, v62  }
0x2ba: {  	v3 =	vor.u32 v3, v4;
	_ =	sdelay $0x1  }
0x2bb: {  	v1 =	vmul.f32 v2, v1;
	_ =	sdelay $0x1  }
0x2bc: {  	[tilespmem:s19+$0x1F0] =	vst v1  }
0x2bd: {  	v1 =	vld.idx.msk [tilespmem:v3+s17+$0x0], $0xffff  }
0x2be: {  	v2 =	vld [tilespmem:s20+$0x200];
	_ =	sdelay $0x4  }
0x2bf: {  	v2 =	vmul.f32 v2, v1;
	_ =	sdelay $0x1  }
0x2c0: {  	[tilespmem:s19+$0x200] =	vst v2  }
0x2c1: {  	v2 =	vld [tilespmem:s20+$0x210];
	_ =	sdelay $0x4  }
0x2c2: {  	v2 =	vmul.f32 v2, v1;
	_ =	sdelay $0x1  }
0x2c3: {  	[tilespmem:s19+$0x210] =	vst v2  }
0x2c4: {  	v2 =	vld [tilespmem:s20+$0x220];
	_ =	sdelay $0x4  }
0x2c5: {  	v2 =	vmul.f32 v2, v1;
	_ =	sdelay $0x1  }
0x2c6: {  	[tilespmem:s19+$0x220] =	vst v2  }
0x2c7: {  	v3 =	vmov s16;
	v2 =	vld [tilespmem:s20+$0x230]  }
0x2c8: {  	v63 =	vand.u32 $0x1F8, v3  }
0x2c9: {  	v3 =	vand.u32 $0x7, v3;
	v4 =	vadd.s32 v0, v63  }
0x2ca: {  	v3 =	vor.u32 v3, v4;
	_ =	sdelay $0x1  }
0x2cb: {  	v1 =	vmul.f32 v2, v1;
	_ =	sdelay $0x1  }
0x2cc: {  	[tilespmem:s19+$0x230] =	vst v1  }
0x2cd: {  	v1 =	vld.idx.msk [tilespmem:v3+s17+$0x0], $0xffff  }
0x2ce: {  	v2 =	vld [tilespmem:s20+$0x240];
	_ =	sdelay $0x4  }
0x2cf: {  	v2 =	vmul.f32 v2, v1;
	_ =	sdelay $0x1  }
0x2d0: {  	[tilespmem:s19+$0x240] =	vst v2  }
0x2d1: {  	v2 =	vld [tilespmem:s20+$0x250];
	_ =	sdelay $0x4  }
0x2d2: {  	v2 =	vmul.f32 v2, v1;
	_ =	sdelay $0x1  }
0x2d3: {  	[tilespmem:s19+$0x250] =	vst v2  }
0x2d4: {  	v2 =	vld [tilespmem:s20+$0x260];
	_ =	sdelay $0x4  }
0x2d5: {  	v2 =	vmul.f32 v2, v1;
	_ =	sdelay $0x1  }
0x2d6: {  	[tilespmem:s19+$0x260] =	vst v2  }
0x2d7: {  	v2 =	vld [tilespmem:s20+$0x270];
	_ =	sdelay $0x1  }
0x2d8: {  	p1 =	sne.s32 s16, $0x63  }
.Ltmp3:
0x2d9: {  	_ = 	snop;
	(pc) =	sbr.rel @p1 .LBB2_5-.Ltmp3, $3  }
0x2da: {  	_ = 	snop  }
0x2db: {  	v1 =	vmul.f32 v2, v1;
	_ =	sdelay $0x1  }
0x2dc: {  	s16 =	sadd.s32 $0x14, s16;
	s20 =	sadd.s32 $0x500, s20;
	[tilespmem:s19+$0x270] =	vst v1;
	s19 =	sadd.s32 $0x500, s19  }
.Ltmp4:
0x2dd: {  	(pc) =	sbr.rel @p2 .LBB2_8-.Ltmp4, $3  }
0x2de: {  	_ = 	snop  }
0x2df: {  	s0 =	smul.u32 $0x1A0, s0;
	_ =	sdelay $0x1  }
0x2e0: {  	s0 =	sshra.s32 s0, $0x2  }
.Ltmp5:
0x2e1: {  	(pc) =	sbr.rel .LBB2_2-.Ltmp5, $4  }
0x2e2: {  	s1 =	sadd.s32 $0x138, s1  }
0x2e3: {  	[tilespmem:s21], [sflag:$0x2] =	stream.indirect.gather [hbm4b:s4+s18], $0x40, s1, s18, $0xb8;
	[tilespmem:$0x17A20] =	vst v63  }
0x2e4: {  	s0 =	sadd.s32 $0x28A0, s0;
	s31 =	sadd.s32 $0x1, s31  }
0x2e5: {  	[spmem:s2] =	stream.indirect.scatter.add.f32 [tilespmem:s26], [sflag:$0x4], $0x40, s0, s18, $0xb8;
	[tilespmem:$0x17A20] =	vst v63  }
.LBB2_9:
0x2e6: {  	_ =	sfence.sel $0x180000  }
0x2e7: {  	[bflag:$0x0] =	sbarrier.arrive $0xFFFF  }
0x2e8: {  	_ =	strace $0x90000047  }
0x2e9: {  	s0 =	stileid.u32;
	[bflag:$0x2] =	sbarrier.arrive $0xFFFF  }
0x2ea: {  	p0 =	sne.s32 s0, $0x0;
	s0 =	rddreg [dreg:$0x3]  }
0x2eb: {  	s0 =	sadd.s32 @!p0 $0x100000, s0  }
0x2ec: {  	[sflag:s0] =	ssyncadd.tile.s32 @!p0 $0x1;
	_ =	shalt  }
.Lfunc_end2:
_tile_overlayer_lowered:
.L_overlay_start_2:
0x2ed: {  	(tag) =	ssettag $0x2  }
0x2ee: {  	s0 =	rddreg [dreg:$0x0];
	s2 =	stileid.u32  }
0x2ef: {  	s1 =	rddreg [dreg:$0x1];
	p0 =	sne.s32 s2, $0x0  }
0x2f0: {  	s3 =	rddreg [dreg:$0x2];
	[bflag:$0x3] =	sbarrier.arrive $0xFFFF;
	s2 =	simm.s32 @!p0 $0x1C05  }
0x2f1: {  	[timem:s3], [sflag:s2] =	dma.local @!p0 [hbm:s0], s1  }
0x2f2: {  	s0 =	simm.s32 @!p0 $0x5  }
0x2f3: {  	_ =	swait.ge @!p0 [sflag:s0], s1  }
0x2f4: {  	s1 =	ssub.s32 @!p0 $0x0, s1;
	[sflag:s0] =	ssyncset.done @!p0 $0x0  }
0x2f5: {  	[sflag:s0] =	ssyncadd.s32 @!p0 s1  }
0x2f6: {  	[bflag:$0x3] =	sbarrier.arrive $0xFFFF  }
0x2f7: {  	_ =	shalt  }

</sc_bundles>
